<compile_context>
chip_gen: v7x
topology: tpu7x:2x2x1
jax: 0.10.2.dev20260603
libtpu: 0.0.44.dev20260713+nightly
codegen_flags: <defaults>
</compile_context>

<pallas_src>
import dataclasses
import functools

import jax
import jax.numpy as jnp
from jax import lax
from jax.experimental import pallas as pl
from jax.experimental.pallas import tpu as pltpu
from jax.experimental.pallas import tpu_sc as plsc

_N = 10000
_E = 320000
_D = 128
_G = 64
_C = 8

_NC = 2
_NS = 16
_L = 16

_K = 128
_CH = 80
_EPAD = _NC * _NS * _CH * _K
_NPAD = 10112
_RPS = _NPAD // _NS
_HLF = 2
_CHHX = _CH // _HLF

_NBLK = 10
_BR = _N // _NBLK

_RING = 2


def _sc_mesh():
    return plsc.VectorSubcoreMesh(
        core_axis_name="c", subcore_axis_name="s",
        num_cores=_NC, num_subcores=_NS)


_HR = 80


def _sc_degree(dst3, iota_rows, zero_rows):

    @functools.partial(
        pl.kernel,
        out_type=jax.ShapeDtypeStruct((_NC * _HR, _K), jnp.float32),
        mesh=_sc_mesh(),
        compiler_params=dataclasses.replace(pltpu.CompilerParams(),
                                            needs_layout_passes=False),
        scratch_types=[
            pltpu.VMEM((_HLF * _CHHX, _K), jnp.int32),
            pltpu.VMEM((_HR, _K), jnp.float32),
            pltpu.VMEM((1, _HR), jnp.int32),
            pltpu.VMEM_SHARED((_HR, _K), jnp.float32),
            pltpu.SemaphoreType.DMA,
        ],
    )
    def deg_kernel(dst_hbm, iota_hbm, zero_hbm, out_hbm,
                   dstv, histv, iotav, accsh, sem):
        c = lax.axis_index("c")
        s = lax.axis_index("s")
        w = c * _NS + s
        pltpu.sync_copy(zero_hbm, histv)
        pltpu.sync_copy(iota_hbm, iotav)
        for half in range(_HLF):
            pltpu.sync_copy(dst_hbm.at[w * _HLF + half],
                            dstv.at[pl.ds(half * _CHHX, _CHHX)])

        @pl.when(s < _HR // 8)
        def _():
            pltpu.sync_copy(zero_hbm.at[pl.ds(s * 8, 8)],
                            accsh.at[pl.ds(s * 8, 8)])

        ones = jnp.ones((_L,), jnp.float32)

        @pl.loop(0, _HLF * _CHHX)
        def _(j):
            @pl.loop(0, _K // _L)
            def _(t):
                idx = dstv[j, pl.ds(t * _L, _L)]
                plsc.addupdate_scatter(histv, [idx >> 7, idx & 127], ones)

        plsc.subcore_barrier()
        pltpu.sync_copy(histv, accsh.at[iotav.at[0]], add=True)
        plsc.subcore_barrier()

        @pl.when(s < _HR // 8)
        def _():
            pltpu.sync_copy(accsh.at[pl.ds(s * 8, 8)],
                            out_hbm.at[pl.ds(c * _HR + s * 8, 8)])

    return deg_kernel(dst3, iota_rows, zero_rows)


def _sc_aggregate(h, src3, dst3, zero_rows):

    @functools.partial(
        pl.kernel,
        out_type=jax.ShapeDtypeStruct((_NC * _NPAD, _D), jnp.float32),
        mesh=_sc_mesh(),
        scratch_types=[
            pltpu.VMEM((_CHHX, _K), jnp.int32),
            pltpu.VMEM((_CHHX, _K), jnp.int32),
            pltpu.VMEM((_K, _D), jnp.float32),
            pltpu.VMEM((_K, _D), jnp.float32),
            pltpu.SemaphoreType.DMA,
            pltpu.SemaphoreType.DMA,
            pltpu.SemaphoreType.DMA,
            pltpu.SemaphoreType.DMA,
            pltpu.VMEM_SHARED((_NPAD, _D), jnp.float32),
        ],
    )
    def agg_kernel(h_hbm, src_hbm, dst_hbm, zero_hbm, out_hbm,
                   srcv, dstv, rb0, rb1, sm0, sm1, ss0, ss1, accsh):
        rowbufs = (rb0, rb1)
        gsems = (sm0, sm1)
        ssems = (ss0, ss1)
        c = lax.axis_index("c")
        s = lax.axis_index("s")
        w = c * _NS + s
        pltpu.sync_copy(zero_hbm, accsh.at[pl.ds(s * _RPS, _RPS)])
        plsc.subcore_barrier()

        def wait_g(r):
            pltpu.make_async_copy(h_hbm.at[srcv.at[0]], rowbufs[r],
                                  gsems[r]).wait()

        def wait_s(r):
            pltpu.make_async_copy(rowbufs[r], accsh.at[dstv.at[0]],
                                  ssems[r]).wait()

        def run_edges(n_half):
            for half in range(_HLF):
                pltpu.sync_copy(src_hbm.at[w * _HLF + half], srcv)
                pltpu.sync_copy(dst_hbm.at[w * _HLF + half], dstv)
                for r in range(_RING):
                    pltpu.async_copy(h_hbm.at[srcv.at[r]], rowbufs[r],
                                     gsems[r])

                @pl.loop(0, n_half - _RING, step=_RING)
                def _(j):
                    for r in range(_RING):
                        wait_g(r)
                        pltpu.async_copy(rowbufs[r], accsh.at[dstv.at[j + r]],
                                         ssems[r], add=True)
                    for r in range(_RING):
                        wait_s(r)
                        pltpu.async_copy(h_hbm.at[srcv.at[j + _RING + r]],
                                         rowbufs[r], gsems[r])

                for r in range(_RING):
                    wait_g(r)
                    pltpu.async_copy(rowbufs[r],
                                     accsh.at[dstv.at[n_half - _RING + r]],
                                     ssems[r], add=True)
                for r in range(_RING):
                    wait_s(r)

        run_edges(_CHHX)

        plsc.subcore_barrier()
        pltpu.sync_copy(accsh.at[pl.ds(s * _RPS, _RPS)],
                        out_hbm.at[pl.ds(c * _NPAD + s * _RPS, _RPS)])

    return agg_kernel(h, src3, dst3, zero_rows)


def _dis_from(degA, degB):
    deg = degA[0, :, :1] + degB[0, :, :1] + 1.0
    return lax.rsqrt(deg)


def _tc_scale_matmul(x, W1, deg2):

    def body(x_ref, w_ref, dA_ref, dB_ref, o_ref):
        dis = _dis_from(dA_ref[...], dB_ref[...])
        h = jnp.dot(x_ref[...], w_ref[...], preferred_element_type=jnp.float32)
        o_ref[...] = h * dis

    return pl.pallas_call(
        body,
        grid=(_NBLK,),
        in_specs=[
            pl.BlockSpec((_BR, _D), lambda i: (i, 0)),
            pl.BlockSpec((_D, _D), lambda i: (0, 0)),
            pl.BlockSpec((1, _BR, 1), lambda i: (0, i, 0)),
            pl.BlockSpec((1, _BR, 1), lambda i: (1, i, 0)),
        ],
        out_specs=pl.BlockSpec((_BR, _D), lambda i: (i, 0)),
        out_shape=jax.ShapeDtypeStruct((_N, _D), jnp.float32),
    )(x, W1, deg2, deg2)


def _tc_mid_layer(acc1, h1p, deg2, b1, W2):

    def body(aA_ref, aB_ref, h_ref, dA_ref, dB_ref, b_ref, w_ref, o_ref):
        dis = _dis_from(dA_ref[...], dB_ref[...])
        pre = (aA_ref[0] + aB_ref[0] + h_ref[...]) * dis + b_ref[...]
        x2 = jnp.maximum(pre, 0.0)
        o_ref[...] = jnp.dot(x2, w_ref[...],
                             preferred_element_type=jnp.float32) * dis

    return pl.pallas_call(
        body,
        grid=(_NBLK,),
        in_specs=[
            pl.BlockSpec((1, _BR, _D), lambda i: (0, i, 0)),
            pl.BlockSpec((1, _BR, _D), lambda i: (1, i, 0)),
            pl.BlockSpec((_BR, _D), lambda i: (i, 0)),
            pl.BlockSpec((1, _BR, 1), lambda i: (0, i, 0)),
            pl.BlockSpec((1, _BR, 1), lambda i: (1, i, 0)),
            pl.BlockSpec((1, _D), lambda i: (0, 0)),
            pl.BlockSpec((_D, _D), lambda i: (0, 0)),
        ],
        out_specs=pl.BlockSpec((_BR, _D), lambda i: (i, 0)),
        out_shape=jax.ShapeDtypeStruct((_N, _D), jnp.float32),
    )(acc1, acc1, h1p, deg2, deg2, b1, W2)


def _tc_head(acc2, h2p, deg2, b2, batch_col, f1W, f1b, f2W, f2b):

    def body(aA_ref, aB_ref, hp_ref, dA_ref, dB_ref, bb_ref,
             b_ref, w1_ref, b1_ref, w2_ref, b2_ref, o_ref, h2s_ref, gf_ref):
        dis = _dis_from(dA_ref[...], dB_ref[...])
        h2 = (aA_ref[0] + aB_ref[0] + hp_ref[...]) * dis + bb_ref[...]
        h2s_ref[...] = jnp.maximum(h2, 0.0)

        def seg(g, carry):
            m = jnp.where(b_ref[...] == g, h2s_ref[...], -jnp.inf)
            gf_ref[pl.ds(g, 1), :] = jnp.max(m, axis=0, keepdims=True)
            return carry

        lax.fori_loop(0, _G, seg, 0)
        gf = gf_ref[...]
        z1 = jnp.dot(gf, w1_ref[...], preferred_element_type=jnp.float32)
        z1 = jnp.maximum(z1 + b1_ref[...], 0.0)
        z2 = jnp.dot(z1, w2_ref[...], preferred_element_type=jnp.float32)
        z2 = z2 + b2_ref[...]
        zmax = jnp.max(z2, axis=1, keepdims=True)
        lse = jnp.log(jnp.sum(jnp.exp(z2 - zmax), axis=1, keepdims=True)) + zmax
        o_ref[...] = z2 - lse

    return pl.pallas_call(
        body,
        grid=(1,),
        in_specs=[
            pl.BlockSpec((1, _N, _D), lambda i: (0, 0, 0)),
            pl.BlockSpec((1, _N, _D), lambda i: (1, 0, 0)),
            pl.BlockSpec((_N, _D), lambda i: (0, 0)),
            pl.BlockSpec((1, _N, 1), lambda i: (0, 0, 0)),
            pl.BlockSpec((1, _N, 1), lambda i: (1, 0, 0)),
            pl.BlockSpec((1, _D), lambda i: (0, 0)),
            pl.BlockSpec((_N, 1), lambda i: (0, 0)),
            pl.BlockSpec((_D, _D), lambda i: (0, 0)),
            pl.BlockSpec((1, _D), lambda i: (0, 0)),
            pl.BlockSpec((_D, _D), lambda i: (0, 0)),
            pl.BlockSpec((1, _D), lambda i: (0, 0)),
        ],
        out_specs=pl.BlockSpec((_G, _D), lambda i: (0, 0)),
        scratch_shapes=[pltpu.VMEM((_N, _D), jnp.float32),
                        pltpu.VMEM((_G, _D), jnp.float32)],
        out_shape=jax.ShapeDtypeStruct((_G, _D), jnp.float32),
    )(acc2, acc2, h2p, deg2, deg2, b2, batch_col, f1W, f1b, f2W, f2b)


def kernel(x, edge_index, batch, W1, b1, W2, b2, fc1_W, fc1_b, fc2_W, fc2_b):
    src = edge_index[0].astype(jnp.int32)
    dst = edge_index[1].astype(jnp.int32)
    npad = _EPAD - _E
    src3 = jnp.concatenate(
        [src, jnp.zeros((npad,), jnp.int32)]).reshape(
            _NC * _NS * _HLF, _CHHX, _K)
    dst3 = jnp.concatenate(
        [dst, jnp.full((npad,), _N, jnp.int32)]).reshape(
            _NC * _NS * _HLF, _CHHX, _K)

    zero_hist = jnp.zeros((_HR, _K), jnp.float32)
    zero_rows = jnp.zeros((_RPS, _D), jnp.float32)
    iota_rows = jnp.arange(_HR, dtype=jnp.int32).reshape(1, _HR)

    deg2 = _sc_degree(dst3, iota_rows, zero_hist).reshape(_NC, _HR * _K, 1)

    h1p = _tc_scale_matmul(x, W1, deg2)
    acc1 = _sc_aggregate(h1p, src3, dst3, zero_rows).reshape(_NC, _NPAD, _D)
    h2p = _tc_mid_layer(acc1, h1p, deg2, b1.reshape(1, _D), W2)
    acc2 = _sc_aggregate(h2p, src3, dst3, zero_rows).reshape(_NC, _NPAD, _D)

    f1W = jnp.pad(fc1_W, ((0, 0), (0, _D - fc1_W.shape[1])))
    f1b = jnp.pad(fc1_b, (0, _D - fc1_b.shape[0])).reshape(1, _D)
    f2W = jnp.pad(fc2_W, ((0, _D - fc2_W.shape[0]), (0, _D - fc2_W.shape[1])))
    f2b = jnp.pad(fc2_b, (0, _D - fc2_b.shape[0]),
                  constant_values=-1e30).reshape(1, _D)

    out = _tc_head(acc2, h2p, deg2, b2.reshape(1, _D),
                   batch.astype(jnp.int32).reshape(_N, 1),
                   f1W, f1b, f2W, f2b)
    return out[:, :_C]

# --- scband reference (transcript-rebuilt; emitter-appended) ---
"""Pipeline reference for scband-gcn-4741643894901 (READ-ONLY COPY).

The authoritative reference and input builder live on the scoring server;
editing this copy changes nothing except your own understanding.
"""

import jax, jax.numpy as jnp
import numpy as np

N = 10000
E = 320000
D = 128
H = 128
C = 8
G = 64


def setup_inputs(seed: int = 0) -> dict:
    key = jax.random.key(seed)
    ks = jax.random.split(key, 12)
    x = jax.random.normal(ks[0], (N, D), dtype=jnp.float32)
    edge_index = jax.random.randint(ks[1], (2, E), 0, N, dtype=jnp.int32)
    batch = jnp.sort(jax.random.randint(ks[2], (N,), 0, G, dtype=jnp.int32))
    W1 = jax.random.normal(ks[3], (D, H), dtype=jnp.float32) * 0.05
    b1 = jnp.zeros((H,), dtype=jnp.float32)
    W2 = jax.random.normal(ks[4], (H, H), dtype=jnp.float32) * 0.05
    b2 = jnp.zeros((H,), dtype=jnp.float32)
    fc1_W = jax.random.normal(ks[5], (H, H // 2), dtype=jnp.float32) * 0.05
    fc1_b = jnp.zeros((H // 2,), dtype=jnp.float32)
    fc2_W = jax.random.normal(ks[6], (H // 2, C), dtype=jnp.float32) * 0.05
    fc2_b = jnp.zeros((C,), dtype=jnp.float32)
    return {"x": x, "edge_index": edge_index, "batch": batch,
            "W1": W1, "b1": b1, "W2": W2, "b2": b2,
            "fc1_W": fc1_W, "fc1_b": fc1_b, "fc2_W": fc2_W, "fc2_b": fc2_b}


def gcn_conv(x, edge_index, W, b):
    # Faithful GCNConv: h = D^{-1/2} (A + I) D^{-1/2} X W + b
    n = x.shape[0]
    h = x @ W
    src = edge_index[0]
    dst = edge_index[1]
    loop = jnp.arange(n, dtype=src.dtype)
    src = jnp.concatenate([src, loop])
    dst = jnp.concatenate([dst, loop])
    deg = jax.ops.segment_sum(jnp.ones(dst.shape[0], dtype=h.dtype), dst, num_segments=n)
    deg_inv_sqrt = jnp.where(deg > 0, deg ** -0.5, 0.0)
    norm = deg_inv_sqrt[src] * deg_inv_sqrt[dst]
    msg = h[src] * norm[:, None]
    out = jax.ops.segment_sum(msg, dst, num_segments=n)
    return out + b


def reference(x, edge_index, batch, W1, b1, W2, b2, fc1_W, fc1_b, fc2_W, fc2_b):
    # eval mode: edge dropout and feature dropout are identity
    h = jax.nn.relu(gcn_conv(x, edge_index, W1, b1))
    h = jax.nn.relu(gcn_conv(h, edge_index, W2, b2))
    g = jax.ops.segment_max(h, batch, num_segments=G)
    g = jax.nn.relu(g @ fc1_W + fc1_b)
    out = g @ fc2_W + fc2_b
    return jax.nn.log_softmax(out, axis=1)

if __name__ == "__main__":
    import jax
    _d = setup_inputs()
    print(jax.jit(kernel)(*tuple(_d.values())))

</pallas_src>

<mosaic_0001>
#map = affine_map<(d0, d1) -> (0, 0, 0)>
#map1 = affine_map<(d0, d1) -> (0, 0)>
module attributes {stable_mosaic.version = 14 : i64} {
  func.func @deg_kernel(%arg0: i32, %arg1: i32, %arg2: memref<64x40x128xi32, #tpu.memory_space<hbm>>, %arg3: memref<1x80xi32, #tpu.memory_space<hbm>>, %arg4: memref<80x128xf32, #tpu.memory_space<hbm>>, %arg5: memref<160x128xf32, #tpu.memory_space<hbm>>, %arg6: memref<80x128xi32, #tpu.memory_space<vmem>>, %arg7: memref<80x128xf32, #tpu.memory_space<vmem>>, %arg8: memref<1x80xi32, #tpu.memory_space<vmem>>, %arg9: memref<80x128xf32, #tpu.memory_space<vmem_shared>>, %arg10: memref<!tpu.dma_semaphore, #tpu.memory_space<semaphore_mem>>) attributes {dimension_semantics = [#tpu.dimension_semantics<core_parallel>, #tpu.dimension_semantics<subcore_parallel>], iteration_bounds = array<i64: 2, 16>, scalar_prefetch = 0 : i64, scratch_operands = 5 : i64, tpu.core_type = #tpu.core_type<sc_vector_subcore>, window_params = [{transform_indices = #map}, {transform_indices = #map1}, {transform_indices = #map1}, {transform_indices = #map1}]} {
    %mul3A = arith.constant 16 : i32
    %mul3A_0 = arith.muli %arg0, %mul3A : i32
    %add3A = arith.addi %mul3A_0, %arg1 : i32
    "tpu.region"() ({
      %run_scoped3A_22 = tpu.sem_alloc : memref<!tpu.dma_semaphore, #tpu.memory_space<semaphore_mem>>
      tpu.enqueue_dma source(%arg4 : memref<80x128xf32, #tpu.memory_space<hbm>>) target(%arg7 : memref<80x128xf32, #tpu.memory_space<vmem>>) target_semaphore(%run_scoped3A_22 : memref<!tpu.dma_semaphore, #tpu.memory_space<semaphore_mem>>)
      tpu.wait_dma2 semaphore(%run_scoped3A_22 : memref<!tpu.dma_semaphore, #tpu.memory_space<semaphore_mem>>) src(%arg4 : memref<80x128xf32, #tpu.memory_space<hbm>>) dst(%arg7 : memref<80x128xf32, #tpu.memory_space<vmem>>)
      tpu.yield
    }) : () -> ()
    "tpu.region"() ({
      %run_scoped3A_22 = tpu.sem_alloc : memref<!tpu.dma_semaphore, #tpu.memory_space<semaphore_mem>>
      tpu.enqueue_dma source(%arg3 : memref<1x80xi32, #tpu.memory_space<hbm>>) target(%arg8 : memref<1x80xi32, #tpu.memory_space<vmem>>) target_semaphore(%run_scoped3A_22 : memref<!tpu.dma_semaphore, #tpu.memory_space<semaphore_mem>>)
      tpu.wait_dma2 semaphore(%run_scoped3A_22 : memref<!tpu.dma_semaphore, #tpu.memory_space<semaphore_mem>>) src(%arg3 : memref<1x80xi32, #tpu.memory_space<hbm>>) dst(%arg8 : memref<1x80xi32, #tpu.memory_space<vmem>>)
      tpu.yield
    }) : () -> ()
    %mul3A_1 = arith.constant 2 : i32
    %mul3A_2 = arith.muli %add3A, %mul3A_1 : i32
    %add3A_3 = arith.constant 0 : i32
    %add3A_4 = arith.addi %mul3A_2, %add3A_3 : i32
    "tpu.region"() ({
      %run_scoped3A_22 = tpu.sem_alloc : memref<!tpu.dma_semaphore, #tpu.memory_space<semaphore_mem>>
      %dma_start3A = arith.constant 0 : i32
      %dma_start3A_23 = arith.constant 0 : i32
      %dma_start3A_24 = tpu.memref_slice %arg6[%dma_start3A, %dma_start3A_23] : memref<80x128xi32, #tpu.memory_space<vmem>> -> memref<40x128xi32, #tpu.memory_space<vmem>>
      %dma_start3A_25 = arith.constant 0 : i32
      %dma_start3A_26 = arith.constant 0 : i32
      %dma_start3A_27 = tpu.memref_slice %arg2[%add3A_4, %dma_start3A_25, %dma_start3A_26] : memref<64x40x128xi32, #tpu.memory_space<hbm>> -> memref<1x40x128xi32, #tpu.memory_space<hbm>>
      %dma_start3A_28 = tpu.memref_squeeze %dma_start3A_27 : memref<1x40x128xi32, #tpu.memory_space<hbm>> -> memref<40x128xi32, #tpu.memory_space<hbm>>
      %dma_start3A_29 = arith.constant 0 : i32
      %dma_start3A_30 = arith.constant 0 : i32
      %dma_start3A_31 = tpu.memref_slice %arg6[%dma_start3A_29, %dma_start3A_30] : memref<80x128xi32, #tpu.memory_space<vmem>> -> memref<40x128xi32, #tpu.memory_space<vmem>>
      %dma_start3A_32 = arith.constant 0 : i32
      %dma_start3A_33 = arith.constant 0 : i32
      %dma_start3A_34 = tpu.memref_slice %arg2[%add3A_4, %dma_start3A_32, %dma_start3A_33] : memref<64x40x128xi32, #tpu.memory_space<hbm>> -> memref<1x40x128xi32, #tpu.memory_space<hbm>>
      %dma_start3A_35 = tpu.memref_squeeze %dma_start3A_34 : memref<1x40x128xi32, #tpu.memory_space<hbm>> -> memref<40x128xi32, #tpu.memory_space<hbm>>
      tpu.enqueue_dma source(%dma_start3A_35 : memref<40x128xi32, #tpu.memory_space<hbm>>) target(%dma_start3A_31 : memref<40x128xi32, #tpu.memory_space<vmem>>) target_semaphore(%run_scoped3A_22 : memref<!tpu.dma_semaphore, #tpu.memory_space<semaphore_mem>>)
      %dma_wait3A = arith.constant 0 : i32
      %dma_wait3A_36 = arith.constant 0 : i32
      %dma_wait3A_37 = tpu.memref_slice %arg6[%dma_wait3A, %dma_wait3A_36] : memref<80x128xi32, #tpu.memory_space<vmem>> -> memref<40x128xi32, #tpu.memory_space<vmem>>
      %dma_wait3A_38 = arith.constant 0 : i32
      %dma_wait3A_39 = arith.constant 0 : i32
      %dma_wait3A_40 = tpu.memref_slice %arg2[%add3A_4, %dma_wait3A_38, %dma_wait3A_39] : memref<64x40x128xi32, #tpu.memory_space<hbm>> -> memref<1x40x128xi32, #tpu.memory_space<hbm>>
      %dma_wait3A_41 = tpu.memref_squeeze %dma_wait3A_40 : memref<1x40x128xi32, #tpu.memory_space<hbm>> -> memref<40x128xi32, #tpu.memory_space<hbm>>
      %dma_wait3A_42 = arith.constant 0 : i32
      %dma_wait3A_43 = arith.constant 0 : i32
      %dma_wait3A_44 = tpu.memref_slice %arg6[%dma_wait3A_42, %dma_wait3A_43] : memref<80x128xi32, #tpu.memory_space<vmem>> -> memref<40x128xi32, #tpu.memory_space<vmem>>
      %dma_wait3A_45 = arith.constant 0 : i32
      %dma_wait3A_46 = arith.constant 0 : i32
      %dma_wait3A_47 = tpu.memref_slice %arg2[%add3A_4, %dma_wait3A_45, %dma_wait3A_46] : memref<64x40x128xi32, #tpu.memory_space<hbm>> -> memref<1x40x128xi32, #tpu.memory_space<hbm>>
      %dma_wait3A_48 = tpu.memref_squeeze %dma_wait3A_47 : memref<1x40x128xi32, #tpu.memory_space<hbm>> -> memref<40x128xi32, #tpu.memory_space<hbm>>
      tpu.wait_dma2 semaphore(%run_scoped3A_22 : memref<!tpu.dma_semaphore, #tpu.memory_space<semaphore_mem>>) src(%dma_wait3A_48 : memref<40x128xi32, #tpu.memory_space<hbm>>) dst(%dma_wait3A_44 : memref<40x128xi32, #tpu.memory_space<vmem>>)
      tpu.yield
    }) : () -> ()
    %mul3A_5 = arith.constant 2 : i32
    %mul3A_6 = arith.muli %add3A, %mul3A_5 : i32
    %add3A_7 = arith.constant 1 : i32
    %add3A_8 = arith.addi %mul3A_6, %add3A_7 : i32
    "tpu.region"() ({
      %run_scoped3A_22 = tpu.sem_alloc : memref<!tpu.dma_semaphore, #tpu.memory_space<semaphore_mem>>
      %dma_start3A = arith.constant 40 : i32
      %dma_start3A_23 = arith.constant 0 : i32
      %dma_start3A_24 = tpu.memref_slice %arg6[%dma_start3A, %dma_start3A_23] : memref<80x128xi32, #tpu.memory_space<vmem>> -> memref<40x128xi32, #tpu.memory_space<vmem>>
      %dma_start3A_25 = arith.constant 0 : i32
      %dma_start3A_26 = arith.constant 0 : i32
      %dma_start3A_27 = tpu.memref_slice %arg2[%add3A_8, %dma_start3A_25, %dma_start3A_26] : memref<64x40x128xi32, #tpu.memory_space<hbm>> -> memref<1x40x128xi32, #tpu.memory_space<hbm>>
      %dma_start3A_28 = tpu.memref_squeeze %dma_start3A_27 : memref<1x40x128xi32, #tpu.memory_space<hbm>> -> memref<40x128xi32, #tpu.memory_space<hbm>>
      %dma_start3A_29 = arith.constant 40 : i32
      %dma_start3A_30 = arith.constant 0 : i32
      %dma_start3A_31 = tpu.memref_slice %arg6[%dma_start3A_29, %dma_start3A_30] : memref<80x128xi32, #tpu.memory_space<vmem>> -> memref<40x128xi32, #tpu.memory_space<vmem>>
      %dma_start3A_32 = arith.constant 0 : i32
      %dma_start3A_33 = arith.constant 0 : i32
      %dma_start3A_34 = tpu.memref_slice %arg2[%add3A_8, %dma_start3A_32, %dma_start3A_33] : memref<64x40x128xi32, #tpu.memory_space<hbm>> -> memref<1x40x128xi32, #tpu.memory_space<hbm>>
      %dma_start3A_35 = tpu.memref_squeeze %dma_start3A_34 : memref<1x40x128xi32, #tpu.memory_space<hbm>> -> memref<40x128xi32, #tpu.memory_space<hbm>>
      tpu.enqueue_dma source(%dma_start3A_35 : memref<40x128xi32, #tpu.memory_space<hbm>>) target(%dma_start3A_31 : memref<40x128xi32, #tpu.memory_space<vmem>>) target_semaphore(%run_scoped3A_22 : memref<!tpu.dma_semaphore, #tpu.memory_space<semaphore_mem>>)
      %dma_wait3A = arith.constant 40 : i32
      %dma_wait3A_36 = arith.constant 0 : i32
      %dma_wait3A_37 = tpu.memref_slice %arg6[%dma_wait3A, %dma_wait3A_36] : memref<80x128xi32, #tpu.memory_space<vmem>> -> memref<40x128xi32, #tpu.memory_space<vmem>>
      %dma_wait3A_38 = arith.constant 0 : i32
      %dma_wait3A_39 = arith.constant 0 : i32
      %dma_wait3A_40 = tpu.memref_slice %arg2[%add3A_8, %dma_wait3A_38, %dma_wait3A_39] : memref<64x40x128xi32, #tpu.memory_space<hbm>> -> memref<1x40x128xi32, #tpu.memory_space<hbm>>
      %dma_wait3A_41 = tpu.memref_squeeze %dma_wait3A_40 : memref<1x40x128xi32, #tpu.memory_space<hbm>> -> memref<40x128xi32, #tpu.memory_space<hbm>>
      %dma_wait3A_42 = arith.constant 40 : i32
      %dma_wait3A_43 = arith.constant 0 : i32
      %dma_wait3A_44 = tpu.memref_slice %arg6[%dma_wait3A_42, %dma_wait3A_43] : memref<80x128xi32, #tpu.memory_space<vmem>> -> memref<40x128xi32, #tpu.memory_space<vmem>>
      %dma_wait3A_45 = arith.constant 0 : i32
      %dma_wait3A_46 = arith.constant 0 : i32
      %dma_wait3A_47 = tpu.memref_slice %arg2[%add3A_8, %dma_wait3A_45, %dma_wait3A_46] : memref<64x40x128xi32, #tpu.memory_space<hbm>> -> memref<1x40x128xi32, #tpu.memory_space<hbm>>
      %dma_wait3A_48 = tpu.memref_squeeze %dma_wait3A_47 : memref<1x40x128xi32, #tpu.memory_space<hbm>> -> memref<40x128xi32, #tpu.memory_space<hbm>>
      tpu.wait_dma2 semaphore(%run_scoped3A_22 : memref<!tpu.dma_semaphore, #tpu.memory_space<semaphore_mem>>) src(%dma_wait3A_48 : memref<40x128xi32, #tpu.memory_space<hbm>>) dst(%dma_wait3A_44 : memref<40x128xi32, #tpu.memory_space<vmem>>)
      tpu.yield
    }) : () -> ()
    %lt3A = arith.constant 10 : i32
    %lt3A_9 = arith.cmpi slt, %arg1, %lt3A : i32
    %convert_element_type3A = arith.extui %lt3A_9 : i1 to i32
    %cond3A = arith.constant 0 : i32
    %cond3A_10 = arith.cmpi ne, %convert_element_type3A, %cond3A : i32
    scf.if %cond3A_10 {
      %mul3A_22 = arith.constant 8 : i32
      %mul3A_23 = arith.muli %arg1, %mul3A_22 : i32
      %mul3A_24 = arith.constant 8 : i32
      %mul3A_25 = arith.muli %arg1, %mul3A_24 : i32
      "tpu.region"() ({
        %run_scoped3A_26 = tpu.sem_alloc : memref<!tpu.dma_semaphore, #tpu.memory_space<semaphore_mem>>
        %dma_start3A = arith.constant 0 : i32
        %dma_start3A_27 = tpu.memref_slice %arg9[%mul3A_25, %dma_start3A] : memref<80x128xf32, #tpu.memory_space<vmem_shared>> -> memref<8x128xf32, #tpu.memory_space<vmem_shared>>
        %dma_start3A_28 = arith.constant 0 : i32
        %dma_start3A_29 = tpu.memref_slice %arg4[%mul3A_23, %dma_start3A_28] : memref<80x128xf32, #tpu.memory_space<hbm>> -> memref<8x128xf32, #tpu.memory_space<hbm>>
        tpu.enqueue_dma source(%dma_start3A_29 : memref<8x128xf32, #tpu.memory_space<hbm>>) target(%dma_start3A_27 : memref<8x128xf32, #tpu.memory_space<vmem_shared>>) target_semaphore(%run_scoped3A_26 : memref<!tpu.dma_semaphore, #tpu.memory_space<semaphore_mem>>)
        %dma_wait3A = arith.constant 0 : i32
        %dma_wait3A_30 = tpu.memref_slice %arg9[%mul3A_25, %dma_wait3A] : memref<80x128xf32, #tpu.memory_space<vmem_shared>> -> memref<8x128xf32, #tpu.memory_space<vmem_shared>>
        %dma_wait3A_31 = arith.constant 0 : i32
        %dma_wait3A_32 = tpu.memref_slice %arg4[%mul3A_23, %dma_wait3A_31] : memref<80x128xf32, #tpu.memory_space<hbm>> -> memref<8x128xf32, #tpu.memory_space<hbm>>
        tpu.wait_dma2 semaphore(%run_scoped3A_26 : memref<!tpu.dma_semaphore, #tpu.memory_space<semaphore_mem>>) src(%dma_wait3A_32 : memref<8x128xf32, #tpu.memory_space<hbm>>) dst(%dma_wait3A_30 : memref<8x128xf32, #tpu.memory_space<vmem_shared>>)
        tpu.yield
      }) : () -> ()
    } else {
    }
    %broadcast_in_dim3A = arith.constant 1.000000e+00 : f32
    %broadcast_in_dim3A_11 = vector.broadcast %broadcast_in_dim3A : f32 to vector<16xf32>
    %scan3A = arith.constant 0 : i32
    %scan3A_12 = arith.constant 80 : i32
    %scan3A_13 = arith.addi %scan3A, %scan3A_12 : i32
    %scan3A_14 = arith.constant 1 : i32
    scf.for %scan3A_22 = %scan3A to %scan3A_13 step %scan3A_14  : i32 {
      %mul3A_23 = arith.constant 1 : i32
      %mul3A_24 = arith.muli %scan3A_22, %mul3A_23 : i32
      %add3A_25 = arith.constant 0 : i32
      %add3A_26 = arith.addi %add3A_25, %mul3A_24 : i32
      %scan3A_27 = arith.constant 0 : i32
      %scan3A_28 = arith.constant 8 : i32
      %scan3A_29 = arith.addi %scan3A_27, %scan3A_28 : i32
      %scan3A_30 = arith.constant 1 : i32
      scf.for %scan3A_32 = %scan3A_27 to %scan3A_29 step %scan3A_30  : i32 {
        %mul3A_33 = arith.constant 1 : i32
        %mul3A_34 = arith.muli %scan3A_32, %mul3A_33 : i32
        %add3A_35 = arith.constant 0 : i32
        %add3A_36 = arith.addi %add3A_35, %mul3A_34 : i32
        %mul3A_37 = arith.constant 16 : i32
        %mul3A_38 = arith.muli %add3A_36, %mul3A_37 : i32
        %get3A = arith.index_cast %add3A_26 : i32 to index
        %get3A_39 = arith.index_cast %mul3A_38 : i32 to index
        %get3A_40 = tpu.vector_load %arg6[%get3A, %get3A_39] {strides = array<i32>} : memref<80x128xi32, #tpu.memory_space<vmem>>, vector<16xi32>,
        %shift_right_arithmetic3A = arith.constant 7 : i32
        %shift_right_arithmetic3A_41 = vector.broadcast %shift_right_arithmetic3A : i32 to vector<16xi32>
        %shift_right_arithmetic3A_42 = arith.shrsi %get3A_40, %shift_right_arithmetic3A_41 : vector<16xi32>
        %and3A = arith.constant 127 : i32
        %and3A_43 = vector.broadcast %and3A : i32 to vector<16xi32>
        %and3A_44 = arith.andi %get3A_40, %and3A_43 : vector<16xi32>
        tpu.vector_store_idx %arg7[%shift_right_arithmetic3A_42, %and3A_44], %broadcast_in_dim3A_11 {add = true} : memref<80x128xf32, #tpu.memory_space<vmem>>[vector<16xi32>, vector<16xi32>], vector<16xf32>,
      }
      %scan3A_31 = arith.constant 8 : i32
    }
    %scan3A_15 = arith.constant 80 : i32
    %barrier3A = arith.constant 0 : index
    tpu.barrier barrier_id(%barrier3A)
    %run_scoped3A = arith.constant 0 : i32
    "tpu.region"() ({
      %run_scoped3A_22 = tpu.sem_alloc : memref<!tpu.dma_semaphore, #tpu.memory_space<semaphore_mem>>
      %dma_start3A = arith.constant 0 : i32
      %dma_start3A_23 = tpu.memref_slice %arg8[%run_scoped3A, %dma_start3A] : memref<1x80xi32, #tpu.memory_space<vmem>> -> memref<1x80xi32, #tpu.memory_space<vmem>>
      %dma_start3A_24 = tpu.memref_squeeze %dma_start3A_23 : memref<1x80xi32, #tpu.memory_space<vmem>> -> memref<80xi32, #tpu.memory_space<vmem>>
      %dma_start3A_25 = arith.constant 0 : i32
      %dma_start3A_26 = arith.constant 0 : i32
      %dma_start3A_27 = tpu.memref_slice %arg9[%dma_start3A_25, %dma_start3A_26] : memref<80x128xf32, #tpu.memory_space<vmem_shared>> -> memref<80x128xf32, #tpu.memory_space<vmem_shared>>
      tpu.enqueue_indirect_dma source(%arg7 : memref<80x128xf32, #tpu.memory_space<vmem>>) target(%dma_start3A_27 : memref<80x128xf32, #tpu.memory_space<vmem_shared>>) offsets(%dma_start3A_24 : memref<80xi32, #tpu.memory_space<vmem>>) semaphore(%run_scoped3A_22 : memref<!tpu.dma_semaphore, #tpu.memory_space<semaphore_mem>>) {add = true}
      %dma_wait3A = arith.constant 0 : i32
      %dma_wait3A_28 = tpu.memref_slice %arg8[%run_scoped3A, %dma_wait3A] : memref<1x80xi32, #tpu.memory_space<vmem>> -> memref<1x80xi32, #tpu.memory_space<vmem>>
      %dma_wait3A_29 = tpu.memref_squeeze %dma_wait3A_28 : memref<1x80xi32, #tpu.memory_space<vmem>> -> memref<80xi32, #tpu.memory_space<vmem>>
      %dma_wait3A_30 = arith.constant 0 : i32
      %dma_wait3A_31 = arith.constant 0 : i32
      %dma_wait3A_32 = tpu.memref_slice %arg9[%dma_wait3A_30, %dma_wait3A_31] : memref<80x128xf32, #tpu.memory_space<vmem_shared>> -> memref<80x128xf32, #tpu.memory_space<vmem_shared>>
      tpu.wait_indirect_dma semaphore(%run_scoped3A_22 : memref<!tpu.dma_semaphore, #tpu.memory_space<semaphore_mem>>) src(%arg7 : memref<80x128xf32, #tpu.memory_space<vmem>>) dst(%dma_wait3A_32 : memref<80x128xf32, #tpu.memory_space<vmem_shared>>)
      tpu.yield
    }) : () -> ()
    %barrier3A_16 = arith.constant 0 : index
    tpu.barrier barrier_id(%barrier3A_16)
    %lt3A_17 = arith.constant 10 : i32
    %lt3A_18 = arith.cmpi slt, %arg1, %lt3A_17 : i32
    %convert_element_type3A_19 = arith.extui %lt3A_18 : i1 to i32
    %cond3A_20 = arith.constant 0 : i32
    %cond3A_21 = arith.cmpi ne, %convert_element_type3A_19, %cond3A_20 : i32
    scf.if %cond3A_21 {
      %mul3A_22 = arith.constant 8 : i32
      %mul3A_23 = arith.muli %arg1, %mul3A_22 : i32
      %mul3A_24 = arith.constant 80 : i32
      %mul3A_25 = arith.muli %arg0, %mul3A_24 : i32
      %mul3A_26 = arith.constant 8 : i32
      %mul3A_27 = arith.muli %arg1, %mul3A_26 : i32
      %add3A_28 = arith.addi %mul3A_25, %mul3A_27 : i32
      "tpu.region"() ({
        %run_scoped3A_29 = tpu.sem_alloc : memref<!tpu.dma_semaphore, #tpu.memory_space<semaphore_mem>>
        %dma_start3A = arith.constant 0 : i32
        %dma_start3A_30 = tpu.memref_slice %arg5[%add3A_28, %dma_start3A] : memref<160x128xf32, #tpu.memory_space<hbm>> -> memref<8x128xf32, #tpu.memory_space<hbm>>
        %dma_start3A_31 = arith.constant 0 : i32
        %dma_start3A_32 = tpu.memref_slice %arg9[%mul3A_23, %dma_start3A_31] : memref<80x128xf32, #tpu.memory_space<vmem_shared>> -> memref<8x128xf32, #tpu.memory_space<vmem_shared>>
        tpu.enqueue_dma source(%dma_start3A_32 : memref<8x128xf32, #tpu.memory_space<vmem_shared>>) target(%dma_start3A_30 : memref<8x128xf32, #tpu.memory_space<hbm>>) target_semaphore(%run_scoped3A_29 : memref<!tpu.dma_semaphore, #tpu.memory_space<semaphore_mem>>)
        %dma_wait3A = arith.constant 0 : i32
        %dma_wait3A_33 = tpu.memref_slice %arg5[%add3A_28, %dma_wait3A] : memref<160x128xf32, #tpu.memory_space<hbm>> -> memref<8x128xf32, #tpu.memory_space<hbm>>
        %dma_wait3A_34 = arith.constant 0 : i32
        %dma_wait3A_35 = tpu.memref_slice %arg9[%mul3A_23, %dma_wait3A_34] : memref<80x128xf32, #tpu.memory_space<vmem_shared>> -> memref<8x128xf32, #tpu.memory_space<vmem_shared>>
        tpu.wait_dma2 semaphore(%run_scoped3A_29 : memref<!tpu.dma_semaphore, #tpu.memory_space<semaphore_mem>>) src(%dma_wait3A_35 : memref<8x128xf32, #tpu.memory_space<vmem_shared>>) dst(%dma_wait3A_33 : memref<8x128xf32, #tpu.memory_space<hbm>>)
        tpu.yield
      }) : () -> ()
    } else {
    }
    return
  }
}

#map = affine_map<(d0, d1) -> (0, 0)>
#map1 = affine_map<(d0, d1) -> (0, 0, 0)>
module attributes {stable_mosaic.version = 14 : i64} {
  func.func @agg_kernel(%arg0: i32, %arg1: i32, %arg2: memref<10000x128xf32, #tpu.memory_space<hbm>>, %arg3: memref<64x40x128xi32, #tpu.memory_space<hbm>>, %arg4: memref<64x40x128xi32, #tpu.memory_space<hbm>>, %arg5: memref<632x128xf32, #tpu.memory_space<hbm>>, %arg6: memref<20224x128xf32, #tpu.memory_space<hbm>>, %arg7: memref<40x128xi32, #tpu.memory_space<vmem>>, %arg8: memref<40x128xi32, #tpu.memory_space<vmem>>, %arg9: memref<128x128xf32, #tpu.memory_space<vmem>>, %arg10: memref<128x128xf32, #tpu.memory_space<vmem>>, %arg11: memref<!tpu.dma_semaphore, #tpu.memory_space<semaphore_mem>>, %arg12: memref<!tpu.dma_semaphore, #tpu.memory_space<semaphore_mem>>, %arg13: memref<!tpu.dma_semaphore, #tpu.memory_space<semaphore_mem>>, %arg14: memref<!tpu.dma_semaphore, #tpu.memory_space<semaphore_mem>>, %arg15: memref<10112x128xf32, #tpu.memory_space<vmem_shared>>) attributes {dimension_semantics = [#tpu.dimension_semantics<core_parallel>, #tpu.dimension_semantics<subcore_parallel>], iteration_bounds = array<i64: 2, 16>, scalar_prefetch = 0 : i64, scratch_operands = 9 : i64, tpu.core_type = #tpu.core_type<sc_vector_subcore>, window_params = [{transform_indices = #map}, {transform_indices = #map1}, {transform_indices = #map1}, {transform_indices = #map}, {transform_indices = #map}]} {
    %mul3A = arith.constant 16 : i32
    %mul3A_0 = arith.muli %arg0, %mul3A : i32
    %add3A = arith.addi %mul3A_0, %arg1 : i32
    %mul3A_1 = arith.constant 632 : i32
    %mul3A_2 = arith.muli %arg1, %mul3A_1 : i32
    "tpu.region"() ({
      %run_scoped3A = tpu.sem_alloc : memref<!tpu.dma_semaphore, #tpu.memory_space<semaphore_mem>>
      %dma_start3A_146 = arith.constant 0 : i32
      %dma_start3A_147 = tpu.memref_slice %arg15[%mul3A_2, %dma_start3A_146] : memref<10112x128xf32, #tpu.memory_space<vmem_shared>> -> memref<632x128xf32, #tpu.memory_space<vmem_shared>>
      tpu.enqueue_dma source(%arg5 : memref<632x128xf32, #tpu.memory_space<hbm>>) target(%dma_start3A_147 : memref<632x128xf32, #tpu.memory_space<vmem_shared>>) target_semaphore(%run_scoped3A : memref<!tpu.dma_semaphore, #tpu.memory_space<semaphore_mem>>)
      %dma_wait3A_148 = arith.constant 0 : i32
      %dma_wait3A_149 = tpu.memref_slice %arg15[%mul3A_2, %dma_wait3A_148] : memref<10112x128xf32, #tpu.memory_space<vmem_shared>> -> memref<632x128xf32, #tpu.memory_space<vmem_shared>>
      tpu.wait_dma2 semaphore(%run_scoped3A : memref<!tpu.dma_semaphore, #tpu.memory_space<semaphore_mem>>) src(%arg5 : memref<632x128xf32, #tpu.memory_space<hbm>>) dst(%dma_wait3A_149 : memref<632x128xf32, #tpu.memory_space<vmem_shared>>)
      tpu.yield
    }) : () -> ()
    %barrier3A = arith.constant 0 : index
    tpu.barrier barrier_id(%barrier3A)
    %mul3A_3 = arith.constant 2 : i32
    %mul3A_4 = arith.muli %add3A, %mul3A_3 : i32
    %add3A_5 = arith.constant 0 : i32
    %add3A_6 = arith.addi %mul3A_4, %add3A_5 : i32
    "tpu.region"() ({
      %run_scoped3A = tpu.sem_alloc : memref<!tpu.dma_semaphore, #tpu.memory_space<semaphore_mem>>
      %dma_start3A_146 = arith.constant 0 : i32
      %dma_start3A_147 = arith.constant 0 : i32
      %dma_start3A_148 = tpu.memref_slice %arg3[%add3A_6, %dma_start3A_146, %dma_start3A_147] : memref<64x40x128xi32, #tpu.memory_space<hbm>> -> memref<1x40x128xi32, #tpu.memory_space<hbm>>
      %dma_start3A_149 = tpu.memref_squeeze %dma_start3A_148 : memref<1x40x128xi32, #tpu.memory_space<hbm>> -> memref<40x128xi32, #tpu.memory_space<hbm>>
      %dma_start3A_150 = arith.constant 0 : i32
      %dma_start3A_151 = arith.constant 0 : i32
      %dma_start3A_152 = tpu.memref_slice %arg3[%add3A_6, %dma_start3A_150, %dma_start3A_151] : memref<64x40x128xi32, #tpu.memory_space<hbm>> -> memref<1x40x128xi32, #tpu.memory_space<hbm>>
      %dma_start3A_153 = tpu.memref_squeeze %dma_start3A_152 : memref<1x40x128xi32, #tpu.memory_space<hbm>> -> memref<40x128xi32, #tpu.memory_space<hbm>>
      tpu.enqueue_dma source(%dma_start3A_153 : memref<40x128xi32, #tpu.memory_space<hbm>>) target(%arg7 : memref<40x128xi32, #tpu.memory_space<vmem>>) target_semaphore(%run_scoped3A : memref<!tpu.dma_semaphore, #tpu.memory_space<semaphore_mem>>)
      %dma_wait3A_154 = arith.constant 0 : i32
      %dma_wait3A_155 = arith.constant 0 : i32
      %dma_wait3A_156 = tpu.memref_slice %arg3[%add3A_6, %dma_wait3A_154, %dma_wait3A_155] : memref<64x40x128xi32, #tpu.memory_space<hbm>> -> memref<1x40x128xi32, #tpu.memory_space<hbm>>
      %dma_wait3A_157 = tpu.memref_squeeze %dma_wait3A_156 : memref<1x40x128xi32, #tpu.memory_space<hbm>> -> memref<40x128xi32, #tpu.memory_space<hbm>>
      %dma_wait3A_158 = arith.constant 0 : i32
      %dma_wait3A_159 = arith.constant 0 : i32
      %dma_wait3A_160 = tpu.memref_slice %arg3[%add3A_6, %dma_wait3A_158, %dma_wait3A_159] : memref<64x40x128xi32, #tpu.memory_space<hbm>> -> memref<1x40x128xi32, #tpu.memory_space<hbm>>
      %dma_wait3A_161 = tpu.memref_squeeze %dma_wait3A_160 : memref<1x40x128xi32, #tpu.memory_space<hbm>> -> memref<40x128xi32, #tpu.memory_space<hbm>>
      tpu.wait_dma2 semaphore(%run_scoped3A : memref<!tpu.dma_semaphore, #tpu.memory_space<semaphore_mem>>) src(%dma_wait3A_161 : memref<40x128xi32, #tpu.memory_space<hbm>>) dst(%arg7 : memref<40x128xi32, #tpu.memory_space<vmem>>)
      tpu.yield
    }) : () -> ()
    %mul3A_7 = arith.constant 2 : i32
    %mul3A_8 = arith.muli %add3A, %mul3A_7 : i32
    %add3A_9 = arith.constant 0 : i32
    %add3A_10 = arith.addi %mul3A_8, %add3A_9 : i32
    "tpu.region"() ({
      %run_scoped3A = tpu.sem_alloc : memref<!tpu.dma_semaphore, #tpu.memory_space<semaphore_mem>>
      %dma_start3A_146 = arith.constant 0 : i32
      %dma_start3A_147 = arith.constant 0 : i32
      %dma_start3A_148 = tpu.memref_slice %arg4[%add3A_10, %dma_start3A_146, %dma_start3A_147] : memref<64x40x128xi32, #tpu.memory_space<hbm>> -> memref<1x40x128xi32, #tpu.memory_space<hbm>>
      %dma_start3A_149 = tpu.memref_squeeze %dma_start3A_148 : memref<1x40x128xi32, #tpu.memory_space<hbm>> -> memref<40x128xi32, #tpu.memory_space<hbm>>
      %dma_start3A_150 = arith.constant 0 : i32
      %dma_start3A_151 = arith.constant 0 : i32
      %dma_start3A_152 = tpu.memref_slice %arg4[%add3A_10, %dma_start3A_150, %dma_start3A_151] : memref<64x40x128xi32, #tpu.memory_space<hbm>> -> memref<1x40x128xi32, #tpu.memory_space<hbm>>
      %dma_start3A_153 = tpu.memref_squeeze %dma_start3A_152 : memref<1x40x128xi32, #tpu.memory_space<hbm>> -> memref<40x128xi32, #tpu.memory_space<hbm>>
      tpu.enqueue_dma source(%dma_start3A_153 : memref<40x128xi32, #tpu.memory_space<hbm>>) target(%arg8 : memref<40x128xi32, #tpu.memory_space<vmem>>) target_semaphore(%run_scoped3A : memref<!tpu.dma_semaphore, #tpu.memory_space<semaphore_mem>>)
      %dma_wait3A_154 = arith.constant 0 : i32
      %dma_wait3A_155 = arith.constant 0 : i32
      %dma_wait3A_156 = tpu.memref_slice %arg4[%add3A_10, %dma_wait3A_154, %dma_wait3A_155] : memref<64x40x128xi32, #tpu.memory_space<hbm>> -> memref<1x40x128xi32, #tpu.memory_space<hbm>>
      %dma_wait3A_157 = tpu.memref_squeeze %dma_wait3A_156 : memref<1x40x128xi32, #tpu.memory_space<hbm>> -> memref<40x128xi32, #tpu.memory_space<hbm>>
      %dma_wait3A_158 = arith.constant 0 : i32
      %dma_wait3A_159 = arith.constant 0 : i32
      %dma_wait3A_160 = tpu.memref_slice %arg4[%add3A_10, %dma_wait3A_158, %dma_wait3A_159] : memref<64x40x128xi32, #tpu.memory_space<hbm>> -> memref<1x40x128xi32, #tpu.memory_space<hbm>>
      %dma_wait3A_161 = tpu.memref_squeeze %dma_wait3A_160 : memref<1x40x128xi32, #tpu.memory_space<hbm>> -> memref<40x128xi32, #tpu.memory_space<hbm>>
      tpu.wait_dma2 semaphore(%run_scoped3A : memref<!tpu.dma_semaphore, #tpu.memory_space<semaphore_mem>>) src(%dma_wait3A_161 : memref<40x128xi32, #tpu.memory_space<hbm>>) dst(%arg8 : memref<40x128xi32, #tpu.memory_space<vmem>>)
      tpu.yield
    }) : () -> ()
    %dma_start3A = arith.constant 0 : i32
    %dma_start3A_11 = arith.constant 0 : i32
    %dma_start3A_12 = tpu.memref_slice %arg7[%dma_start3A, %dma_start3A_11] : memref<40x128xi32, #tpu.memory_space<vmem>> -> memref<1x128xi32, #tpu.memory_space<vmem>>
    %dma_start3A_13 = tpu.memref_squeeze %dma_start3A_12 : memref<1x128xi32, #tpu.memory_space<vmem>> -> memref<128xi32, #tpu.memory_space<vmem>>
    %dma_start3A_14 = arith.constant 0 : i32
    %dma_start3A_15 = arith.constant 0 : i32
    %dma_start3A_16 = tpu.memref_slice %arg2[%dma_start3A_14, %dma_start3A_15] : memref<10000x128xf32, #tpu.memory_space<hbm>> -> memref<10000x128xf32, #tpu.memory_space<hbm>>
    tpu.enqueue_indirect_dma source(%dma_start3A_16 : memref<10000x128xf32, #tpu.memory_space<hbm>>) target(%arg9 : memref<128x128xf32, #tpu.memory_space<vmem>>) offsets(%dma_start3A_13 : memref<128xi32, #tpu.memory_space<vmem>>) semaphore(%arg11 : memref<!tpu.dma_semaphore, #tpu.memory_space<semaphore_mem>>)
    %dma_start3A_17 = arith.constant 1 : i32
    %dma_start3A_18 = arith.constant 0 : i32
    %dma_start3A_19 = tpu.memref_slice %arg7[%dma_start3A_17, %dma_start3A_18] : memref<40x128xi32, #tpu.memory_space<vmem>> -> memref<1x128xi32, #tpu.memory_space<vmem>>
    %dma_start3A_20 = tpu.memref_squeeze %dma_start3A_19 : memref<1x128xi32, #tpu.memory_space<vmem>> -> memref<128xi32, #tpu.memory_space<vmem>>
    %dma_start3A_21 = arith.constant 0 : i32
    %dma_start3A_22 = arith.constant 0 : i32
    %dma_start3A_23 = tpu.memref_slice %arg2[%dma_start3A_21, %dma_start3A_22] : memref<10000x128xf32, #tpu.memory_space<hbm>> -> memref<10000x128xf32, #tpu.memory_space<hbm>>
    tpu.enqueue_indirect_dma source(%dma_start3A_23 : memref<10000x128xf32, #tpu.memory_space<hbm>>) target(%arg10 : memref<128x128xf32, #tpu.memory_space<vmem>>) offsets(%dma_start3A_20 : memref<128xi32, #tpu.memory_space<vmem>>) semaphore(%arg12 : memref<!tpu.dma_semaphore, #tpu.memory_space<semaphore_mem>>)
    %scan3A = arith.constant 0 : i32
    %scan3A_24 = arith.constant 19 : i32
    %scan3A_25 = arith.addi %scan3A, %scan3A_24 : i32
    %scan3A_26 = arith.constant 1 : i32
    scf.for %scan3A_146 = %scan3A to %scan3A_25 step %scan3A_26  : i32 {
      %mul3A_147 = arith.constant 2 : i32
      %mul3A_148 = arith.muli %scan3A_146, %mul3A_147 : i32
      %add3A_149 = arith.constant 0 : i32
      %add3A_150 = arith.addi %add3A_149, %mul3A_148 : i32
      %dma_wait3A_151 = arith.constant 0 : i32
      %dma_wait3A_152 = arith.constant 0 : i32
      %dma_wait3A_153 = tpu.memref_slice %arg7[%dma_wait3A_151, %dma_wait3A_152] : memref<40x128xi32, #tpu.memory_space<vmem>> -> memref<1x128xi32, #tpu.memory_space<vmem>>
      %dma_wait3A_154 = tpu.memref_squeeze %dma_wait3A_153 : memref<1x128xi32, #tpu.memory_space<vmem>> -> memref<128xi32, #tpu.memory_space<vmem>>
      %dma_wait3A_155 = arith.constant 0 : i32
      %dma_wait3A_156 = arith.constant 0 : i32
      %dma_wait3A_157 = tpu.memref_slice %arg2[%dma_wait3A_155, %dma_wait3A_156] : memref<10000x128xf32, #tpu.memory_space<hbm>> -> memref<10000x128xf32, #tpu.memory_space<hbm>>
      tpu.wait_indirect_dma semaphore(%arg11 : memref<!tpu.dma_semaphore, #tpu.memory_space<semaphore_mem>>) src(%dma_wait3A_157 : memref<10000x128xf32, #tpu.memory_space<hbm>>) dst(%arg9 : memref<128x128xf32, #tpu.memory_space<vmem>>)
      %add3A_158 = arith.constant 0 : i32
      %add3A_159 = arith.addi %add3A_150, %add3A_158 : i32
      %dma_start3A_160 = arith.constant 0 : i32
      %dma_start3A_161 = tpu.memref_slice %arg8[%add3A_159, %dma_start3A_160] : memref<40x128xi32, #tpu.memory_space<vmem>> -> memref<1x128xi32, #tpu.memory_space<vmem>>
      %dma_start3A_162 = tpu.memref_squeeze %dma_start3A_161 : memref<1x128xi32, #tpu.memory_space<vmem>> -> memref<128xi32, #tpu.memory_space<vmem>>
      %dma_start3A_163 = arith.constant 0 : i32
      %dma_start3A_164 = arith.constant 0 : i32
      %dma_start3A_165 = tpu.memref_slice %arg15[%dma_start3A_163, %dma_start3A_164] : memref<10112x128xf32, #tpu.memory_space<vmem_shared>> -> memref<10112x128xf32, #tpu.memory_space<vmem_shared>>
      tpu.enqueue_indirect_dma source(%arg9 : memref<128x128xf32, #tpu.memory_space<vmem>>) target(%dma_start3A_165 : memref<10112x128xf32, #tpu.memory_space<vmem_shared>>) offsets(%dma_start3A_162 : memref<128xi32, #tpu.memory_space<vmem>>) semaphore(%arg13 : memref<!tpu.dma_semaphore, #tpu.memory_space<semaphore_mem>>) {add = true}
      %dma_wait3A_166 = arith.constant 0 : i32
      %dma_wait3A_167 = arith.constant 0 : i32
      %dma_wait3A_168 = tpu.memref_slice %arg7[%dma_wait3A_166, %dma_wait3A_167] : memref<40x128xi32, #tpu.memory_space<vmem>> -> memref<1x128xi32, #tpu.memory_space<vmem>>
      %dma_wait3A_169 = tpu.memref_squeeze %dma_wait3A_168 : memref<1x128xi32, #tpu.memory_space<vmem>> -> memref<128xi32, #tpu.memory_space<vmem>>
      %dma_wait3A_170 = arith.constant 0 : i32
      %dma_wait3A_171 = arith.constant 0 : i32
      %dma_wait3A_172 = tpu.memref_slice %arg2[%dma_wait3A_170, %dma_wait3A_171] : memref<10000x128xf32, #tpu.memory_space<hbm>> -> memref<10000x128xf32, #tpu.memory_space<hbm>>
      tpu.wait_indirect_dma semaphore(%arg12 : memref<!tpu.dma_semaphore, #tpu.memory_space<semaphore_mem>>) src(%dma_wait3A_172 : memref<10000x128xf32, #tpu.memory_space<hbm>>) dst(%arg10 : memref<128x128xf32, #tpu.memory_space<vmem>>)
      %add3A_173 = arith.constant 1 : i32
      %add3A_174 = arith.addi %add3A_150, %add3A_173 : i32
      %dma_start3A_175 = arith.constant 0 : i32
      %dma_start3A_176 = tpu.memref_slice %arg8[%add3A_174, %dma_start3A_175] : memref<40x128xi32, #tpu.memory_space<vmem>> -> memref<1x128xi32, #tpu.memory_space<vmem>>
      %dma_start3A_177 = tpu.memref_squeeze %dma_start3A_176 : memref<1x128xi32, #tpu.memory_space<vmem>> -> memref<128xi32, #tpu.memory_space<vmem>>
      %dma_start3A_178 = arith.constant 0 : i32
      %dma_start3A_179 = arith.constant 0 : i32
      %dma_start3A_180 = tpu.memref_slice %arg15[%dma_start3A_178, %dma_start3A_179] : memref<10112x128xf32, #tpu.memory_space<vmem_shared>> -> memref<10112x128xf32, #tpu.memory_space<vmem_shared>>
      tpu.enqueue_indirect_dma source(%arg10 : memref<128x128xf32, #tpu.memory_space<vmem>>) target(%dma_start3A_180 : memref<10112x128xf32, #tpu.memory_space<vmem_shared>>) offsets(%dma_start3A_177 : memref<128xi32, #tpu.memory_space<vmem>>) semaphore(%arg14 : memref<!tpu.dma_semaphore, #tpu.memory_space<semaphore_mem>>) {add = true}
      %dma_wait3A_181 = arith.constant 0 : i32
      %dma_wait3A_182 = arith.constant 0 : i32
      %dma_wait3A_183 = tpu.memref_slice %arg8[%dma_wait3A_181, %dma_wait3A_182] : memref<40x128xi32, #tpu.memory_space<vmem>> -> memref<1x128xi32, #tpu.memory_space<vmem>>
      %dma_wait3A_184 = tpu.memref_squeeze %dma_wait3A_183 : memref<1x128xi32, #tpu.memory_space<vmem>> -> memref<128xi32, #tpu.memory_space<vmem>>
      %dma_wait3A_185 = arith.constant 0 : i32
      %dma_wait3A_186 = arith.constant 0 : i32
      %dma_wait3A_187 = tpu.memref_slice %arg15[%dma_wait3A_185, %dma_wait3A_186] : memref<10112x128xf32, #tpu.memory_space<vmem_shared>> -> memref<10112x128xf32, #tpu.memory_space<vmem_shared>>
      tpu.wait_indirect_dma semaphore(%arg13 : memref<!tpu.dma_semaphore, #tpu.memory_space<semaphore_mem>>) src(%arg9 : memref<128x128xf32, #tpu.memory_space<vmem>>) dst(%dma_wait3A_187 : memref<10112x128xf32, #tpu.memory_space<vmem_shared>>)
      %add3A_188 = arith.constant 2 : i32
      %add3A_189 = arith.addi %add3A_150, %add3A_188 : i32
      %add3A_190 = arith.constant 0 : i32
      %add3A_191 = arith.addi %add3A_189, %add3A_190 : i32
      %dma_start3A_192 = arith.constant 0 : i32
      %dma_start3A_193 = tpu.memref_slice %arg7[%add3A_191, %dma_start3A_192] : memref<40x128xi32, #tpu.memory_space<vmem>> -> memref<1x128xi32, #tpu.memory_space<vmem>>
      %dma_start3A_194 = tpu.memref_squeeze %dma_start3A_193 : memref<1x128xi32, #tpu.memory_space<vmem>> -> memref<128xi32, #tpu.memory_space<vmem>>
      %dma_start3A_195 = arith.constant 0 : i32
      %dma_start3A_196 = arith.constant 0 : i32
      %dma_start3A_197 = tpu.memref_slice %arg2[%dma_start3A_195, %dma_start3A_196] : memref<10000x128xf32, #tpu.memory_space<hbm>> -> memref<10000x128xf32, #tpu.memory_space<hbm>>
      tpu.enqueue_indirect_dma source(%dma_start3A_197 : memref<10000x128xf32, #tpu.memory_space<hbm>>) target(%arg9 : memref<128x128xf32, #tpu.memory_space<vmem>>) offsets(%dma_start3A_194 : memref<128xi32, #tpu.memory_space<vmem>>) semaphore(%arg11 : memref<!tpu.dma_semaphore, #tpu.memory_space<semaphore_mem>>)
      %dma_wait3A_198 = arith.constant 0 : i32
      %dma_wait3A_199 = arith.constant 0 : i32
      %dma_wait3A_200 = tpu.memref_slice %arg8[%dma_wait3A_198, %dma_wait3A_199] : memref<40x128xi32, #tpu.memory_space<vmem>> -> memref<1x128xi32, #tpu.memory_space<vmem>>
      %dma_wait3A_201 = tpu.memref_squeeze %dma_wait3A_200 : memref<1x128xi32, #tpu.memory_space<vmem>> -> memref<128xi32, #tpu.memory_space<vmem>>
      %dma_wait3A_202 = arith.constant 0 : i32
      %dma_wait3A_203 = arith.constant 0 : i32
      %dma_wait3A_204 = tpu.memref_slice %arg15[%dma_wait3A_202, %dma_wait3A_203] : memref<10112x128xf32, #tpu.memory_space<vmem_shared>> -> memref<10112x128xf32, #tpu.memory_space<vmem_shared>>
      tpu.wait_indirect_dma semaphore(%arg14 : memref<!tpu.dma_semaphore, #tpu.memory_space<semaphore_mem>>) src(%arg10 : memref<128x128xf32, #tpu.memory_space<vmem>>) dst(%dma_wait3A_204 : memref<10112x128xf32, #tpu.memory_space<vmem_shared>>)
      %add3A_205 = arith.constant 2 : i32
      %add3A_206 = arith.addi %add3A_150, %add3A_205 : i32
      %add3A_207 = arith.constant 1 : i32
      %add3A_208 = arith.addi %add3A_206, %add3A_207 : i32
      %dma_start3A_209 = arith.constant 0 : i32
      %dma_start3A_210 = tpu.memref_slice %arg7[%add3A_208, %dma_start3A_209] : memref<40x128xi32, #tpu.memory_space<vmem>> -> memref<1x128xi32, #tpu.memory_space<vmem>>
      %dma_start3A_211 = tpu.memref_squeeze %dma_start3A_210 : memref<1x128xi32, #tpu.memory_space<vmem>> -> memref<128xi32, #tpu.memory_space<vmem>>
      %dma_start3A_212 = arith.constant 0 : i32
      %dma_start3A_213 = arith.constant 0 : i32
      %dma_start3A_214 = tpu.memref_slice %arg2[%dma_start3A_212, %dma_start3A_213] : memref<10000x128xf32, #tpu.memory_space<hbm>> -> memref<10000x128xf32, #tpu.memory_space<hbm>>
      tpu.enqueue_indirect_dma source(%dma_start3A_214 : memref<10000x128xf32, #tpu.memory_space<hbm>>) target(%arg10 : memref<128x128xf32, #tpu.memory_space<vmem>>) offsets(%dma_start3A_211 : memref<128xi32, #tpu.memory_space<vmem>>) semaphore(%arg12 : memref<!tpu.dma_semaphore, #tpu.memory_space<semaphore_mem>>)
    }
    %scan3A_27 = arith.constant 19 : i32
    %dma_wait3A = arith.constant 0 : i32
    %dma_wait3A_28 = arith.constant 0 : i32
    %dma_wait3A_29 = tpu.memref_slice %arg7[%dma_wait3A, %dma_wait3A_28] : memref<40x128xi32, #tpu.memory_space<vmem>> -> memref<1x128xi32, #tpu.memory_space<vmem>>
    %dma_wait3A_30 = tpu.memref_squeeze %dma_wait3A_29 : memref<1x128xi32, #tpu.memory_space<vmem>> -> memref<128xi32, #tpu.memory_space<vmem>>
    %dma_wait3A_31 = arith.constant 0 : i32
    %dma_wait3A_32 = arith.constant 0 : i32
    %dma_wait3A_33 = tpu.memref_slice %arg2[%dma_wait3A_31, %dma_wait3A_32] : memref<10000x128xf32, #tpu.memory_space<hbm>> -> memref<10000x128xf32, #tpu.memory_space<hbm>>
    tpu.wait_indirect_dma semaphore(%arg11 : memref<!tpu.dma_semaphore, #tpu.memory_space<semaphore_mem>>) src(%dma_wait3A_33 : memref<10000x128xf32, #tpu.memory_space<hbm>>) dst(%arg9 : memref<128x128xf32, #tpu.memory_space<vmem>>)
    %dma_start3A_34 = arith.constant 38 : i32
    %dma_start3A_35 = arith.constant 0 : i32
    %dma_start3A_36 = tpu.memref_slice %arg8[%dma_start3A_34, %dma_start3A_35] : memref<40x128xi32, #tpu.memory_space<vmem>> -> memref<1x128xi32, #tpu.memory_space<vmem>>
    %dma_start3A_37 = tpu.memref_squeeze %dma_start3A_36 : memref<1x128xi32, #tpu.memory_space<vmem>> -> memref<128xi32, #tpu.memory_space<vmem>>
    %dma_start3A_38 = arith.constant 0 : i32
    %dma_start3A_39 = arith.constant 0 : i32
    %dma_start3A_40 = tpu.memref_slice %arg15[%dma_start3A_38, %dma_start3A_39] : memref<10112x128xf32, #tpu.memory_space<vmem_shared>> -> memref<10112x128xf32, #tpu.memory_space<vmem_shared>>
    tpu.enqueue_indirect_dma source(%arg9 : memref<128x128xf32, #tpu.memory_space<vmem>>) target(%dma_start3A_40 : memref<10112x128xf32, #tpu.memory_space<vmem_shared>>) offsets(%dma_start3A_37 : memref<128xi32, #tpu.memory_space<vmem>>) semaphore(%arg13 : memref<!tpu.dma_semaphore, #tpu.memory_space<semaphore_mem>>) {add = true}
    %dma_wait3A_41 = arith.constant 0 : i32
    %dma_wait3A_42 = arith.constant 0 : i32
    %dma_wait3A_43 = tpu.memref_slice %arg7[%dma_wait3A_41, %dma_wait3A_42] : memref<40x128xi32, #tpu.memory_space<vmem>> -> memref<1x128xi32, #tpu.memory_space<vmem>>
    %dma_wait3A_44 = tpu.memref_squeeze %dma_wait3A_43 : memref<1x128xi32, #tpu.memory_space<vmem>> -> memref<128xi32, #tpu.memory_space<vmem>>
    %dma_wait3A_45 = arith.constant 0 : i32
    %dma_wait3A_46 = arith.constant 0 : i32
    %dma_wait3A_47 = tpu.memref_slice %arg2[%dma_wait3A_45, %dma_wait3A_46] : memref<10000x128xf32, #tpu.memory_space<hbm>> -> memref<10000x128xf32, #tpu.memory_space<hbm>>
    tpu.wait_indirect_dma semaphore(%arg12 : memref<!tpu.dma_semaphore, #tpu.memory_space<semaphore_mem>>) src(%dma_wait3A_47 : memref<10000x128xf32, #tpu.memory_space<hbm>>) dst(%arg10 : memref<128x128xf32, #tpu.memory_space<vmem>>)
    %dma_start3A_48 = arith.constant 39 : i32
    %dma_start3A_49 = arith.constant 0 : i32
    %dma_start3A_50 = tpu.memref_slice %arg8[%dma_start3A_48, %dma_start3A_49] : memref<40x128xi32, #tpu.memory_space<vmem>> -> memref<1x128xi32, #tpu.memory_space<vmem>>
    %dma_start3A_51 = tpu.memref_squeeze %dma_start3A_50 : memref<1x128xi32, #tpu.memory_space<vmem>> -> memref<128xi32, #tpu.memory_space<vmem>>
    %dma_start3A_52 = arith.constant 0 : i32
    %dma_start3A_53 = arith.constant 0 : i32
    %dma_start3A_54 = tpu.memref_slice %arg15[%dma_start3A_52, %dma_start3A_53] : memref<10112x128xf32, #tpu.memory_space<vmem_shared>> -> memref<10112x128xf32, #tpu.memory_space<vmem_shared>>
    tpu.enqueue_indirect_dma source(%arg10 : memref<128x128xf32, #tpu.memory_space<vmem>>) target(%dma_start3A_54 : memref<10112x128xf32, #tpu.memory_space<vmem_shared>>) offsets(%dma_start3A_51 : memref<128xi32, #tpu.memory_space<vmem>>) semaphore(%arg14 : memref<!tpu.dma_semaphore, #tpu.memory_space<semaphore_mem>>) {add = true}
    %dma_wait3A_55 = arith.constant 0 : i32
    %dma_wait3A_56 = arith.constant 0 : i32
    %dma_wait3A_57 = tpu.memref_slice %arg8[%dma_wait3A_55, %dma_wait3A_56] : memref<40x128xi32, #tpu.memory_space<vmem>> -> memref<1x128xi32, #tpu.memory_space<vmem>>
    %dma_wait3A_58 = tpu.memref_squeeze %dma_wait3A_57 : memref<1x128xi32, #tpu.memory_space<vmem>> -> memref<128xi32, #tpu.memory_space<vmem>>
    %dma_wait3A_59 = arith.constant 0 : i32
    %dma_wait3A_60 = arith.constant 0 : i32
    %dma_wait3A_61 = tpu.memref_slice %arg15[%dma_wait3A_59, %dma_wait3A_60] : memref<10112x128xf32, #tpu.memory_space<vmem_shared>> -> memref<10112x128xf32, #tpu.memory_space<vmem_shared>>
    tpu.wait_indirect_dma semaphore(%arg13 : memref<!tpu.dma_semaphore, #tpu.memory_space<semaphore_mem>>) src(%arg9 : memref<128x128xf32, #tpu.memory_space<vmem>>) dst(%dma_wait3A_61 : memref<10112x128xf32, #tpu.memory_space<vmem_shared>>)
    %dma_wait3A_62 = arith.constant 0 : i32
    %dma_wait3A_63 = arith.constant 0 : i32
    %dma_wait3A_64 = tpu.memref_slice %arg8[%dma_wait3A_62, %dma_wait3A_63] : memref<40x128xi32, #tpu.memory_space<vmem>> -> memref<1x128xi32, #tpu.memory_space<vmem>>
    %dma_wait3A_65 = tpu.memref_squeeze %dma_wait3A_64 : memref<1x128xi32, #tpu.memory_space<vmem>> -> memref<128xi32, #tpu.memory_space<vmem>>
    %dma_wait3A_66 = arith.constant 0 : i32
    %dma_wait3A_67 = arith.constant 0 : i32
    %dma_wait3A_68 = tpu.memref_slice %arg15[%dma_wait3A_66, %dma_wait3A_67] : memref<10112x128xf32, #tpu.memory_space<vmem_shared>> -> memref<10112x128xf32, #tpu.memory_space<vmem_shared>>
    tpu.wait_indirect_dma semaphore(%arg14 : memref<!tpu.dma_semaphore, #tpu.memory_space<semaphore_mem>>) src(%arg10 : memref<128x128xf32, #tpu.memory_space<vmem>>) dst(%dma_wait3A_68 : memref<10112x128xf32, #tpu.memory_space<vmem_shared>>)
    %mul3A_69 = arith.constant 2 : i32
    %mul3A_70 = arith.muli %add3A, %mul3A_69 : i32
    %add3A_71 = arith.constant 1 : i32
    %add3A_72 = arith.addi %mul3A_70, %add3A_71 : i32
    "tpu.region"() ({
      %run_scoped3A = tpu.sem_alloc : memref<!tpu.dma_semaphore, #tpu.memory_space<semaphore_mem>>
      %dma_start3A_146 = arith.constant 0 : i32
      %dma_start3A_147 = arith.constant 0 : i32
      %dma_start3A_148 = tpu.memref_slice %arg3[%add3A_72, %dma_start3A_146, %dma_start3A_147] : memref<64x40x128xi32, #tpu.memory_space<hbm>> -> memref<1x40x128xi32, #tpu.memory_space<hbm>>
      %dma_start3A_149 = tpu.memref_squeeze %dma_start3A_148 : memref<1x40x128xi32, #tpu.memory_space<hbm>> -> memref<40x128xi32, #tpu.memory_space<hbm>>
      %dma_start3A_150 = arith.constant 0 : i32
      %dma_start3A_151 = arith.constant 0 : i32
      %dma_start3A_152 = tpu.memref_slice %arg3[%add3A_72, %dma_start3A_150, %dma_start3A_151] : memref<64x40x128xi32, #tpu.memory_space<hbm>> -> memref<1x40x128xi32, #tpu.memory_space<hbm>>
      %dma_start3A_153 = tpu.memref_squeeze %dma_start3A_152 : memref<1x40x128xi32, #tpu.memory_space<hbm>> -> memref<40x128xi32, #tpu.memory_space<hbm>>
      tpu.enqueue_dma source(%dma_start3A_153 : memref<40x128xi32, #tpu.memory_space<hbm>>) target(%arg7 : memref<40x128xi32, #tpu.memory_space<vmem>>) target_semaphore(%run_scoped3A : memref<!tpu.dma_semaphore, #tpu.memory_space<semaphore_mem>>)
      %dma_wait3A_154 = arith.constant 0 : i32
      %dma_wait3A_155 = arith.constant 0 : i32
      %dma_wait3A_156 = tpu.memref_slice %arg3[%add3A_72, %dma_wait3A_154, %dma_wait3A_155] : memref<64x40x128xi32, #tpu.memory_space<hbm>> -> memref<1x40x128xi32, #tpu.memory_space<hbm>>
      %dma_wait3A_157 = tpu.memref_squeeze %dma_wait3A_156 : memref<1x40x128xi32, #tpu.memory_space<hbm>> -> memref<40x128xi32, #tpu.memory_space<hbm>>
      %dma_wait3A_158 = arith.constant 0 : i32
      %dma_wait3A_159 = arith.constant 0 : i32
      %dma_wait3A_160 = tpu.memref_slice %arg3[%add3A_72, %dma_wait3A_158, %dma_wait3A_159] : memref<64x40x128xi32, #tpu.memory_space<hbm>> -> memref<1x40x128xi32, #tpu.memory_space<hbm>>
      %dma_wait3A_161 = tpu.memref_squeeze %dma_wait3A_160 : memref<1x40x128xi32, #tpu.memory_space<hbm>> -> memref<40x128xi32, #tpu.memory_space<hbm>>
      tpu.wait_dma2 semaphore(%run_scoped3A : memref<!tpu.dma_semaphore, #tpu.memory_space<semaphore_mem>>) src(%dma_wait3A_161 : memref<40x128xi32, #tpu.memory_space<hbm>>) dst(%arg7 : memref<40x128xi32, #tpu.memory_space<vmem>>)
      tpu.yield
    }) : () -> ()
    %mul3A_73 = arith.constant 2 : i32
    %mul3A_74 = arith.muli %add3A, %mul3A_73 : i32
    %add3A_75 = arith.constant 1 : i32
    %add3A_76 = arith.addi %mul3A_74, %add3A_75 : i32
    "tpu.region"() ({
      %run_scoped3A = tpu.sem_alloc : memref<!tpu.dma_semaphore, #tpu.memory_space<semaphore_mem>>
      %dma_start3A_146 = arith.constant 0 : i32
      %dma_start3A_147 = arith.constant 0 : i32
      %dma_start3A_148 = tpu.memref_slice %arg4[%add3A_76, %dma_start3A_146, %dma_start3A_147] : memref<64x40x128xi32, #tpu.memory_space<hbm>> -> memref<1x40x128xi32, #tpu.memory_space<hbm>>
      %dma_start3A_149 = tpu.memref_squeeze %dma_start3A_148 : memref<1x40x128xi32, #tpu.memory_space<hbm>> -> memref<40x128xi32, #tpu.memory_space<hbm>>
      %dma_start3A_150 = arith.constant 0 : i32
      %dma_start3A_151 = arith.constant 0 : i32
      %dma_start3A_152 = tpu.memref_slice %arg4[%add3A_76, %dma_start3A_150, %dma_start3A_151] : memref<64x40x128xi32, #tpu.memory_space<hbm>> -> memref<1x40x128xi32, #tpu.memory_space<hbm>>
      %dma_start3A_153 = tpu.memref_squeeze %dma_start3A_152 : memref<1x40x128xi32, #tpu.memory_space<hbm>> -> memref<40x128xi32, #tpu.memory_space<hbm>>
      tpu.enqueue_dma source(%dma_start3A_153 : memref<40x128xi32, #tpu.memory_space<hbm>>) target(%arg8 : memref<40x128xi32, #tpu.memory_space<vmem>>) target_semaphore(%run_scoped3A : memref<!tpu.dma_semaphore, #tpu.memory_space<semaphore_mem>>)
      %dma_wait3A_154 = arith.constant 0 : i32
      %dma_wait3A_155 = arith.constant 0 : i32
      %dma_wait3A_156 = tpu.memref_slice %arg4[%add3A_76, %dma_wait3A_154, %dma_wait3A_155] : memref<64x40x128xi32, #tpu.memory_space<hbm>> -> memref<1x40x128xi32, #tpu.memory_space<hbm>>
      %dma_wait3A_157 = tpu.memref_squeeze %dma_wait3A_156 : memref<1x40x128xi32, #tpu.memory_space<hbm>> -> memref<40x128xi32, #tpu.memory_space<hbm>>
      %dma_wait3A_158 = arith.constant 0 : i32
      %dma_wait3A_159 = arith.constant 0 : i32
      %dma_wait3A_160 = tpu.memref_slice %arg4[%add3A_76, %dma_wait3A_158, %dma_wait3A_159] : memref<64x40x128xi32, #tpu.memory_space<hbm>> -> memref<1x40x128xi32, #tpu.memory_space<hbm>>
      %dma_wait3A_161 = tpu.memref_squeeze %dma_wait3A_160 : memref<1x40x128xi32, #tpu.memory_space<hbm>> -> memref<40x128xi32, #tpu.memory_space<hbm>>
      tpu.wait_dma2 semaphore(%run_scoped3A : memref<!tpu.dma_semaphore, #tpu.memory_space<semaphore_mem>>) src(%dma_wait3A_161 : memref<40x128xi32, #tpu.memory_space<hbm>>) dst(%arg8 : memref<40x128xi32, #tpu.memory_space<vmem>>)
      tpu.yield
    }) : () -> ()
    %dma_start3A_77 = arith.constant 0 : i32
    %dma_start3A_78 = arith.constant 0 : i32
    %dma_start3A_79 = tpu.memref_slice %arg7[%dma_start3A_77, %dma_start3A_78] : memref<40x128xi32, #tpu.memory_space<vmem>> -> memref<1x128xi32, #tpu.memory_space<vmem>>
    %dma_start3A_80 = tpu.memref_squeeze %dma_start3A_79 : memref<1x128xi32, #tpu.memory_space<vmem>> -> memref<128xi32, #tpu.memory_space<vmem>>
    %dma_start3A_81 = arith.constant 0 : i32
    %dma_start3A_82 = arith.constant 0 : i32
    %dma_start3A_83 = tpu.memref_slice %arg2[%dma_start3A_81, %dma_start3A_82] : memref<10000x128xf32, #tpu.memory_space<hbm>> -> memref<10000x128xf32, #tpu.memory_space<hbm>>
    tpu.enqueue_indirect_dma source(%dma_start3A_83 : memref<10000x128xf32, #tpu.memory_space<hbm>>) target(%arg9 : memref<128x128xf32, #tpu.memory_space<vmem>>) offsets(%dma_start3A_80 : memref<128xi32, #tpu.memory_space<vmem>>) semaphore(%arg11 : memref<!tpu.dma_semaphore, #tpu.memory_space<semaphore_mem>>)
    %dma_start3A_84 = arith.constant 1 : i32
    %dma_start3A_85 = arith.constant 0 : i32
    %dma_start3A_86 = tpu.memref_slice %arg7[%dma_start3A_84, %dma_start3A_85] : memref<40x128xi32, #tpu.memory_space<vmem>> -> memref<1x128xi32, #tpu.memory_space<vmem>>
    %dma_start3A_87 = tpu.memref_squeeze %dma_start3A_86 : memref<1x128xi32, #tpu.memory_space<vmem>> -> memref<128xi32, #tpu.memory_space<vmem>>
    %dma_start3A_88 = arith.constant 0 : i32
    %dma_start3A_89 = arith.constant 0 : i32
    %dma_start3A_90 = tpu.memref_slice %arg2[%dma_start3A_88, %dma_start3A_89] : memref<10000x128xf32, #tpu.memory_space<hbm>> -> memref<10000x128xf32, #tpu.memory_space<hbm>>
    tpu.enqueue_indirect_dma source(%dma_start3A_90 : memref<10000x128xf32, #tpu.memory_space<hbm>>) target(%arg10 : memref<128x128xf32, #tpu.memory_space<vmem>>) offsets(%dma_start3A_87 : memref<128xi32, #tpu.memory_space<vmem>>) semaphore(%arg12 : memref<!tpu.dma_semaphore, #tpu.memory_space<semaphore_mem>>)
    %scan3A_91 = arith.constant 0 : i32
    %scan3A_92 = arith.constant 19 : i32
    %scan3A_93 = arith.addi %scan3A_91, %scan3A_92 : i32
    %scan3A_94 = arith.constant 1 : i32
    scf.for %scan3A_146 = %scan3A_91 to %scan3A_93 step %scan3A_94  : i32 {
      %mul3A_147 = arith.constant 2 : i32
      %mul3A_148 = arith.muli %scan3A_146, %mul3A_147 : i32
      %add3A_149 = arith.constant 0 : i32
      %add3A_150 = arith.addi %add3A_149, %mul3A_148 : i32
      %dma_wait3A_151 = arith.constant 0 : i32
      %dma_wait3A_152 = arith.constant 0 : i32
      %dma_wait3A_153 = tpu.memref_slice %arg7[%dma_wait3A_151, %dma_wait3A_152] : memref<40x128xi32, #tpu.memory_space<vmem>> -> memref<1x128xi32, #tpu.memory_space<vmem>>
      %dma_wait3A_154 = tpu.memref_squeeze %dma_wait3A_153 : memref<1x128xi32, #tpu.memory_space<vmem>> -> memref<128xi32, #tpu.memory_space<vmem>>
      %dma_wait3A_155 = arith.constant 0 : i32
      %dma_wait3A_156 = arith.constant 0 : i32
      %dma_wait3A_157 = tpu.memref_slice %arg2[%dma_wait3A_155, %dma_wait3A_156] : memref<10000x128xf32, #tpu.memory_space<hbm>> -> memref<10000x128xf32, #tpu.memory_space<hbm>>
      tpu.wait_indirect_dma semaphore(%arg11 : memref<!tpu.dma_semaphore, #tpu.memory_space<semaphore_mem>>) src(%dma_wait3A_157 : memref<10000x128xf32, #tpu.memory_space<hbm>>) dst(%arg9 : memref<128x128xf32, #tpu.memory_space<vmem>>)
      %add3A_158 = arith.constant 0 : i32
      %add3A_159 = arith.addi %add3A_150, %add3A_158 : i32
      %dma_start3A_160 = arith.constant 0 : i32
      %dma_start3A_161 = tpu.memref_slice %arg8[%add3A_159, %dma_start3A_160] : memref<40x128xi32, #tpu.memory_space<vmem>> -> memref<1x128xi32, #tpu.memory_space<vmem>>
      %dma_start3A_162 = tpu.memref_squeeze %dma_start3A_161 : memref<1x128xi32, #tpu.memory_space<vmem>> -> memref<128xi32, #tpu.memory_space<vmem>>
      %dma_start3A_163 = arith.constant 0 : i32
      %dma_start3A_164 = arith.constant 0 : i32
      %dma_start3A_165 = tpu.memref_slice %arg15[%dma_start3A_163, %dma_start3A_164] : memref<10112x128xf32, #tpu.memory_space<vmem_shared>> -> memref<10112x128xf32, #tpu.memory_space<vmem_shared>>
      tpu.enqueue_indirect_dma source(%arg9 : memref<128x128xf32, #tpu.memory_space<vmem>>) target(%dma_start3A_165 : memref<10112x128xf32, #tpu.memory_space<vmem_shared>>) offsets(%dma_start3A_162 : memref<128xi32, #tpu.memory_space<vmem>>) semaphore(%arg13 : memref<!tpu.dma_semaphore, #tpu.memory_space<semaphore_mem>>) {add = true}
      %dma_wait3A_166 = arith.constant 0 : i32
      %dma_wait3A_167 = arith.constant 0 : i32
      %dma_wait3A_168 = tpu.memref_slice %arg7[%dma_wait3A_166, %dma_wait3A_167] : memref<40x128xi32, #tpu.memory_space<vmem>> -> memref<1x128xi32, #tpu.memory_space<vmem>>
      %dma_wait3A_169 = tpu.memref_squeeze %dma_wait3A_168 : memref<1x128xi32, #tpu.memory_space<vmem>> -> memref<128xi32, #tpu.memory_space<vmem>>
      %dma_wait3A_170 = arith.constant 0 : i32
      %dma_wait3A_171 = arith.constant 0 : i32
      %dma_wait3A_172 = tpu.memref_slice %arg2[%dma_wait3A_170, %dma_wait3A_171] : memref<10000x128xf32, #tpu.memory_space<hbm>> -> memref<10000x128xf32, #tpu.memory_space<hbm>>
      tpu.wait_indirect_dma semaphore(%arg12 : memref<!tpu.dma_semaphore, #tpu.memory_space<semaphore_mem>>) src(%dma_wait3A_172 : memref<10000x128xf32, #tpu.memory_space<hbm>>) dst(%arg10 : memref<128x128xf32, #tpu.memory_space<vmem>>)
      %add3A_173 = arith.constant 1 : i32
      %add3A_174 = arith.addi %add3A_150, %add3A_173 : i32
      %dma_start3A_175 = arith.constant 0 : i32
      %dma_start3A_176 = tpu.memref_slice %arg8[%add3A_174, %dma_start3A_175] : memref<40x128xi32, #tpu.memory_space<vmem>> -> memref<1x128xi32, #tpu.memory_space<vmem>>
      %dma_start3A_177 = tpu.memref_squeeze %dma_start3A_176 : memref<1x128xi32, #tpu.memory_space<vmem>> -> memref<128xi32, #tpu.memory_space<vmem>>
      %dma_start3A_178 = arith.constant 0 : i32
      %dma_start3A_179 = arith.constant 0 : i32
      %dma_start3A_180 = tpu.memref_slice %arg15[%dma_start3A_178, %dma_start3A_179] : memref<10112x128xf32, #tpu.memory_space<vmem_shared>> -> memref<10112x128xf32, #tpu.memory_space<vmem_shared>>
      tpu.enqueue_indirect_dma source(%arg10 : memref<128x128xf32, #tpu.memory_space<vmem>>) target(%dma_start3A_180 : memref<10112x128xf32, #tpu.memory_space<vmem_shared>>) offsets(%dma_start3A_177 : memref<128xi32, #tpu.memory_space<vmem>>) semaphore(%arg14 : memref<!tpu.dma_semaphore, #tpu.memory_space<semaphore_mem>>) {add = true}
      %dma_wait3A_181 = arith.constant 0 : i32
      %dma_wait3A_182 = arith.constant 0 : i32
      %dma_wait3A_183 = tpu.memref_slice %arg8[%dma_wait3A_181, %dma_wait3A_182] : memref<40x128xi32, #tpu.memory_space<vmem>> -> memref<1x128xi32, #tpu.memory_space<vmem>>
      %dma_wait3A_184 = tpu.memref_squeeze %dma_wait3A_183 : memref<1x128xi32, #tpu.memory_space<vmem>> -> memref<128xi32, #tpu.memory_space<vmem>>
      %dma_wait3A_185 = arith.constant 0 : i32
      %dma_wait3A_186 = arith.constant 0 : i32
      %dma_wait3A_187 = tpu.memref_slice %arg15[%dma_wait3A_185, %dma_wait3A_186] : memref<10112x128xf32, #tpu.memory_space<vmem_shared>> -> memref<10112x128xf32, #tpu.memory_space<vmem_shared>>
      tpu.wait_indirect_dma semaphore(%arg13 : memref<!tpu.dma_semaphore, #tpu.memory_space<semaphore_mem>>) src(%arg9 : memref<128x128xf32, #tpu.memory_space<vmem>>) dst(%dma_wait3A_187 : memref<10112x128xf32, #tpu.memory_space<vmem_shared>>)
      %add3A_188 = arith.constant 2 : i32
      %add3A_189 = arith.addi %add3A_150, %add3A_188 : i32
      %add3A_190 = arith.constant 0 : i32
      %add3A_191 = arith.addi %add3A_189, %add3A_190 : i32
      %dma_start3A_192 = arith.constant 0 : i32
      %dma_start3A_193 = tpu.memref_slice %arg7[%add3A_191, %dma_start3A_192] : memref<40x128xi32, #tpu.memory_space<vmem>> -> memref<1x128xi32, #tpu.memory_space<vmem>>
      %dma_start3A_194 = tpu.memref_squeeze %dma_start3A_193 : memref<1x128xi32, #tpu.memory_space<vmem>> -> memref<128xi32, #tpu.memory_space<vmem>>
      %dma_start3A_195 = arith.constant 0 : i32
      %dma_start3A_196 = arith.constant 0 : i32
      %dma_start3A_197 = tpu.memref_slice %arg2[%dma_start3A_195, %dma_start3A_196] : memref<10000x128xf32, #tpu.memory_space<hbm>> -> memref<10000x128xf32, #tpu.memory_space<hbm>>
      tpu.enqueue_indirect_dma source(%dma_start3A_197 : memref<10000x128xf32, #tpu.memory_space<hbm>>) target(%arg9 : memref<128x128xf32, #tpu.memory_space<vmem>>) offsets(%dma_start3A_194 : memref<128xi32, #tpu.memory_space<vmem>>) semaphore(%arg11 : memref<!tpu.dma_semaphore, #tpu.memory_space<semaphore_mem>>)
      %dma_wait3A_198 = arith.constant 0 : i32
      %dma_wait3A_199 = arith.constant 0 : i32
      %dma_wait3A_200 = tpu.memref_slice %arg8[%dma_wait3A_198, %dma_wait3A_199] : memref<40x128xi32, #tpu.memory_space<vmem>> -> memref<1x128xi32, #tpu.memory_space<vmem>>
      %dma_wait3A_201 = tpu.memref_squeeze %dma_wait3A_200 : memref<1x128xi32, #tpu.memory_space<vmem>> -> memref<128xi32, #tpu.memory_space<vmem>>
      %dma_wait3A_202 = arith.constant 0 : i32
      %dma_wait3A_203 = arith.constant 0 : i32
      %dma_wait3A_204 = tpu.memref_slice %arg15[%dma_wait3A_202, %dma_wait3A_203] : memref<10112x128xf32, #tpu.memory_space<vmem_shared>> -> memref<10112x128xf32, #tpu.memory_space<vmem_shared>>
      tpu.wait_indirect_dma semaphore(%arg14 : memref<!tpu.dma_semaphore, #tpu.memory_space<semaphore_mem>>) src(%arg10 : memref<128x128xf32, #tpu.memory_space<vmem>>) dst(%dma_wait3A_204 : memref<10112x128xf32, #tpu.memory_space<vmem_shared>>)
      %add3A_205 = arith.constant 2 : i32
      %add3A_206 = arith.addi %add3A_150, %add3A_205 : i32
      %add3A_207 = arith.constant 1 : i32
      %add3A_208 = arith.addi %add3A_206, %add3A_207 : i32
      %dma_start3A_209 = arith.constant 0 : i32
      %dma_start3A_210 = tpu.memref_slice %arg7[%add3A_208, %dma_start3A_209] : memref<40x128xi32, #tpu.memory_space<vmem>> -> memref<1x128xi32, #tpu.memory_space<vmem>>
      %dma_start3A_211 = tpu.memref_squeeze %dma_start3A_210 : memref<1x128xi32, #tpu.memory_space<vmem>> -> memref<128xi32, #tpu.memory_space<vmem>>
      %dma_start3A_212 = arith.constant 0 : i32
      %dma_start3A_213 = arith.constant 0 : i32
      %dma_start3A_214 = tpu.memref_slice %arg2[%dma_start3A_212, %dma_start3A_213] : memref<10000x128xf32, #tpu.memory_space<hbm>> -> memref<10000x128xf32, #tpu.memory_space<hbm>>
      tpu.enqueue_indirect_dma source(%dma_start3A_214 : memref<10000x128xf32, #tpu.memory_space<hbm>>) target(%arg10 : memref<128x128xf32, #tpu.memory_space<vmem>>) offsets(%dma_start3A_211 : memref<128xi32, #tpu.memory_space<vmem>>) semaphore(%arg12 : memref<!tpu.dma_semaphore, #tpu.memory_space<semaphore_mem>>)
    }
    %scan3A_95 = arith.constant 19 : i32
    %dma_wait3A_96 = arith.constant 0 : i32
    %dma_wait3A_97 = arith.constant 0 : i32
    %dma_wait3A_98 = tpu.memref_slice %arg7[%dma_wait3A_96, %dma_wait3A_97] : memref<40x128xi32, #tpu.memory_space<vmem>> -> memref<1x128xi32, #tpu.memory_space<vmem>>
    %dma_wait3A_99 = tpu.memref_squeeze %dma_wait3A_98 : memref<1x128xi32, #tpu.memory_space<vmem>> -> memref<128xi32, #tpu.memory_space<vmem>>
    %dma_wait3A_100 = arith.constant 0 : i32
    %dma_wait3A_101 = arith.constant 0 : i32
    %dma_wait3A_102 = tpu.memref_slice %arg2[%dma_wait3A_100, %dma_wait3A_101] : memref<10000x128xf32, #tpu.memory_space<hbm>> -> memref<10000x128xf32, #tpu.memory_space<hbm>>
    tpu.wait_indirect_dma semaphore(%arg11 : memref<!tpu.dma_semaphore, #tpu.memory_space<semaphore_mem>>) src(%dma_wait3A_102 : memref<10000x128xf32, #tpu.memory_space<hbm>>) dst(%arg9 : memref<128x128xf32, #tpu.memory_space<vmem>>)
    %dma_start3A_103 = arith.constant 38 : i32
    %dma_start3A_104 = arith.constant 0 : i32
    %dma_start3A_105 = tpu.memref_slice %arg8[%dma_start3A_103, %dma_start3A_104] : memref<40x128xi32, #tpu.memory_space<vmem>> -> memref<1x128xi32, #tpu.memory_space<vmem>>
    %dma_start3A_106 = tpu.memref_squeeze %dma_start3A_105 : memref<1x128xi32, #tpu.memory_space<vmem>> -> memref<128xi32, #tpu.memory_space<vmem>>
    %dma_start3A_107 = arith.constant 0 : i32
    %dma_start3A_108 = arith.constant 0 : i32
    %dma_start3A_109 = tpu.memref_slice %arg15[%dma_start3A_107, %dma_start3A_108] : memref<10112x128xf32, #tpu.memory_space<vmem_shared>> -> memref<10112x128xf32, #tpu.memory_space<vmem_shared>>
    tpu.enqueue_indirect_dma source(%arg9 : memref<128x128xf32, #tpu.memory_space<vmem>>) target(%dma_start3A_109 : memref<10112x128xf32, #tpu.memory_space<vmem_shared>>) offsets(%dma_start3A_106 : memref<128xi32, #tpu.memory_space<vmem>>) semaphore(%arg13 : memref<!tpu.dma_semaphore, #tpu.memory_space<semaphore_mem>>) {add = true}
    %dma_wait3A_110 = arith.constant 0 : i32
    %dma_wait3A_111 = arith.constant 0 : i32
    %dma_wait3A_112 = tpu.memref_slice %arg7[%dma_wait3A_110, %dma_wait3A_111] : memref<40x128xi32, #tpu.memory_space<vmem>> -> memref<1x128xi32, #tpu.memory_space<vmem>>
    %dma_wait3A_113 = tpu.memref_squeeze %dma_wait3A_112 : memref<1x128xi32, #tpu.memory_space<vmem>> -> memref<128xi32, #tpu.memory_space<vmem>>
    %dma_wait3A_114 = arith.constant 0 : i32
    %dma_wait3A_115 = arith.constant 0 : i32
    %dma_wait3A_116 = tpu.memref_slice %arg2[%dma_wait3A_114, %dma_wait3A_115] : memref<10000x128xf32, #tpu.memory_space<hbm>> -> memref<10000x128xf32, #tpu.memory_space<hbm>>
    tpu.wait_indirect_dma semaphore(%arg12 : memref<!tpu.dma_semaphore, #tpu.memory_space<semaphore_mem>>) src(%dma_wait3A_116 : memref<10000x128xf32, #tpu.memory_space<hbm>>) dst(%arg10 : memref<128x128xf32, #tpu.memory_space<vmem>>)
    %dma_start3A_117 = arith.constant 39 : i32
    %dma_start3A_118 = arith.constant 0 : i32
    %dma_start3A_119 = tpu.memref_slice %arg8[%dma_start3A_117, %dma_start3A_118] : memref<40x128xi32, #tpu.memory_space<vmem>> -> memref<1x128xi32, #tpu.memory_space<vmem>>
    %dma_start3A_120 = tpu.memref_squeeze %dma_start3A_119 : memref<1x128xi32, #tpu.memory_space<vmem>> -> memref<128xi32, #tpu.memory_space<vmem>>
    %dma_start3A_121 = arith.constant 0 : i32
    %dma_start3A_122 = arith.constant 0 : i32
    %dma_start3A_123 = tpu.memref_slice %arg15[%dma_start3A_121, %dma_start3A_122] : memref<10112x128xf32, #tpu.memory_space<vmem_shared>> -> memref<10112x128xf32, #tpu.memory_space<vmem_shared>>
    tpu.enqueue_indirect_dma source(%arg10 : memref<128x128xf32, #tpu.memory_space<vmem>>) target(%dma_start3A_123 : memref<10112x128xf32, #tpu.memory_space<vmem_shared>>) offsets(%dma_start3A_120 : memref<128xi32, #tpu.memory_space<vmem>>) semaphore(%arg14 : memref<!tpu.dma_semaphore, #tpu.memory_space<semaphore_mem>>) {add = true}
    %dma_wait3A_124 = arith.constant 0 : i32
    %dma_wait3A_125 = arith.constant 0 : i32
    %dma_wait3A_126 = tpu.memref_slice %arg8[%dma_wait3A_124, %dma_wait3A_125] : memref<40x128xi32, #tpu.memory_space<vmem>> -> memref<1x128xi32, #tpu.memory_space<vmem>>
    %dma_wait3A_127 = tpu.memref_squeeze %dma_wait3A_126 : memref<1x128xi32, #tpu.memory_space<vmem>> -> memref<128xi32, #tpu.memory_space<vmem>>
    %dma_wait3A_128 = arith.constant 0 : i32
    %dma_wait3A_129 = arith.constant 0 : i32
    %dma_wait3A_130 = tpu.memref_slice %arg15[%dma_wait3A_128, %dma_wait3A_129] : memref<10112x128xf32, #tpu.memory_space<vmem_shared>> -> memref<10112x128xf32, #tpu.memory_space<vmem_shared>>
    tpu.wait_indirect_dma semaphore(%arg13 : memref<!tpu.dma_semaphore, #tpu.memory_space<semaphore_mem>>) src(%arg9 : memref<128x128xf32, #tpu.memory_space<vmem>>) dst(%dma_wait3A_130 : memref<10112x128xf32, #tpu.memory_space<vmem_shared>>)
    %dma_wait3A_131 = arith.constant 0 : i32
    %dma_wait3A_132 = arith.constant 0 : i32
    %dma_wait3A_133 = tpu.memref_slice %arg8[%dma_wait3A_131, %dma_wait3A_132] : memref<40x128xi32, #tpu.memory_space<vmem>> -> memref<1x128xi32, #tpu.memory_space<vmem>>
    %dma_wait3A_134 = tpu.memref_squeeze %dma_wait3A_133 : memref<1x128xi32, #tpu.memory_space<vmem>> -> memref<128xi32, #tpu.memory_space<vmem>>
    %dma_wait3A_135 = arith.constant 0 : i32
    %dma_wait3A_136 = arith.constant 0 : i32
    %dma_wait3A_137 = tpu.memref_slice %arg15[%dma_wait3A_135, %dma_wait3A_136] : memref<10112x128xf32, #tpu.memory_space<vmem_shared>> -> memref<10112x128xf32, #tpu.memory_space<vmem_shared>>
    tpu.wait_indirect_dma semaphore(%arg14 : memref<!tpu.dma_semaphore, #tpu.memory_space<semaphore_mem>>) src(%arg10 : memref<128x128xf32, #tpu.memory_space<vmem>>) dst(%dma_wait3A_137 : memref<10112x128xf32, #tpu.memory_space<vmem_shared>>)
    %barrier3A_138 = arith.constant 0 : index
    tpu.barrier barrier_id(%barrier3A_138)
    %mul3A_139 = arith.constant 632 : i32
    %mul3A_140 = arith.muli %arg1, %mul3A_139 : i32
    %mul3A_141 = arith.constant 10112 : i32
    %mul3A_142 = arith.muli %arg0, %mul3A_141 : i32
    %mul3A_143 = arith.constant 632 : i32
    %mul3A_144 = arith.muli %arg1, %mul3A_143 : i32
    %add3A_145 = arith.addi %mul3A_142, %mul3A_144 : i32
    "tpu.region"() ({
      %run_scoped3A = tpu.sem_alloc : memref<!tpu.dma_semaphore, #tpu.memory_space<semaphore_mem>>
      %dma_start3A_146 = arith.constant 0 : i32
      %dma_start3A_147 = tpu.memref_slice %arg6[%add3A_145, %dma_start3A_146] : memref<20224x128xf32, #tpu.memory_space<hbm>> -> memref<632x128xf32, #tpu.memory_space<hbm>>
      %dma_start3A_148 = arith.constant 0 : i32
      %dma_start3A_149 = tpu.memref_slice %arg15[%mul3A_140, %dma_start3A_148] : memref<10112x128xf32, #tpu.memory_space<vmem_shared>> -> memref<632x128xf32, #tpu.memory_space<vmem_shared>>
      tpu.enqueue_dma source(%dma_start3A_149 : memref<632x128xf32, #tpu.memory_space<vmem_shared>>) target(%dma_start3A_147 : memref<632x128xf32, #tpu.memory_space<hbm>>) target_semaphore(%run_scoped3A : memref<!tpu.dma_semaphore, #tpu.memory_space<semaphore_mem>>)
      %dma_wait3A_150 = arith.constant 0 : i32
      %dma_wait3A_151 = tpu.memref_slice %arg6[%add3A_145, %dma_wait3A_150] : memref<20224x128xf32, #tpu.memory_space<hbm>> -> memref<632x128xf32, #tpu.memory_space<hbm>>
      %dma_wait3A_152 = arith.constant 0 : i32
      %dma_wait3A_153 = tpu.memref_slice %arg15[%mul3A_140, %dma_wait3A_152] : memref<10112x128xf32, #tpu.memory_space<vmem_shared>> -> memref<632x128xf32, #tpu.memory_space<vmem_shared>>
      tpu.wait_dma2 semaphore(%run_scoped3A : memref<!tpu.dma_semaphore, #tpu.memory_space<semaphore_mem>>) src(%dma_wait3A_153 : memref<632x128xf32, #tpu.memory_space<vmem_shared>>) dst(%dma_wait3A_151 : memref<632x128xf32, #tpu.memory_space<hbm>>)
      tpu.yield
    }) : () -> ()
    return
  }
}

#map = affine_map<(d0, d1) -> (0, 0)>
#map1 = affine_map<(d0, d1) -> (0, 0, 0)>
module attributes {stable_mosaic.version = 14 : i64} {
  func.func @agg_kernel(%arg0: i32, %arg1: i32, %arg2: memref<10000x128xf32, #tpu.memory_space<hbm>>, %arg3: memref<64x40x128xi32, #tpu.memory_space<hbm>>, %arg4: memref<64x40x128xi32, #tpu.memory_space<hbm>>, %arg5: memref<632x128xf32, #tpu.memory_space<hbm>>, %arg6: memref<20224x128xf32, #tpu.memory_space<hbm>>, %arg7: memref<40x128xi32, #tpu.memory_space<vmem>>, %arg8: memref<40x128xi32, #tpu.memory_space<vmem>>, %arg9: memref<128x128xf32, #tpu.memory_space<vmem>>, %arg10: memref<128x128xf32, #tpu.memory_space<vmem>>, %arg11: memref<!tpu.dma_semaphore, #tpu.memory_space<semaphore_mem>>, %arg12: memref<!tpu.dma_semaphore, #tpu.memory_space<semaphore_mem>>, %arg13: memref<!tpu.dma_semaphore, #tpu.memory_space<semaphore_mem>>, %arg14: memref<!tpu.dma_semaphore, #tpu.memory_space<semaphore_mem>>, %arg15: memref<10112x128xf32, #tpu.memory_space<vmem_shared>>) attributes {dimension_semantics = [#tpu.dimension_semantics<core_parallel>, #tpu.dimension_semantics<subcore_parallel>], iteration_bounds = array<i64: 2, 16>, scalar_prefetch = 0 : i64, scratch_operands = 9 : i64, tpu.core_type = #tpu.core_type<sc_vector_subcore>, window_params = [{transform_indices = #map}, {transform_indices = #map1}, {transform_indices = #map1}, {transform_indices = #map}, {transform_indices = #map}]} {
    %mul3A = arith.constant 16 : i32
    %mul3A_0 = arith.muli %arg0, %mul3A : i32
    %add3A = arith.addi %mul3A_0, %arg1 : i32
    %mul3A_1 = arith.constant 632 : i32
    %mul3A_2 = arith.muli %arg1, %mul3A_1 : i32
    "tpu.region"() ({
      %run_scoped3A = tpu.sem_alloc : memref<!tpu.dma_semaphore, #tpu.memory_space<semaphore_mem>>
      %dma_start3A_146 = arith.constant 0 : i32
      %dma_start3A_147 = tpu.memref_slice %arg15[%mul3A_2, %dma_start3A_146] : memref<10112x128xf32, #tpu.memory_space<vmem_shared>> -> memref<632x128xf32, #tpu.memory_space<vmem_shared>>
      tpu.enqueue_dma source(%arg5 : memref<632x128xf32, #tpu.memory_space<hbm>>) target(%dma_start3A_147 : memref<632x128xf32, #tpu.memory_space<vmem_shared>>) target_semaphore(%run_scoped3A : memref<!tpu.dma_semaphore, #tpu.memory_space<semaphore_mem>>)
      %dma_wait3A_148 = arith.constant 0 : i32
      %dma_wait3A_149 = tpu.memref_slice %arg15[%mul3A_2, %dma_wait3A_148] : memref<10112x128xf32, #tpu.memory_space<vmem_shared>> -> memref<632x128xf32, #tpu.memory_space<vmem_shared>>
      tpu.wait_dma2 semaphore(%run_scoped3A : memref<!tpu.dma_semaphore, #tpu.memory_space<semaphore_mem>>) src(%arg5 : memref<632x128xf32, #tpu.memory_space<hbm>>) dst(%dma_wait3A_149 : memref<632x128xf32, #tpu.memory_space<vmem_shared>>)
      tpu.yield
    }) : () -> ()
    %barrier3A = arith.constant 0 : index
    tpu.barrier barrier_id(%barrier3A)
    %mul3A_3 = arith.constant 2 : i32
    %mul3A_4 = arith.muli %add3A, %mul3A_3 : i32
    %add3A_5 = arith.constant 0 : i32
    %add3A_6 = arith.addi %mul3A_4, %add3A_5 : i32
    "tpu.region"() ({
      %run_scoped3A = tpu.sem_alloc : memref<!tpu.dma_semaphore, #tpu.memory_space<semaphore_mem>>
      %dma_start3A_146 = arith.constant 0 : i32
      %dma_start3A_147 = arith.constant 0 : i32
      %dma_start3A_148 = tpu.memref_slice %arg3[%add3A_6, %dma_start3A_146, %dma_start3A_147] : memref<64x40x128xi32, #tpu.memory_space<hbm>> -> memref<1x40x128xi32, #tpu.memory_space<hbm>>
      %dma_start3A_149 = tpu.memref_squeeze %dma_start3A_148 : memref<1x40x128xi32, #tpu.memory_space<hbm>> -> memref<40x128xi32, #tpu.memory_space<hbm>>
      %dma_start3A_150 = arith.constant 0 : i32
      %dma_start3A_151 = arith.constant 0 : i32
      %dma_start3A_152 = tpu.memref_slice %arg3[%add3A_6, %dma_start3A_150, %dma_start3A_151] : memref<64x40x128xi32, #tpu.memory_space<hbm>> -> memref<1x40x128xi32, #tpu.memory_space<hbm>>
      %dma_start3A_153 = tpu.memref_squeeze %dma_start3A_152 : memref<1x40x128xi32, #tpu.memory_space<hbm>> -> memref<40x128xi32, #tpu.memory_space<hbm>>
      tpu.enqueue_dma source(%dma_start3A_153 : memref<40x128xi32, #tpu.memory_space<hbm>>) target(%arg7 : memref<40x128xi32, #tpu.memory_space<vmem>>) target_semaphore(%run_scoped3A : memref<!tpu.dma_semaphore, #tpu.memory_space<semaphore_mem>>)
      %dma_wait3A_154 = arith.constant 0 : i32
      %dma_wait3A_155 = arith.constant 0 : i32
      %dma_wait3A_156 = tpu.memref_slice %arg3[%add3A_6, %dma_wait3A_154, %dma_wait3A_155] : memref<64x40x128xi32, #tpu.memory_space<hbm>> -> memref<1x40x128xi32, #tpu.memory_space<hbm>>
      %dma_wait3A_157 = tpu.memref_squeeze %dma_wait3A_156 : memref<1x40x128xi32, #tpu.memory_space<hbm>> -> memref<40x128xi32, #tpu.memory_space<hbm>>
      %dma_wait3A_158 = arith.constant 0 : i32
      %dma_wait3A_159 = arith.constant 0 : i32
      %dma_wait3A_160 = tpu.memref_slice %arg3[%add3A_6, %dma_wait3A_158, %dma_wait3A_159] : memref<64x40x128xi32, #tpu.memory_space<hbm>> -> memref<1x40x128xi32, #tpu.memory_space<hbm>>
      %dma_wait3A_161 = tpu.memref_squeeze %dma_wait3A_160 : memref<1x40x128xi32, #tpu.memory_space<hbm>> -> memref<40x128xi32, #tpu.memory_space<hbm>>
      tpu.wait_dma2 semaphore(%run_scoped3A : memref<!tpu.dma_semaphore, #tpu.memory_space<semaphore_mem>>) src(%dma_wait3A_161 : memref<40x128xi32, #tpu.memory_space<hbm>>) dst(%arg7 : memref<40x128xi32, #tpu.memory_space<vmem>>)
      tpu.yield
    }) : () -> ()
    %mul3A_7 = arith.constant 2 : i32
    %mul3A_8 = arith.muli %add3A, %mul3A_7 : i32
    %add3A_9 = arith.constant 0 : i32
    %add3A_10 = arith.addi %mul3A_8, %add3A_9 : i32
    "tpu.region"() ({
      %run_scoped3A = tpu.sem_alloc : memref<!tpu.dma_semaphore, #tpu.memory_space<semaphore_mem>>
      %dma_start3A_146 = arith.constant 0 : i32
      %dma_start3A_147 = arith.constant 0 : i32
      %dma_start3A_148 = tpu.memref_slice %arg4[%add3A_10, %dma_start3A_146, %dma_start3A_147] : memref<64x40x128xi32, #tpu.memory_space<hbm>> -> memref<1x40x128xi32, #tpu.memory_space<hbm>>
      %dma_start3A_149 = tpu.memref_squeeze %dma_start3A_148 : memref<1x40x128xi32, #tpu.memory_space<hbm>> -> memref<40x128xi32, #tpu.memory_space<hbm>>
      %dma_start3A_150 = arith.constant 0 : i32
      %dma_start3A_151 = arith.constant 0 : i32
      %dma_start3A_152 = tpu.memref_slice %arg4[%add3A_10, %dma_start3A_150, %dma_start3A_151] : memref<64x40x128xi32, #tpu.memory_space<hbm>> -> memref<1x40x128xi32, #tpu.memory_space<hbm>>
      %dma_start3A_153 = tpu.memref_squeeze %dma_start3A_152 : memref<1x40x128xi32, #tpu.memory_space<hbm>> -> memref<40x128xi32, #tpu.memory_space<hbm>>
      tpu.enqueue_dma source(%dma_start3A_153 : memref<40x128xi32, #tpu.memory_space<hbm>>) target(%arg8 : memref<40x128xi32, #tpu.memory_space<vmem>>) target_semaphore(%run_scoped3A : memref<!tpu.dma_semaphore, #tpu.memory_space<semaphore_mem>>)
      %dma_wait3A_154 = arith.constant 0 : i32
      %dma_wait3A_155 = arith.constant 0 : i32
      %dma_wait3A_156 = tpu.memref_slice %arg4[%add3A_10, %dma_wait3A_154, %dma_wait3A_155] : memref<64x40x128xi32, #tpu.memory_space<hbm>> -> memref<1x40x128xi32, #tpu.memory_space<hbm>>
      %dma_wait3A_157 = tpu.memref_squeeze %dma_wait3A_156 : memref<1x40x128xi32, #tpu.memory_space<hbm>> -> memref<40x128xi32, #tpu.memory_space<hbm>>
      %dma_wait3A_158 = arith.constant 0 : i32
      %dma_wait3A_159 = arith.constant 0 : i32
      %dma_wait3A_160 = tpu.memref_slice %arg4[%add3A_10, %dma_wait3A_158, %dma_wait3A_159] : memref<64x40x128xi32, #tpu.memory_space<hbm>> -> memref<1x40x128xi32, #tpu.memory_space<hbm>>
      %dma_wait3A_161 = tpu.memref_squeeze %dma_wait3A_160 : memref<1x40x128xi32, #tpu.memory_space<hbm>> -> memref<40x128xi32, #tpu.memory_space<hbm>>
      tpu.wait_dma2 semaphore(%run_scoped3A : memref<!tpu.dma_semaphore, #tpu.memory_space<semaphore_mem>>) src(%dma_wait3A_161 : memref<40x128xi32, #tpu.memory_space<hbm>>) dst(%arg8 : memref<40x128xi32, #tpu.memory_space<vmem>>)
      tpu.yield
    }) : () -> ()
    %dma_start3A = arith.constant 0 : i32
    %dma_start3A_11 = arith.constant 0 : i32
    %dma_start3A_12 = tpu.memref_slice %arg7[%dma_start3A, %dma_start3A_11] : memref<40x128xi32, #tpu.memory_space<vmem>> -> memref<1x128xi32, #tpu.memory_space<vmem>>
    %dma_start3A_13 = tpu.memref_squeeze %dma_start3A_12 : memref<1x128xi32, #tpu.memory_space<vmem>> -> memref<128xi32, #tpu.memory_space<vmem>>
    %dma_start3A_14 = arith.constant 0 : i32
    %dma_start3A_15 = arith.constant 0 : i32
    %dma_start3A_16 = tpu.memref_slice %arg2[%dma_start3A_14, %dma_start3A_15] : memref<10000x128xf32, #tpu.memory_space<hbm>> -> memref<10000x128xf32, #tpu.memory_space<hbm>>
    tpu.enqueue_indirect_dma source(%dma_start3A_16 : memref<10000x128xf32, #tpu.memory_space<hbm>>) target(%arg9 : memref<128x128xf32, #tpu.memory_space<vmem>>) offsets(%dma_start3A_13 : memref<128xi32, #tpu.memory_space<vmem>>) semaphore(%arg11 : memref<!tpu.dma_semaphore, #tpu.memory_space<semaphore_mem>>)
    %dma_start3A_17 = arith.constant 1 : i32
    %dma_start3A_18 = arith.constant 0 : i32
    %dma_start3A_19 = tpu.memref_slice %arg7[%dma_start3A_17, %dma_start3A_18] : memref<40x128xi32, #tpu.memory_space<vmem>> -> memref<1x128xi32, #tpu.memory_space<vmem>>
    %dma_start3A_20 = tpu.memref_squeeze %dma_start3A_19 : memref<1x128xi32, #tpu.memory_space<vmem>> -> memref<128xi32, #tpu.memory_space<vmem>>
    %dma_start3A_21 = arith.constant 0 : i32
    %dma_start3A_22 = arith.constant 0 : i32
    %dma_start3A_23 = tpu.memref_slice %arg2[%dma_start3A_21, %dma_start3A_22] : memref<10000x128xf32, #tpu.memory_space<hbm>> -> memref<10000x128xf32, #tpu.memory_space<hbm>>
    tpu.enqueue_indirect_dma source(%dma_start3A_23 : memref<10000x128xf32, #tpu.memory_space<hbm>>) target(%arg10 : memref<128x128xf32, #tpu.memory_space<vmem>>) offsets(%dma_start3A_20 : memref<128xi32, #tpu.memory_space<vmem>>) semaphore(%arg12 : memref<!tpu.dma_semaphore, #tpu.memory_space<semaphore_mem>>)
    %scan3A = arith.constant 0 : i32
    %scan3A_24 = arith.constant 19 : i32
    %scan3A_25 = arith.addi %scan3A, %scan3A_24 : i32
    %scan3A_26 = arith.constant 1 : i32
    scf.for %scan3A_146 = %scan3A to %scan3A_25 step %scan3A_26  : i32 {
      %mul3A_147 = arith.constant 2 : i32
      %mul3A_148 = arith.muli %scan3A_146, %mul3A_147 : i32
      %add3A_149 = arith.constant 0 : i32
      %add3A_150 = arith.addi %add3A_149, %mul3A_148 : i32
      %dma_wait3A_151 = arith.constant 0 : i32
      %dma_wait3A_152 = arith.constant 0 : i32
      %dma_wait3A_153 = tpu.memref_slice %arg7[%dma_wait3A_151, %dma_wait3A_152] : memref<40x128xi32, #tpu.memory_space<vmem>> -> memref<1x128xi32, #tpu.memory_space<vmem>>
      %dma_wait3A_154 = tpu.memref_squeeze %dma_wait3A_153 : memref<1x128xi32, #tpu.memory_space<vmem>> -> memref<128xi32, #tpu.memory_space<vmem>>
      %dma_wait3A_155 = arith.constant 0 : i32
      %dma_wait3A_156 = arith.constant 0 : i32
      %dma_wait3A_157 = tpu.memref_slice %arg2[%dma_wait3A_155, %dma_wait3A_156] : memref<10000x128xf32, #tpu.memory_space<hbm>> -> memref<10000x128xf32, #tpu.memory_space<hbm>>
      tpu.wait_indirect_dma semaphore(%arg11 : memref<!tpu.dma_semaphore, #tpu.memory_space<semaphore_mem>>) src(%dma_wait3A_157 : memref<10000x128xf32, #tpu.memory_space<hbm>>) dst(%arg9 : memref<128x128xf32, #tpu.memory_space<vmem>>)
      %add3A_158 = arith.constant 0 : i32
      %add3A_159 = arith.addi %add3A_150, %add3A_158 : i32
      %dma_start3A_160 = arith.constant 0 : i32
      %dma_start3A_161 = tpu.memref_slice %arg8[%add3A_159, %dma_start3A_160] : memref<40x128xi32, #tpu.memory_space<vmem>> -> memref<1x128xi32, #tpu.memory_space<vmem>>
      %dma_start3A_162 = tpu.memref_squeeze %dma_start3A_161 : memref<1x128xi32, #tpu.memory_space<vmem>> -> memref<128xi32, #tpu.memory_space<vmem>>
      %dma_start3A_163 = arith.constant 0 : i32
      %dma_start3A_164 = arith.constant 0 : i32
      %dma_start3A_165 = tpu.memref_slice %arg15[%dma_start3A_163, %dma_start3A_164] : memref<10112x128xf32, #tpu.memory_space<vmem_shared>> -> memref<10112x128xf32, #tpu.memory_space<vmem_shared>>
      tpu.enqueue_indirect_dma source(%arg9 : memref<128x128xf32, #tpu.memory_space<vmem>>) target(%dma_start3A_165 : memref<10112x128xf32, #tpu.memory_space<vmem_shared>>) offsets(%dma_start3A_162 : memref<128xi32, #tpu.memory_space<vmem>>) semaphore(%arg13 : memref<!tpu.dma_semaphore, #tpu.memory_space<semaphore_mem>>) {add = true}
      %dma_wait3A_166 = arith.constant 0 : i32
      %dma_wait3A_167 = arith.constant 0 : i32
      %dma_wait3A_168 = tpu.memref_slice %arg7[%dma_wait3A_166, %dma_wait3A_167] : memref<40x128xi32, #tpu.memory_space<vmem>> -> memref<1x128xi32, #tpu.memory_space<vmem>>
      %dma_wait3A_169 = tpu.memref_squeeze %dma_wait3A_168 : memref<1x128xi32, #tpu.memory_space<vmem>> -> memref<128xi32, #tpu.memory_space<vmem>>
      %dma_wait3A_170 = arith.constant 0 : i32
      %dma_wait3A_171 = arith.constant 0 : i32
      %dma_wait3A_172 = tpu.memref_slice %arg2[%dma_wait3A_170, %dma_wait3A_171] : memref<10000x128xf32, #tpu.memory_space<hbm>> -> memref<10000x128xf32, #tpu.memory_space<hbm>>
      tpu.wait_indirect_dma semaphore(%arg12 : memref<!tpu.dma_semaphore, #tpu.memory_space<semaphore_mem>>) src(%dma_wait3A_172 : memref<10000x128xf32, #tpu.memory_space<hbm>>) dst(%arg10 : memref<128x128xf32, #tpu.memory_space<vmem>>)
      %add3A_173 = arith.constant 1 : i32
      %add3A_174 = arith.addi %add3A_150, %add3A_173 : i32
      %dma_start3A_175 = arith.constant 0 : i32
      %dma_start3A_176 = tpu.memref_slice %arg8[%add3A_174, %dma_start3A_175] : memref<40x128xi32, #tpu.memory_space<vmem>> -> memref<1x128xi32, #tpu.memory_space<vmem>>
      %dma_start3A_177 = tpu.memref_squeeze %dma_start3A_176 : memref<1x128xi32, #tpu.memory_space<vmem>> -> memref<128xi32, #tpu.memory_space<vmem>>
      %dma_start3A_178 = arith.constant 0 : i32
      %dma_start3A_179 = arith.constant 0 : i32
      %dma_start3A_180 = tpu.memref_slice %arg15[%dma_start3A_178, %dma_start3A_179] : memref<10112x128xf32, #tpu.memory_space<vmem_shared>> -> memref<10112x128xf32, #tpu.memory_space<vmem_shared>>
      tpu.enqueue_indirect_dma source(%arg10 : memref<128x128xf32, #tpu.memory_space<vmem>>) target(%dma_start3A_180 : memref<10112x128xf32, #tpu.memory_space<vmem_shared>>) offsets(%dma_start3A_177 : memref<128xi32, #tpu.memory_space<vmem>>) semaphore(%arg14 : memref<!tpu.dma_semaphore, #tpu.memory_space<semaphore_mem>>) {add = true}
      %dma_wait3A_181 = arith.constant 0 : i32
      %dma_wait3A_182 = arith.constant 0 : i32
      %dma_wait3A_183 = tpu.memref_slice %arg8[%dma_wait3A_181, %dma_wait3A_182] : memref<40x128xi32, #tpu.memory_space<vmem>> -> memref<1x128xi32, #tpu.memory_space<vmem>>
      %dma_wait3A_184 = tpu.memref_squeeze %dma_wait3A_183 : memref<1x128xi32, #tpu.memory_space<vmem>> -> memref<128xi32, #tpu.memory_space<vmem>>
      %dma_wait3A_185 = arith.constant 0 : i32
      %dma_wait3A_186 = arith.constant 0 : i32
      %dma_wait3A_187 = tpu.memref_slice %arg15[%dma_wait3A_185, %dma_wait3A_186] : memref<10112x128xf32, #tpu.memory_space<vmem_shared>> -> memref<10112x128xf32, #tpu.memory_space<vmem_shared>>
      tpu.wait_indirect_dma semaphore(%arg13 : memref<!tpu.dma_semaphore, #tpu.memory_space<semaphore_mem>>) src(%arg9 : memref<128x128xf32, #tpu.memory_space<vmem>>) dst(%dma_wait3A_187 : memref<10112x128xf32, #tpu.memory_space<vmem_shared>>)
      %add3A_188 = arith.constant 2 : i32
      %add3A_189 = arith.addi %add3A_150, %add3A_188 : i32
      %add3A_190 = arith.constant 0 : i32
      %add3A_191 = arith.addi %add3A_189, %add3A_190 : i32
      %dma_start3A_192 = arith.constant 0 : i32
      %dma_start3A_193 = tpu.memref_slice %arg7[%add3A_191, %dma_start3A_192] : memref<40x128xi32, #tpu.memory_space<vmem>> -> memref<1x128xi32, #tpu.memory_space<vmem>>
      %dma_start3A_194 = tpu.memref_squeeze %dma_start3A_193 : memref<1x128xi32, #tpu.memory_space<vmem>> -> memref<128xi32, #tpu.memory_space<vmem>>
      %dma_start3A_195 = arith.constant 0 : i32
      %dma_start3A_196 = arith.constant 0 : i32
      %dma_start3A_197 = tpu.memref_slice %arg2[%dma_start3A_195, %dma_start3A_196] : memref<10000x128xf32, #tpu.memory_space<hbm>> -> memref<10000x128xf32, #tpu.memory_space<hbm>>
      tpu.enqueue_indirect_dma source(%dma_start3A_197 : memref<10000x128xf32, #tpu.memory_space<hbm>>) target(%arg9 : memref<128x128xf32, #tpu.memory_space<vmem>>) offsets(%dma_start3A_194 : memref<128xi32, #tpu.memory_space<vmem>>) semaphore(%arg11 : memref<!tpu.dma_semaphore, #tpu.memory_space<semaphore_mem>>)
      %dma_wait3A_198 = arith.constant 0 : i32
      %dma_wait3A_199 = arith.constant 0 : i32
      %dma_wait3A_200 = tpu.memref_slice %arg8[%dma_wait3A_198, %dma_wait3A_199] : memref<40x128xi32, #tpu.memory_space<vmem>> -> memref<1x128xi32, #tpu.memory_space<vmem>>
      %dma_wait3A_201 = tpu.memref_squeeze %dma_wait3A_200 : memref<1x128xi32, #tpu.memory_space<vmem>> -> memref<128xi32, #tpu.memory_space<vmem>>
      %dma_wait3A_202 = arith.constant 0 : i32
      %dma_wait3A_203 = arith.constant 0 : i32
      %dma_wait3A_204 = tpu.memref_slice %arg15[%dma_wait3A_202, %dma_wait3A_203] : memref<10112x128xf32, #tpu.memory_space<vmem_shared>> -> memref<10112x128xf32, #tpu.memory_space<vmem_shared>>
      tpu.wait_indirect_dma semaphore(%arg14 : memref<!tpu.dma_semaphore, #tpu.memory_space<semaphore_mem>>) src(%arg10 : memref<128x128xf32, #tpu.memory_space<vmem>>) dst(%dma_wait3A_204 : memref<10112x128xf32, #tpu.memory_space<vmem_shared>>)
      %add3A_205 = arith.constant 2 : i32
      %add3A_206 = arith.addi %add3A_150, %add3A_205 : i32
      %add3A_207 = arith.constant 1 : i32
      %add3A_208 = arith.addi %add3A_206, %add3A_207 : i32
      %dma_start3A_209 = arith.constant 0 : i32
      %dma_start3A_210 = tpu.memref_slice %arg7[%add3A_208, %dma_start3A_209] : memref<40x128xi32, #tpu.memory_space<vmem>> -> memref<1x128xi32, #tpu.memory_space<vmem>>
      %dma_start3A_211 = tpu.memref_squeeze %dma_start3A_210 : memref<1x128xi32, #tpu.memory_space<vmem>> -> memref<128xi32, #tpu.memory_space<vmem>>
      %dma_start3A_212 = arith.constant 0 : i32
      %dma_start3A_213 = arith.constant 0 : i32
      %dma_start3A_214 = tpu.memref_slice %arg2[%dma_start3A_212, %dma_start3A_213] : memref<10000x128xf32, #tpu.memory_space<hbm>> -> memref<10000x128xf32, #tpu.memory_space<hbm>>
      tpu.enqueue_indirect_dma source(%dma_start3A_214 : memref<10000x128xf32, #tpu.memory_space<hbm>>) target(%arg10 : memref<128x128xf32, #tpu.memory_space<vmem>>) offsets(%dma_start3A_211 : memref<128xi32, #tpu.memory_space<vmem>>) semaphore(%arg12 : memref<!tpu.dma_semaphore, #tpu.memory_space<semaphore_mem>>)
    }
    %scan3A_27 = arith.constant 19 : i32
    %dma_wait3A = arith.constant 0 : i32
    %dma_wait3A_28 = arith.constant 0 : i32
    %dma_wait3A_29 = tpu.memref_slice %arg7[%dma_wait3A, %dma_wait3A_28] : memref<40x128xi32, #tpu.memory_space<vmem>> -> memref<1x128xi32, #tpu.memory_space<vmem>>
    %dma_wait3A_30 = tpu.memref_squeeze %dma_wait3A_29 : memref<1x128xi32, #tpu.memory_space<vmem>> -> memref<128xi32, #tpu.memory_space<vmem>>
    %dma_wait3A_31 = arith.constant 0 : i32
    %dma_wait3A_32 = arith.constant 0 : i32
    %dma_wait3A_33 = tpu.memref_slice %arg2[%dma_wait3A_31, %dma_wait3A_32] : memref<10000x128xf32, #tpu.memory_space<hbm>> -> memref<10000x128xf32, #tpu.memory_space<hbm>>
    tpu.wait_indirect_dma semaphore(%arg11 : memref<!tpu.dma_semaphore, #tpu.memory_space<semaphore_mem>>) src(%dma_wait3A_33 : memref<10000x128xf32, #tpu.memory_space<hbm>>) dst(%arg9 : memref<128x128xf32, #tpu.memory_space<vmem>>)
    %dma_start3A_34 = arith.constant 38 : i32
    %dma_start3A_35 = arith.constant 0 : i32
    %dma_start3A_36 = tpu.memref_slice %arg8[%dma_start3A_34, %dma_start3A_35] : memref<40x128xi32, #tpu.memory_space<vmem>> -> memref<1x128xi32, #tpu.memory_space<vmem>>
    %dma_start3A_37 = tpu.memref_squeeze %dma_start3A_36 : memref<1x128xi32, #tpu.memory_space<vmem>> -> memref<128xi32, #tpu.memory_space<vmem>>
    %dma_start3A_38 = arith.constant 0 : i32
    %dma_start3A_39 = arith.constant 0 : i32
    %dma_start3A_40 = tpu.memref_slice %arg15[%dma_start3A_38, %dma_start3A_39] : memref<10112x128xf32, #tpu.memory_space<vmem_shared>> -> memref<10112x128xf32, #tpu.memory_space<vmem_shared>>
    tpu.enqueue_indirect_dma source(%arg9 : memref<128x128xf32, #tpu.memory_space<vmem>>) target(%dma_start3A_40 : memref<10112x128xf32, #tpu.memory_space<vmem_shared>>) offsets(%dma_start3A_37 : memref<128xi32, #tpu.memory_space<vmem>>) semaphore(%arg13 : memref<!tpu.dma_semaphore, #tpu.memory_space<semaphore_mem>>) {add = true}
    %dma_wait3A_41 = arith.constant 0 : i32
    %dma_wait3A_42 = arith.constant 0 : i32
    %dma_wait3A_43 = tpu.memref_slice %arg7[%dma_wait3A_41, %dma_wait3A_42] : memref<40x128xi32, #tpu.memory_space<vmem>> -> memref<1x128xi32, #tpu.memory_space<vmem>>
    %dma_wait3A_44 = tpu.memref_squeeze %dma_wait3A_43 : memref<1x128xi32, #tpu.memory_space<vmem>> -> memref<128xi32, #tpu.memory_space<vmem>>
    %dma_wait3A_45 = arith.constant 0 : i32
    %dma_wait3A_46 = arith.constant 0 : i32
    %dma_wait3A_47 = tpu.memref_slice %arg2[%dma_wait3A_45, %dma_wait3A_46] : memref<10000x128xf32, #tpu.memory_space<hbm>> -> memref<10000x128xf32, #tpu.memory_space<hbm>>
    tpu.wait_indirect_dma semaphore(%arg12 : memref<!tpu.dma_semaphore, #tpu.memory_space<semaphore_mem>>) src(%dma_wait3A_47 : memref<10000x128xf32, #tpu.memory_space<hbm>>) dst(%arg10 : memref<128x128xf32, #tpu.memory_space<vmem>>)
    %dma_start3A_48 = arith.constant 39 : i32
    %dma_start3A_49 = arith.constant 0 : i32
    %dma_start3A_50 = tpu.memref_slice %arg8[%dma_start3A_48, %dma_start3A_49] : memref<40x128xi32, #tpu.memory_space<vmem>> -> memref<1x128xi32, #tpu.memory_space<vmem>>
    %dma_start3A_51 = tpu.memref_squeeze %dma_start3A_50 : memref<1x128xi32, #tpu.memory_space<vmem>> -> memref<128xi32, #tpu.memory_space<vmem>>
    %dma_start3A_52 = arith.constant 0 : i32
    %dma_start3A_53 = arith.constant 0 : i32
    %dma_start3A_54 = tpu.memref_slice %arg15[%dma_start3A_52, %dma_start3A_53] : memref<10112x128xf32, #tpu.memory_space<vmem_shared>> -> memref<10112x128xf32, #tpu.memory_space<vmem_shared>>
    tpu.enqueue_indirect_dma source(%arg10 : memref<128x128xf32, #tpu.memory_space<vmem>>) target(%dma_start3A_54 : memref<10112x128xf32, #tpu.memory_space<vmem_shared>>) offsets(%dma_start3A_51 : memref<128xi32, #tpu.memory_space<vmem>>) semaphore(%arg14 : memref<!tpu.dma_semaphore, #tpu.memory_space<semaphore_mem>>) {add = true}
    %dma_wait3A_55 = arith.constant 0 : i32
    %dma_wait3A_56 = arith.constant 0 : i32
    %dma_wait3A_57 = tpu.memref_slice %arg8[%dma_wait3A_55, %dma_wait3A_56] : memref<40x128xi32, #tpu.memory_space<vmem>> -> memref<1x128xi32, #tpu.memory_space<vmem>>
    %dma_wait3A_58 = tpu.memref_squeeze %dma_wait3A_57 : memref<1x128xi32, #tpu.memory_space<vmem>> -> memref<128xi32, #tpu.memory_space<vmem>>
    %dma_wait3A_59 = arith.constant 0 : i32
    %dma_wait3A_60 = arith.constant 0 : i32
    %dma_wait3A_61 = tpu.memref_slice %arg15[%dma_wait3A_59, %dma_wait3A_60] : memref<10112x128xf32, #tpu.memory_space<vmem_shared>> -> memref<10112x128xf32, #tpu.memory_space<vmem_shared>>
    tpu.wait_indirect_dma semaphore(%arg13 : memref<!tpu.dma_semaphore, #tpu.memory_space<semaphore_mem>>) src(%arg9 : memref<128x128xf32, #tpu.memory_space<vmem>>) dst(%dma_wait3A_61 : memref<10112x128xf32, #tpu.memory_space<vmem_shared>>)
    %dma_wait3A_62 = arith.constant 0 : i32
    %dma_wait3A_63 = arith.constant 0 : i32
    %dma_wait3A_64 = tpu.memref_slice %arg8[%dma_wait3A_62, %dma_wait3A_63] : memref<40x128xi32, #tpu.memory_space<vmem>> -> memref<1x128xi32, #tpu.memory_space<vmem>>
    %dma_wait3A_65 = tpu.memref_squeeze %dma_wait3A_64 : memref<1x128xi32, #tpu.memory_space<vmem>> -> memref<128xi32, #tpu.memory_space<vmem>>
    %dma_wait3A_66 = arith.constant 0 : i32
    %dma_wait3A_67 = arith.constant 0 : i32
    %dma_wait3A_68 = tpu.memref_slice %arg15[%dma_wait3A_66, %dma_wait3A_67] : memref<10112x128xf32, #tpu.memory_space<vmem_shared>> -> memref<10112x128xf32, #tpu.memory_space<vmem_shared>>
    tpu.wait_indirect_dma semaphore(%arg14 : memref<!tpu.dma_semaphore, #tpu.memory_space<semaphore_mem>>) src(%arg10 : memref<128x128xf32, #tpu.memory_space<vmem>>) dst(%dma_wait3A_68 : memref<10112x128xf32, #tpu.memory_space<vmem_shared>>)
    %mul3A_69 = arith.constant 2 : i32
    %mul3A_70 = arith.muli %add3A, %mul3A_69 : i32
    %add3A_71 = arith.constant 1 : i32
    %add3A_72 = arith.addi %mul3A_70, %add3A_71 : i32
    "tpu.region"() ({
      %run_scoped3A = tpu.sem_alloc : memref<!tpu.dma_semaphore, #tpu.memory_space<semaphore_mem>>
      %dma_start3A_146 = arith.constant 0 : i32
      %dma_start3A_147 = arith.constant 0 : i32
      %dma_start3A_148 = tpu.memref_slice %arg3[%add3A_72, %dma_start3A_146, %dma_start3A_147] : memref<64x40x128xi32, #tpu.memory_space<hbm>> -> memref<1x40x128xi32, #tpu.memory_space<hbm>>
      %dma_start3A_149 = tpu.memref_squeeze %dma_start3A_148 : memref<1x40x128xi32, #tpu.memory_space<hbm>> -> memref<40x128xi32, #tpu.memory_space<hbm>>
      %dma_start3A_150 = arith.constant 0 : i32
      %dma_start3A_151 = arith.constant 0 : i32
      %dma_start3A_152 = tpu.memref_slice %arg3[%add3A_72, %dma_start3A_150, %dma_start3A_151] : memref<64x40x128xi32, #tpu.memory_space<hbm>> -> memref<1x40x128xi32, #tpu.memory_space<hbm>>
      %dma_start3A_153 = tpu.memref_squeeze %dma_start3A_152 : memref<1x40x128xi32, #tpu.memory_space<hbm>> -> memref<40x128xi32, #tpu.memory_space<hbm>>
      tpu.enqueue_dma source(%dma_start3A_153 : memref<40x128xi32, #tpu.memory_space<hbm>>) target(%arg7 : memref<40x128xi32, #tpu.memory_space<vmem>>) target_semaphore(%run_scoped3A : memref<!tpu.dma_semaphore, #tpu.memory_space<semaphore_mem>>)
      %dma_wait3A_154 = arith.constant 0 : i32
      %dma_wait3A_155 = arith.constant 0 : i32
      %dma_wait3A_156 = tpu.memref_slice %arg3[%add3A_72, %dma_wait3A_154, %dma_wait3A_155] : memref<64x40x128xi32, #tpu.memory_space<hbm>> -> memref<1x40x128xi32, #tpu.memory_space<hbm>>
      %dma_wait3A_157 = tpu.memref_squeeze %dma_wait3A_156 : memref<1x40x128xi32, #tpu.memory_space<hbm>> -> memref<40x128xi32, #tpu.memory_space<hbm>>
      %dma_wait3A_158 = arith.constant 0 : i32
      %dma_wait3A_159 = arith.constant 0 : i32
      %dma_wait3A_160 = tpu.memref_slice %arg3[%add3A_72, %dma_wait3A_158, %dma_wait3A_159] : memref<64x40x128xi32, #tpu.memory_space<hbm>> -> memref<1x40x128xi32, #tpu.memory_space<hbm>>
      %dma_wait3A_161 = tpu.memref_squeeze %dma_wait3A_160 : memref<1x40x128xi32, #tpu.memory_space<hbm>> -> memref<40x128xi32, #tpu.memory_space<hbm>>
      tpu.wait_dma2 semaphore(%run_scoped3A : memref<!tpu.dma_semaphore, #tpu.memory_space<semaphore_mem>>) src(%dma_wait3A_161 : memref<40x128xi32, #tpu.memory_space<hbm>>) dst(%arg7 : memref<40x128xi32, #tpu.memory_space<vmem>>)
      tpu.yield
    }) : () -> ()
    %mul3A_73 = arith.constant 2 : i32
    %mul3A_74 = arith.muli %add3A, %mul3A_73 : i32
    %add3A_75 = arith.constant 1 : i32
    %add3A_76 = arith.addi %mul3A_74, %add3A_75 : i32
    "tpu.region"() ({
      %run_scoped3A = tpu.sem_alloc : memref<!tpu.dma_semaphore, #tpu.memory_space<semaphore_mem>>
      %dma_start3A_146 = arith.constant 0 : i32
      %dma_start3A_147 = arith.constant 0 : i32
      %dma_start3A_148 = tpu.memref_slice %arg4[%add3A_76, %dma_start3A_146, %dma_start3A_147] : memref<64x40x128xi32, #tpu.memory_space<hbm>> -> memref<1x40x128xi32, #tpu.memory_space<hbm>>
      %dma_start3A_149 = tpu.memref_squeeze %dma_start3A_148 : memref<1x40x128xi32, #tpu.memory_space<hbm>> -> memref<40x128xi32, #tpu.memory_space<hbm>>
      %dma_start3A_150 = arith.constant 0 : i32
      %dma_start3A_151 = arith.constant 0 : i32
      %dma_start3A_152 = tpu.memref_slice %arg4[%add3A_76, %dma_start3A_150, %dma_start3A_151] : memref<64x40x128xi32, #tpu.memory_space<hbm>> -> memref<1x40x128xi32, #tpu.memory_space<hbm>>
      %dma_start3A_153 = tpu.memref_squeeze %dma_start3A_152 : memref<1x40x128xi32, #tpu.memory_space<hbm>> -> memref<40x128xi32, #tpu.memory_space<hbm>>
      tpu.enqueue_dma source(%dma_start3A_153 : memref<40x128xi32, #tpu.memory_space<hbm>>) target(%arg8 : memref<40x128xi32, #tpu.memory_space<vmem>>) target_semaphore(%run_scoped3A : memref<!tpu.dma_semaphore, #tpu.memory_space<semaphore_mem>>)
      %dma_wait3A_154 = arith.constant 0 : i32
      %dma_wait3A_155 = arith.constant 0 : i32
      %dma_wait3A_156 = tpu.memref_slice %arg4[%add3A_76, %dma_wait3A_154, %dma_wait3A_155] : memref<64x40x128xi32, #tpu.memory_space<hbm>> -> memref<1x40x128xi32, #tpu.memory_space<hbm>>
      %dma_wait3A_157 = tpu.memref_squeeze %dma_wait3A_156 : memref<1x40x128xi32, #tpu.memory_space<hbm>> -> memref<40x128xi32, #tpu.memory_space<hbm>>
      %dma_wait3A_158 = arith.constant 0 : i32
      %dma_wait3A_159 = arith.constant 0 : i32
      %dma_wait3A_160 = tpu.memref_slice %arg4[%add3A_76, %dma_wait3A_158, %dma_wait3A_159] : memref<64x40x128xi32, #tpu.memory_space<hbm>> -> memref<1x40x128xi32, #tpu.memory_space<hbm>>
      %dma_wait3A_161 = tpu.memref_squeeze %dma_wait3A_160 : memref<1x40x128xi32, #tpu.memory_space<hbm>> -> memref<40x128xi32, #tpu.memory_space<hbm>>
      tpu.wait_dma2 semaphore(%run_scoped3A : memref<!tpu.dma_semaphore, #tpu.memory_space<semaphore_mem>>) src(%dma_wait3A_161 : memref<40x128xi32, #tpu.memory_space<hbm>>) dst(%arg8 : memref<40x128xi32, #tpu.memory_space<vmem>>)
      tpu.yield
    }) : () -> ()
    %dma_start3A_77 = arith.constant 0 : i32
    %dma_start3A_78 = arith.constant 0 : i32
    %dma_start3A_79 = tpu.memref_slice %arg7[%dma_start3A_77, %dma_start3A_78] : memref<40x128xi32, #tpu.memory_space<vmem>> -> memref<1x128xi32, #tpu.memory_space<vmem>>
    %dma_start3A_80 = tpu.memref_squeeze %dma_start3A_79 : memref<1x128xi32, #tpu.memory_space<vmem>> -> memref<128xi32, #tpu.memory_space<vmem>>
    %dma_start3A_81 = arith.constant 0 : i32
    %dma_start3A_82 = arith.constant 0 : i32
    %dma_start3A_83 = tpu.memref_slice %arg2[%dma_start3A_81, %dma_start3A_82] : memref<10000x128xf32, #tpu.memory_space<hbm>> -> memref<10000x128xf32, #tpu.memory_space<hbm>>
    tpu.enqueue_indirect_dma source(%dma_start3A_83 : memref<10000x128xf32, #tpu.memory_space<hbm>>) target(%arg9 : memref<128x128xf32, #tpu.memory_space<vmem>>) offsets(%dma_start3A_80 : memref<128xi32, #tpu.memory_space<vmem>>) semaphore(%arg11 : memref<!tpu.dma_semaphore, #tpu.memory_space<semaphore_mem>>)
    %dma_start3A_84 = arith.constant 1 : i32
    %dma_start3A_85 = arith.constant 0 : i32
    %dma_start3A_86 = tpu.memref_slice %arg7[%dma_start3A_84, %dma_start3A_85] : memref<40x128xi32, #tpu.memory_space<vmem>> -> memref<1x128xi32, #tpu.memory_space<vmem>>
    %dma_start3A_87 = tpu.memref_squeeze %dma_start3A_86 : memref<1x128xi32, #tpu.memory_space<vmem>> -> memref<128xi32, #tpu.memory_space<vmem>>
    %dma_start3A_88 = arith.constant 0 : i32
    %dma_start3A_89 = arith.constant 0 : i32
    %dma_start3A_90 = tpu.memref_slice %arg2[%dma_start3A_88, %dma_start3A_89] : memref<10000x128xf32, #tpu.memory_space<hbm>> -> memref<10000x128xf32, #tpu.memory_space<hbm>>
    tpu.enqueue_indirect_dma source(%dma_start3A_90 : memref<10000x128xf32, #tpu.memory_space<hbm>>) target(%arg10 : memref<128x128xf32, #tpu.memory_space<vmem>>) offsets(%dma_start3A_87 : memref<128xi32, #tpu.memory_space<vmem>>) semaphore(%arg12 : memref<!tpu.dma_semaphore, #tpu.memory_space<semaphore_mem>>)
    %scan3A_91 = arith.constant 0 : i32
    %scan3A_92 = arith.constant 19 : i32
    %scan3A_93 = arith.addi %scan3A_91, %scan3A_92 : i32
    %scan3A_94 = arith.constant 1 : i32
    scf.for %scan3A_146 = %scan3A_91 to %scan3A_93 step %scan3A_94  : i32 {
      %mul3A_147 = arith.constant 2 : i32
      %mul3A_148 = arith.muli %scan3A_146, %mul3A_147 : i32
      %add3A_149 = arith.constant 0 : i32
      %add3A_150 = arith.addi %add3A_149, %mul3A_148 : i32
      %dma_wait3A_151 = arith.constant 0 : i32
      %dma_wait3A_152 = arith.constant 0 : i32
      %dma_wait3A_153 = tpu.memref_slice %arg7[%dma_wait3A_151, %dma_wait3A_152] : memref<40x128xi32, #tpu.memory_space<vmem>> -> memref<1x128xi32, #tpu.memory_space<vmem>>
      %dma_wait3A_154 = tpu.memref_squeeze %dma_wait3A_153 : memref<1x128xi32, #tpu.memory_space<vmem>> -> memref<128xi32, #tpu.memory_space<vmem>>
      %dma_wait3A_155 = arith.constant 0 : i32
      %dma_wait3A_156 = arith.constant 0 : i32
      %dma_wait3A_157 = tpu.memref_slice %arg2[%dma_wait3A_155, %dma_wait3A_156] : memref<10000x128xf32, #tpu.memory_space<hbm>> -> memref<10000x128xf32, #tpu.memory_space<hbm>>
      tpu.wait_indirect_dma semaphore(%arg11 : memref<!tpu.dma_semaphore, #tpu.memory_space<semaphore_mem>>) src(%dma_wait3A_157 : memref<10000x128xf32, #tpu.memory_space<hbm>>) dst(%arg9 : memref<128x128xf32, #tpu.memory_space<vmem>>)
      %add3A_158 = arith.constant 0 : i32
      %add3A_159 = arith.addi %add3A_150, %add3A_158 : i32
      %dma_start3A_160 = arith.constant 0 : i32
      %dma_start3A_161 = tpu.memref_slice %arg8[%add3A_159, %dma_start3A_160] : memref<40x128xi32, #tpu.memory_space<vmem>> -> memref<1x128xi32, #tpu.memory_space<vmem>>
      %dma_start3A_162 = tpu.memref_squeeze %dma_start3A_161 : memref<1x128xi32, #tpu.memory_space<vmem>> -> memref<128xi32, #tpu.memory_space<vmem>>
      %dma_start3A_163 = arith.constant 0 : i32
      %dma_start3A_164 = arith.constant 0 : i32
      %dma_start3A_165 = tpu.memref_slice %arg15[%dma_start3A_163, %dma_start3A_164] : memref<10112x128xf32, #tpu.memory_space<vmem_shared>> -> memref<10112x128xf32, #tpu.memory_space<vmem_shared>>
      tpu.enqueue_indirect_dma source(%arg9 : memref<128x128xf32, #tpu.memory_space<vmem>>) target(%dma_start3A_165 : memref<10112x128xf32, #tpu.memory_space<vmem_shared>>) offsets(%dma_start3A_162 : memref<128xi32, #tpu.memory_space<vmem>>) semaphore(%arg13 : memref<!tpu.dma_semaphore, #tpu.memory_space<semaphore_mem>>) {add = true}
      %dma_wait3A_166 = arith.constant 0 : i32
      %dma_wait3A_167 = arith.constant 0 : i32
      %dma_wait3A_168 = tpu.memref_slice %arg7[%dma_wait3A_166, %dma_wait3A_167] : memref<40x128xi32, #tpu.memory_space<vmem>> -> memref<1x128xi32, #tpu.memory_space<vmem>>
      %dma_wait3A_169 = tpu.memref_squeeze %dma_wait3A_168 : memref<1x128xi32, #tpu.memory_space<vmem>> -> memref<128xi32, #tpu.memory_space<vmem>>
      %dma_wait3A_170 = arith.constant 0 : i32
      %dma_wait3A_171 = arith.constant 0 : i32
      %dma_wait3A_172 = tpu.memref_slice %arg2[%dma_wait3A_170, %dma_wait3A_171] : memref<10000x128xf32, #tpu.memory_space<hbm>> -> memref<10000x128xf32, #tpu.memory_space<hbm>>
      tpu.wait_indirect_dma semaphore(%arg12 : memref<!tpu.dma_semaphore, #tpu.memory_space<semaphore_mem>>) src(%dma_wait3A_172 : memref<10000x128xf32, #tpu.memory_space<hbm>>) dst(%arg10 : memref<128x128xf32, #tpu.memory_space<vmem>>)
      %add3A_173 = arith.constant 1 : i32
      %add3A_174 = arith.addi %add3A_150, %add3A_173 : i32
      %dma_start3A_175 = arith.constant 0 : i32
      %dma_start3A_176 = tpu.memref_slice %arg8[%add3A_174, %dma_start3A_175] : memref<40x128xi32, #tpu.memory_space<vmem>> -> memref<1x128xi32, #tpu.memory_space<vmem>>
      %dma_start3A_177 = tpu.memref_squeeze %dma_start3A_176 : memref<1x128xi32, #tpu.memory_space<vmem>> -> memref<128xi32, #tpu.memory_space<vmem>>
      %dma_start3A_178 = arith.constant 0 : i32
      %dma_start3A_179 = arith.constant 0 : i32
      %dma_start3A_180 = tpu.memref_slice %arg15[%dma_start3A_178, %dma_start3A_179] : memref<10112x128xf32, #tpu.memory_space<vmem_shared>> -> memref<10112x128xf32, #tpu.memory_space<vmem_shared>>
      tpu.enqueue_indirect_dma source(%arg10 : memref<128x128xf32, #tpu.memory_space<vmem>>) target(%dma_start3A_180 : memref<10112x128xf32, #tpu.memory_space<vmem_shared>>) offsets(%dma_start3A_177 : memref<128xi32, #tpu.memory_space<vmem>>) semaphore(%arg14 : memref<!tpu.dma_semaphore, #tpu.memory_space<semaphore_mem>>) {add = true}
      %dma_wait3A_181 = arith.constant 0 : i32
      %dma_wait3A_182 = arith.constant 0 : i32
      %dma_wait3A_183 = tpu.memref_slice %arg8[%dma_wait3A_181, %dma_wait3A_182] : memref<40x128xi32, #tpu.memory_space<vmem>> -> memref<1x128xi32, #tpu.memory_space<vmem>>
      %dma_wait3A_184 = tpu.memref_squeeze %dma_wait3A_183 : memref<1x128xi32, #tpu.memory_space<vmem>> -> memref<128xi32, #tpu.memory_space<vmem>>
      %dma_wait3A_185 = arith.constant 0 : i32
      %dma_wait3A_186 = arith.constant 0 : i32
      %dma_wait3A_187 = tpu.memref_slice %arg15[%dma_wait3A_185, %dma_wait3A_186] : memref<10112x128xf32, #tpu.memory_space<vmem_shared>> -> memref<10112x128xf32, #tpu.memory_space<vmem_shared>>
      tpu.wait_indirect_dma semaphore(%arg13 : memref<!tpu.dma_semaphore, #tpu.memory_space<semaphore_mem>>) src(%arg9 : memref<128x128xf32, #tpu.memory_space<vmem>>) dst(%dma_wait3A_187 : memref<10112x128xf32, #tpu.memory_space<vmem_shared>>)
      %add3A_188 = arith.constant 2 : i32
      %add3A_189 = arith.addi %add3A_150, %add3A_188 : i32
      %add3A_190 = arith.constant 0 : i32
      %add3A_191 = arith.addi %add3A_189, %add3A_190 : i32
      %dma_start3A_192 = arith.constant 0 : i32
      %dma_start3A_193 = tpu.memref_slice %arg7[%add3A_191, %dma_start3A_192] : memref<40x128xi32, #tpu.memory_space<vmem>> -> memref<1x128xi32, #tpu.memory_space<vmem>>
      %dma_start3A_194 = tpu.memref_squeeze %dma_start3A_193 : memref<1x128xi32, #tpu.memory_space<vmem>> -> memref<128xi32, #tpu.memory_space<vmem>>
      %dma_start3A_195 = arith.constant 0 : i32
      %dma_start3A_196 = arith.constant 0 : i32
      %dma_start3A_197 = tpu.memref_slice %arg2[%dma_start3A_195, %dma_start3A_196] : memref<10000x128xf32, #tpu.memory_space<hbm>> -> memref<10000x128xf32, #tpu.memory_space<hbm>>
      tpu.enqueue_indirect_dma source(%dma_start3A_197 : memref<10000x128xf32, #tpu.memory_space<hbm>>) target(%arg9 : memref<128x128xf32, #tpu.memory_space<vmem>>) offsets(%dma_start3A_194 : memref<128xi32, #tpu.memory_space<vmem>>) semaphore(%arg11 : memref<!tpu.dma_semaphore, #tpu.memory_space<semaphore_mem>>)
      %dma_wait3A_198 = arith.constant 0 : i32
      %dma_wait3A_199 = arith.constant 0 : i32
      %dma_wait3A_200 = tpu.memref_slice %arg8[%dma_wait3A_198, %dma_wait3A_199] : memref<40x128xi32, #tpu.memory_space<vmem>> -> memref<1x128xi32, #tpu.memory_space<vmem>>
      %dma_wait3A_201 = tpu.memref_squeeze %dma_wait3A_200 : memref<1x128xi32, #tpu.memory_space<vmem>> -> memref<128xi32, #tpu.memory_space<vmem>>
      %dma_wait3A_202 = arith.constant 0 : i32
      %dma_wait3A_203 = arith.constant 0 : i32
      %dma_wait3A_204 = tpu.memref_slice %arg15[%dma_wait3A_202, %dma_wait3A_203] : memref<10112x128xf32, #tpu.memory_space<vmem_shared>> -> memref<10112x128xf32, #tpu.memory_space<vmem_shared>>
      tpu.wait_indirect_dma semaphore(%arg14 : memref<!tpu.dma_semaphore, #tpu.memory_space<semaphore_mem>>) src(%arg10 : memref<128x128xf32, #tpu.memory_space<vmem>>) dst(%dma_wait3A_204 : memref<10112x128xf32, #tpu.memory_space<vmem_shared>>)
      %add3A_205 = arith.constant 2 : i32
      %add3A_206 = arith.addi %add3A_150, %add3A_205 : i32
      %add3A_207 = arith.constant 1 : i32
      %add3A_208 = arith.addi %add3A_206, %add3A_207 : i32
      %dma_start3A_209 = arith.constant 0 : i32
      %dma_start3A_210 = tpu.memref_slice %arg7[%add3A_208, %dma_start3A_209] : memref<40x128xi32, #tpu.memory_space<vmem>> -> memref<1x128xi32, #tpu.memory_space<vmem>>
      %dma_start3A_211 = tpu.memref_squeeze %dma_start3A_210 : memref<1x128xi32, #tpu.memory_space<vmem>> -> memref<128xi32, #tpu.memory_space<vmem>>
      %dma_start3A_212 = arith.constant 0 : i32
      %dma_start3A_213 = arith.constant 0 : i32
      %dma_start3A_214 = tpu.memref_slice %arg2[%dma_start3A_212, %dma_start3A_213] : memref<10000x128xf32, #tpu.memory_space<hbm>> -> memref<10000x128xf32, #tpu.memory_space<hbm>>
      tpu.enqueue_indirect_dma source(%dma_start3A_214 : memref<10000x128xf32, #tpu.memory_space<hbm>>) target(%arg10 : memref<128x128xf32, #tpu.memory_space<vmem>>) offsets(%dma_start3A_211 : memref<128xi32, #tpu.memory_space<vmem>>) semaphore(%arg12 : memref<!tpu.dma_semaphore, #tpu.memory_space<semaphore_mem>>)
    }
    %scan3A_95 = arith.constant 19 : i32
    %dma_wait3A_96 = arith.constant 0 : i32
    %dma_wait3A_97 = arith.constant 0 : i32
    %dma_wait3A_98 = tpu.memref_slice %arg7[%dma_wait3A_96, %dma_wait3A_97] : memref<40x128xi32, #tpu.memory_space<vmem>> -> memref<1x128xi32, #tpu.memory_space<vmem>>
    %dma_wait3A_99 = tpu.memref_squeeze %dma_wait3A_98 : memref<1x128xi32, #tpu.memory_space<vmem>> -> memref<128xi32, #tpu.memory_space<vmem>>
    %dma_wait3A_100 = arith.constant 0 : i32
    %dma_wait3A_101 = arith.constant 0 : i32
    %dma_wait3A_102 = tpu.memref_slice %arg2[%dma_wait3A_100, %dma_wait3A_101] : memref<10000x128xf32, #tpu.memory_space<hbm>> -> memref<10000x128xf32, #tpu.memory_space<hbm>>
    tpu.wait_indirect_dma semaphore(%arg11 : memref<!tpu.dma_semaphore, #tpu.memory_space<semaphore_mem>>) src(%dma_wait3A_102 : memref<10000x128xf32, #tpu.memory_space<hbm>>) dst(%arg9 : memref<128x128xf32, #tpu.memory_space<vmem>>)
    %dma_start3A_103 = arith.constant 38 : i32
    %dma_start3A_104 = arith.constant 0 : i32
    %dma_start3A_105 = tpu.memref_slice %arg8[%dma_start3A_103, %dma_start3A_104] : memref<40x128xi32, #tpu.memory_space<vmem>> -> memref<1x128xi32, #tpu.memory_space<vmem>>
    %dma_start3A_106 = tpu.memref_squeeze %dma_start3A_105 : memref<1x128xi32, #tpu.memory_space<vmem>> -> memref<128xi32, #tpu.memory_space<vmem>>
    %dma_start3A_107 = arith.constant 0 : i32
    %dma_start3A_108 = arith.constant 0 : i32
    %dma_start3A_109 = tpu.memref_slice %arg15[%dma_start3A_107, %dma_start3A_108] : memref<10112x128xf32, #tpu.memory_space<vmem_shared>> -> memref<10112x128xf32, #tpu.memory_space<vmem_shared>>
    tpu.enqueue_indirect_dma source(%arg9 : memref<128x128xf32, #tpu.memory_space<vmem>>) target(%dma_start3A_109 : memref<10112x128xf32, #tpu.memory_space<vmem_shared>>) offsets(%dma_start3A_106 : memref<128xi32, #tpu.memory_space<vmem>>) semaphore(%arg13 : memref<!tpu.dma_semaphore, #tpu.memory_space<semaphore_mem>>) {add = true}
    %dma_wait3A_110 = arith.constant 0 : i32
    %dma_wait3A_111 = arith.constant 0 : i32
    %dma_wait3A_112 = tpu.memref_slice %arg7[%dma_wait3A_110, %dma_wait3A_111] : memref<40x128xi32, #tpu.memory_space<vmem>> -> memref<1x128xi32, #tpu.memory_space<vmem>>
    %dma_wait3A_113 = tpu.memref_squeeze %dma_wait3A_112 : memref<1x128xi32, #tpu.memory_space<vmem>> -> memref<128xi32, #tpu.memory_space<vmem>>
    %dma_wait3A_114 = arith.constant 0 : i32
    %dma_wait3A_115 = arith.constant 0 : i32
    %dma_wait3A_116 = tpu.memref_slice %arg2[%dma_wait3A_114, %dma_wait3A_115] : memref<10000x128xf32, #tpu.memory_space<hbm>> -> memref<10000x128xf32, #tpu.memory_space<hbm>>
    tpu.wait_indirect_dma semaphore(%arg12 : memref<!tpu.dma_semaphore, #tpu.memory_space<semaphore_mem>>) src(%dma_wait3A_116 : memref<10000x128xf32, #tpu.memory_space<hbm>>) dst(%arg10 : memref<128x128xf32, #tpu.memory_space<vmem>>)
    %dma_start3A_117 = arith.constant 39 : i32
    %dma_start3A_118 = arith.constant 0 : i32
    %dma_start3A_119 = tpu.memref_slice %arg8[%dma_start3A_117, %dma_start3A_118] : memref<40x128xi32, #tpu.memory_space<vmem>> -> memref<1x128xi32, #tpu.memory_space<vmem>>
    %dma_start3A_120 = tpu.memref_squeeze %dma_start3A_119 : memref<1x128xi32, #tpu.memory_space<vmem>> -> memref<128xi32, #tpu.memory_space<vmem>>
    %dma_start3A_121 = arith.constant 0 : i32
    %dma_start3A_122 = arith.constant 0 : i32
    %dma_start3A_123 = tpu.memref_slice %arg15[%dma_start3A_121, %dma_start3A_122] : memref<10112x128xf32, #tpu.memory_space<vmem_shared>> -> memref<10112x128xf32, #tpu.memory_space<vmem_shared>>
    tpu.enqueue_indirect_dma source(%arg10 : memref<128x128xf32, #tpu.memory_space<vmem>>) target(%dma_start3A_123 : memref<10112x128xf32, #tpu.memory_space<vmem_shared>>) offsets(%dma_start3A_120 : memref<128xi32, #tpu.memory_space<vmem>>) semaphore(%arg14 : memref<!tpu.dma_semaphore, #tpu.memory_space<semaphore_mem>>) {add = true}
    %dma_wait3A_124 = arith.constant 0 : i32
    %dma_wait3A_125 = arith.constant 0 : i32
    %dma_wait3A_126 = tpu.memref_slice %arg8[%dma_wait3A_124, %dma_wait3A_125] : memref<40x128xi32, #tpu.memory_space<vmem>> -> memref<1x128xi32, #tpu.memory_space<vmem>>
    %dma_wait3A_127 = tpu.memref_squeeze %dma_wait3A_126 : memref<1x128xi32, #tpu.memory_space<vmem>> -> memref<128xi32, #tpu.memory_space<vmem>>
    %dma_wait3A_128 = arith.constant 0 : i32
    %dma_wait3A_129 = arith.constant 0 : i32
    %dma_wait3A_130 = tpu.memref_slice %arg15[%dma_wait3A_128, %dma_wait3A_129] : memref<10112x128xf32, #tpu.memory_space<vmem_shared>> -> memref<10112x128xf32, #tpu.memory_space<vmem_shared>>
    tpu.wait_indirect_dma semaphore(%arg13 : memref<!tpu.dma_semaphore, #tpu.memory_space<semaphore_mem>>) src(%arg9 : memref<128x128xf32, #tpu.memory_space<vmem>>) dst(%dma_wait3A_130 : memref<10112x128xf32, #tpu.memory_space<vmem_shared>>)
    %dma_wait3A_131 = arith.constant 0 : i32
    %dma_wait3A_132 = arith.constant 0 : i32
    %dma_wait3A_133 = tpu.memref_slice %arg8[%dma_wait3A_131, %dma_wait3A_132] : memref<40x128xi32, #tpu.memory_space<vmem>> -> memref<1x128xi32, #tpu.memory_space<vmem>>
    %dma_wait3A_134 = tpu.memref_squeeze %dma_wait3A_133 : memref<1x128xi32, #tpu.memory_space<vmem>> -> memref<128xi32, #tpu.memory_space<vmem>>
    %dma_wait3A_135 = arith.constant 0 : i32
    %dma_wait3A_136 = arith.constant 0 : i32
    %dma_wait3A_137 = tpu.memref_slice %arg15[%dma_wait3A_135, %dma_wait3A_136] : memref<10112x128xf32, #tpu.memory_space<vmem_shared>> -> memref<10112x128xf32, #tpu.memory_space<vmem_shared>>
    tpu.wait_indirect_dma semaphore(%arg14 : memref<!tpu.dma_semaphore, #tpu.memory_space<semaphore_mem>>) src(%arg10 : memref<128x128xf32, #tpu.memory_space<vmem>>) dst(%dma_wait3A_137 : memref<10112x128xf32, #tpu.memory_space<vmem_shared>>)
    %barrier3A_138 = arith.constant 0 : index
    tpu.barrier barrier_id(%barrier3A_138)
    %mul3A_139 = arith.constant 632 : i32
    %mul3A_140 = arith.muli %arg1, %mul3A_139 : i32
    %mul3A_141 = arith.constant 10112 : i32
    %mul3A_142 = arith.muli %arg0, %mul3A_141 : i32
    %mul3A_143 = arith.constant 632 : i32
    %mul3A_144 = arith.muli %arg1, %mul3A_143 : i32
    %add3A_145 = arith.addi %mul3A_142, %mul3A_144 : i32
    "tpu.region"() ({
      %run_scoped3A = tpu.sem_alloc : memref<!tpu.dma_semaphore, #tpu.memory_space<semaphore_mem>>
      %dma_start3A_146 = arith.constant 0 : i32
      %dma_start3A_147 = tpu.memref_slice %arg6[%add3A_145, %dma_start3A_146] : memref<20224x128xf32, #tpu.memory_space<hbm>> -> memref<632x128xf32, #tpu.memory_space<hbm>>
      %dma_start3A_148 = arith.constant 0 : i32
      %dma_start3A_149 = tpu.memref_slice %arg15[%mul3A_140, %dma_start3A_148] : memref<10112x128xf32, #tpu.memory_space<vmem_shared>> -> memref<632x128xf32, #tpu.memory_space<vmem_shared>>
      tpu.enqueue_dma source(%dma_start3A_149 : memref<632x128xf32, #tpu.memory_space<vmem_shared>>) target(%dma_start3A_147 : memref<632x128xf32, #tpu.memory_space<hbm>>) target_semaphore(%run_scoped3A : memref<!tpu.dma_semaphore, #tpu.memory_space<semaphore_mem>>)
      %dma_wait3A_150 = arith.constant 0 : i32
      %dma_wait3A_151 = tpu.memref_slice %arg6[%add3A_145, %dma_wait3A_150] : memref<20224x128xf32, #tpu.memory_space<hbm>> -> memref<632x128xf32, #tpu.memory_space<hbm>>
      %dma_wait3A_152 = arith.constant 0 : i32
      %dma_wait3A_153 = tpu.memref_slice %arg15[%mul3A_140, %dma_wait3A_152] : memref<10112x128xf32, #tpu.memory_space<vmem_shared>> -> memref<632x128xf32, #tpu.memory_space<vmem_shared>>
      tpu.wait_dma2 semaphore(%run_scoped3A : memref<!tpu.dma_semaphore, #tpu.memory_space<semaphore_mem>>) src(%dma_wait3A_153 : memref<632x128xf32, #tpu.memory_space<vmem_shared>>) dst(%dma_wait3A_151 : memref<632x128xf32, #tpu.memory_space<hbm>>)
      tpu.yield
    }) : () -> ()
    return
  }
}

module attributes {stable_mosaic.version = 14 : i64} {
  func.func @body(%arg0: i32, %arg1: memref<1000x128xf32, #tpu.memory_space<vmem>>, %arg2: memref<128x128xf32, #tpu.memory_space<vmem>>, %arg3: memref<1x1000x1xf32, #tpu.memory_space<vmem>>, %arg4: memref<1x1000x1xf32, #tpu.memory_space<vmem>>, %arg5: memref<1000x128xf32, #tpu.memory_space<vmem>>) attributes {dimension_semantics = [#tpu.dimension_semantics<arbitrary>], iteration_bounds = array<i64: 10>, scalar_prefetch = 0 : i64, scratch_operands = 0 : i64, tpu.core_type = #tpu.core_type<tc>, window_params = [{transform_indices = @transform_0, window_bounds = array<i64: 1000, 128>}, {pipeline_mode = #tpu.pipeline_mode<synchronous>, transform_indices = @transform_1, window_bounds = array<i64: 128, 128>}, {transform_indices = @transform_2, window_bounds = array<i64: 1, 1000, 1>}, {transform_indices = @transform_3, window_bounds = array<i64: 1, 1000, 1>}, {transform_indices = @transform_4, window_bounds = array<i64: 1000, 128>}]} {
    %get3A = arith.constant 0 : index
    %get3A_0 = arith.constant 0 : index
    %get3A_1 = arith.constant 0 : index
    %get3A_2 = vector.load %arg3[%get3A, %get3A_0, %get3A_1] : memref<1x1000x1xf32, #tpu.memory_space<vmem>>, vector<1x1000x1xf32>
    %get3A_3 = arith.constant 0 : index
    %get3A_4 = arith.constant 0 : index
    %get3A_5 = arith.constant 0 : index
    %get3A_6 = vector.load %arg4[%get3A_3, %get3A_4, %get3A_5] : memref<1x1000x1xf32, #tpu.memory_space<vmem>>, vector<1x1000x1xf32>
    %squeeze3A = vector.shape_cast %get3A_2 : vector<1x1000x1xf32> to vector<1000x1xf32>
    %squeeze3A_7 = vector.shape_cast %get3A_6 : vector<1x1000x1xf32> to vector<1000x1xf32>
    %add3A = arith.addf %squeeze3A, %squeeze3A_7 : vector<1000x1xf32>
    %add3A_8 = arith.constant 1.000000e+00 : f32
    %add3A_9 = vector.broadcast %add3A_8 : f32 to vector<1000x1xf32>
    %add3A_10 = arith.addf %add3A, %add3A_9 : vector<1000x1xf32>
    %rsqrt3A = math.rsqrt %add3A_10 : vector<1000x1xf32>
    %get3A_11 = arith.constant 0 : index
    %get3A_12 = arith.constant 0 : index
    %get3A_13 = vector.load %arg1[%get3A_11, %get3A_12] : memref<1000x128xf32, #tpu.memory_space<vmem>>, vector<1000x128xf32>
    %get3A_14 = arith.constant 0 : index
    %get3A_15 = arith.constant 0 : index
    %get3A_16 = vector.load %arg2[%get3A_14, %get3A_15] : memref<128x128xf32, #tpu.memory_space<vmem>>, vector<128x128xf32>
    %dot_general3A = arith.constant dense<0.000000e+00> : vector<1000x128xf32>
    %dot_general3A_17 = tpu.matmul %get3A_13, %get3A_16, %dot_general3A {dimension_numbers = #tpu.dot_dimension_numbers<[1], [0], [0], [1], [0, 0, 1, 1], [], []>, transpose_lhs_hint = false} : vector<1000x128xf32>, vector<128x128xf32>, vector<1000x128xf32> -> vector<1000x128xf32>
    %mul3A = vector.broadcast %rsqrt3A : vector<1000x1xf32> to vector<1000x128xf32>
    %mul3A_18 = arith.mulf %dot_general3A_17, %mul3A : vector<1000x128xf32>
    %swap3A = arith.constant 0 : index
    %swap3A_19 = arith.constant 0 : index
    %swap3A_20 = vector.load %arg5[%swap3A, %swap3A_19] : memref<1000x128xf32, #tpu.memory_space<vmem>>, vector<1000x128xf32>
    tpu.vector_store %arg5[%swap3A, %swap3A_19], %mul3A_18 {strides = array<i32>} : memref<1000x128xf32, #tpu.memory_space<vmem>>, vector<1000x128xf32>,
    return
  }
  func.func @transform_0(%arg0: i32) -> (i32, i32) {
    %c0_i32 = arith.constant 0 : i32
    %c0_i32_0 = arith.constant 0 : i32
    return %arg0, %c0_i32 : i32, i32
  }
  func.func @transform_1(%arg0: i32) -> (i32, i32) {
    %c0_i32 = arith.constant 0 : i32
    %c0_i32_0 = arith.constant 0 : i32
    %c0_i32_1 = arith.constant 0 : i32
    return %c0_i32, %c0_i32_0 : i32, i32
  }
  func.func @transform_2(%arg0: i32) -> (i32, i32, i32) {
    %c0_i32 = arith.constant 0 : i32
    %c0_i32_0 = arith.constant 0 : i32
    %c0_i32_1 = arith.constant 0 : i32
    return %c0_i32, %arg0, %c0_i32_0 : i32, i32, i32
  }
  func.func @transform_3(%arg0: i32) -> (i32, i32, i32) {
    %c1_i32 = arith.constant 1 : i32
    %c0_i32 = arith.constant 0 : i32
    %c0_i32_0 = arith.constant 0 : i32
    return %c1_i32, %arg0, %c0_i32 : i32, i32, i32
  }
  func.func @transform_4(%arg0: i32) -> (i32, i32) {
    %c0_i32 = arith.constant 0 : i32
    %c0_i32_0 = arith.constant 0 : i32
    return %arg0, %c0_i32 : i32, i32
  }
}

module attributes {stable_mosaic.version = 14 : i64} {
  func.func @body(%arg0: i32, %arg1: memref<1x1000x128xf32, #tpu.memory_space<vmem>>, %arg2: memref<1x1000x128xf32, #tpu.memory_space<vmem>>, %arg3: memref<1000x128xf32, #tpu.memory_space<vmem>>, %arg4: memref<1x1000x1xf32, #tpu.memory_space<vmem>>, %arg5: memref<1x1000x1xf32, #tpu.memory_space<vmem>>, %arg6: memref<1x128xf32, #tpu.memory_space<vmem>>, %arg7: memref<128x128xf32, #tpu.memory_space<vmem>>, %arg8: memref<1000x128xf32, #tpu.memory_space<vmem>>) attributes {dimension_semantics = [#tpu.dimension_semantics<arbitrary>], iteration_bounds = array<i64: 10>, scalar_prefetch = 0 : i64, scratch_operands = 0 : i64, tpu.core_type = #tpu.core_type<tc>, window_params = [{transform_indices = @transform_0, window_bounds = array<i64: 1, 1000, 128>}, {transform_indices = @transform_1, window_bounds = array<i64: 1, 1000, 128>}, {transform_indices = @transform_2, window_bounds = array<i64: 1000, 128>}, {transform_indices = @transform_3, window_bounds = array<i64: 1, 1000, 1>}, {transform_indices = @transform_4, window_bounds = array<i64: 1, 1000, 1>}, {pipeline_mode = #tpu.pipeline_mode<synchronous>, transform_indices = @transform_5, window_bounds = array<i64: 1, 128>}, {pipeline_mode = #tpu.pipeline_mode<synchronous>, transform_indices = @transform_6, window_bounds = array<i64: 128, 128>}, {transform_indices = @transform_7, window_bounds = array<i64: 1000, 128>}]} {
    %get3A = arith.constant 0 : index
    %get3A_0 = arith.constant 0 : index
    %get3A_1 = arith.constant 0 : index
    %get3A_2 = vector.load %arg4[%get3A, %get3A_0, %get3A_1] : memref<1x1000x1xf32, #tpu.memory_space<vmem>>, vector<1x1000x1xf32>
    %get3A_3 = arith.constant 0 : index
    %get3A_4 = arith.constant 0 : index
    %get3A_5 = arith.constant 0 : index
    %get3A_6 = vector.load %arg5[%get3A_3, %get3A_4, %get3A_5] : memref<1x1000x1xf32, #tpu.memory_space<vmem>>, vector<1x1000x1xf32>
    %squeeze3A = vector.shape_cast %get3A_2 : vector<1x1000x1xf32> to vector<1000x1xf32>
    %squeeze3A_7 = vector.shape_cast %get3A_6 : vector<1x1000x1xf32> to vector<1000x1xf32>
    %add3A = arith.addf %squeeze3A, %squeeze3A_7 : vector<1000x1xf32>
    %add3A_8 = arith.constant 1.000000e+00 : f32
    %add3A_9 = vector.broadcast %add3A_8 : f32 to vector<1000x1xf32>
    %add3A_10 = arith.addf %add3A, %add3A_9 : vector<1000x1xf32>
    %rsqrt3A = math.rsqrt %add3A_10 : vector<1000x1xf32>
    %get3A_11 = arith.constant 0 : index
    %get3A_12 = arith.constant 0 : index
    %get3A_13 = arith.constant 0 : index
    %get3A_14 = vector.load %arg1[%get3A_11, %get3A_12, %get3A_13] : memref<1x1000x128xf32, #tpu.memory_space<vmem>>, vector<1x1000x128xf32>
    %get3A_15 = vector.shape_cast %get3A_14 : vector<1x1000x128xf32> to vector<1000x128xf32>
    %get3A_16 = arith.constant 0 : index
    %get3A_17 = arith.constant 0 : index
    %get3A_18 = arith.constant 0 : index
    %get3A_19 = vector.load %arg2[%get3A_16, %get3A_17, %get3A_18] : memref<1x1000x128xf32, #tpu.memory_space<vmem>>, vector<1x1000x128xf32>
    %get3A_20 = vector.shape_cast %get3A_19 : vector<1x1000x128xf32> to vector<1000x128xf32>
    %add3A_21 = arith.addf %get3A_15, %get3A_20 : vector<1000x128xf32>
    %get3A_22 = arith.constant 0 : index
    %get3A_23 = arith.constant 0 : index
    %get3A_24 = vector.load %arg3[%get3A_22, %get3A_23] : memref<1000x128xf32, #tpu.memory_space<vmem>>, vector<1000x128xf32>
    %add3A_25 = arith.addf %add3A_21, %get3A_24 : vector<1000x128xf32>
    %mul3A = vector.broadcast %rsqrt3A : vector<1000x1xf32> to vector<1000x128xf32>
    %mul3A_26 = arith.mulf %add3A_25, %mul3A : vector<1000x128xf32>
    %get3A_27 = arith.constant 0 : index
    %get3A_28 = arith.constant 0 : index
    %get3A_29 = vector.load %arg6[%get3A_27, %get3A_28] : memref<1x128xf32, #tpu.memory_space<vmem>>, vector<1x128xf32>
    %add3A_30 = vector.broadcast %get3A_29 : vector<1x128xf32> to vector<1000x128xf32>
    %add3A_31 = arith.addf %mul3A_26, %add3A_30 : vector<1000x128xf32>
    %max3A = arith.constant 0.000000e+00 : f32
    %max3A_32 = vector.broadcast %max3A : f32 to vector<1000x128xf32>
    %max3A_33 = arith.maximumf %add3A_31, %max3A_32 : vector<1000x128xf32>
    %get3A_34 = arith.constant 0 : index
    %get3A_35 = arith.constant 0 : index
    %get3A_36 = vector.load %arg7[%get3A_34, %get3A_35] : memref<128x128xf32, #tpu.memory_space<vmem>>, vector<128x128xf32>
    %dot_general3A = arith.constant dense<0.000000e+00> : vector<1000x128xf32>
    %dot_general3A_37 = tpu.matmul %max3A_33, %get3A_36, %dot_general3A {dimension_numbers = #tpu.dot_dimension_numbers<[1], [0], [0], [1], [0, 0, 1, 1], [], []>, transpose_lhs_hint = false} : vector<1000x128xf32>, vector<128x128xf32>, vector<1000x128xf32> -> vector<1000x128xf32>
    %mul3A_38 = vector.broadcast %rsqrt3A : vector<1000x1xf32> to vector<1000x128xf32>
    %mul3A_39 = arith.mulf %dot_general3A_37, %mul3A_38 : vector<1000x128xf32>
    %swap3A = arith.constant 0 : index
    %swap3A_40 = arith.constant 0 : index
    %swap3A_41 = vector.load %arg8[%swap3A, %swap3A_40] : memref<1000x128xf32, #tpu.memory_space<vmem>>, vector<1000x128xf32>
    tpu.vector_store %arg8[%swap3A, %swap3A_40], %mul3A_39 {strides = array<i32>} : memref<1000x128xf32, #tpu.memory_space<vmem>>, vector<1000x128xf32>,
    return
  }
  func.func @transform_0(%arg0: i32) -> (i32, i32, i32) {
    %c0_i32 = arith.constant 0 : i32
    %c0_i32_0 = arith.constant 0 : i32
    %c0_i32_1 = arith.constant 0 : i32
    return %c0_i32, %arg0, %c0_i32_0 : i32, i32, i32
  }
  func.func @transform_1(%arg0: i32) -> (i32, i32, i32) {
    %c1_i32 = arith.constant 1 : i32
    %c0_i32 = arith.constant 0 : i32
    %c0_i32_0 = arith.constant 0 : i32
    return %c1_i32, %arg0, %c0_i32 : i32, i32, i32
  }
  func.func @transform_2(%arg0: i32) -> (i32, i32) {
    %c0_i32 = arith.constant 0 : i32
    %c0_i32_0 = arith.constant 0 : i32
    return %arg0, %c0_i32 : i32, i32
  }
  func.func @transform_3(%arg0: i32) -> (i32, i32, i32) {
    %c0_i32 = arith.constant 0 : i32
    %c0_i32_0 = arith.constant 0 : i32
    %c0_i32_1 = arith.constant 0 : i32
    return %c0_i32, %arg0, %c0_i32_0 : i32, i32, i32
  }
  func.func @transform_4(%arg0: i32) -> (i32, i32, i32) {
    %c1_i32 = arith.constant 1 : i32
    %c0_i32 = arith.constant 0 : i32
    %c0_i32_0 = arith.constant 0 : i32
    return %c1_i32, %arg0, %c0_i32 : i32, i32, i32
  }
  func.func @transform_5(%arg0: i32) -> (i32, i32) {
    %c0_i32 = arith.constant 0 : i32
    %c0_i32_0 = arith.constant 0 : i32
    %c0_i32_1 = arith.constant 0 : i32
    return %c0_i32, %c0_i32_0 : i32, i32
  }
  func.func @transform_6(%arg0: i32) -> (i32, i32) {
    %c0_i32 = arith.constant 0 : i32
    %c0_i32_0 = arith.constant 0 : i32
    %c0_i32_1 = arith.constant 0 : i32
    return %c0_i32, %c0_i32_0 : i32, i32
  }
  func.func @transform_7(%arg0: i32) -> (i32, i32) {
    %c0_i32 = arith.constant 0 : i32
    %c0_i32_0 = arith.constant 0 : i32
    return %arg0, %c0_i32 : i32, i32
  }
}

module attributes {stable_mosaic.version = 14 : i64} {
  func.func @body(%arg0: i32, %arg1: memref<1x10000x128xf32, #tpu.memory_space<vmem>>, %arg2: memref<1x10000x128xf32, #tpu.memory_space<vmem>>, %arg3: memref<10000x128xf32, #tpu.memory_space<vmem>>, %arg4: memref<1x10000x1xf32, #tpu.memory_space<vmem>>, %arg5: memref<1x10000x1xf32, #tpu.memory_space<vmem>>, %arg6: memref<1x128xf32, #tpu.memory_space<vmem>>, %arg7: memref<10000x1xi32, #tpu.memory_space<vmem>>, %arg8: memref<128x128xf32, #tpu.memory_space<vmem>>, %arg9: memref<1x128xf32, #tpu.memory_space<vmem>>, %arg10: memref<128x128xf32, #tpu.memory_space<vmem>>, %arg11: memref<1x128xf32, #tpu.memory_space<vmem>>, %arg12: memref<64x128xf32, #tpu.memory_space<vmem>>, %arg13: memref<10000x128xf32, #tpu.memory_space<vmem>>, %arg14: memref<64x128xf32, #tpu.memory_space<vmem>>) attributes {dimension_semantics = [#tpu.dimension_semantics<arbitrary>], iteration_bounds = array<i64: 1>, scalar_prefetch = 0 : i64, scratch_operands = 2 : i64, tpu.core_type = #tpu.core_type<tc>, window_params = [{transform_indices = @transform_0, window_bounds = array<i64: 1, 10000, 128>}, {transform_indices = @transform_1, window_bounds = array<i64: 1, 10000, 128>}, {pipeline_mode = #tpu.pipeline_mode<synchronous>, transform_indices = @transform_2, window_bounds = array<i64: 10000, 128>}, {transform_indices = @transform_3, window_bounds = array<i64: 1, 10000, 1>}, {transform_indices = @transform_4, window_bounds = array<i64: 1, 10000, 1>}, {pipeline_mode = #tpu.pipeline_mode<synchronous>, transform_indices = @transform_5, window_bounds = array<i64: 1, 128>}, {pipeline_mode = #tpu.pipeline_mode<synchronous>, transform_indices = @transform_6, window_bounds = array<i64: 10000, 1>}, {pipeline_mode = #tpu.pipeline_mode<synchronous>, transform_indices = @transform_7, window_bounds = array<i64: 128, 128>}, {pipeline_mode = #tpu.pipeline_mode<synchronous>, transform_indices = @transform_8, window_bounds = array<i64: 1, 128>}, {pipeline_mode = #tpu.pipeline_mode<synchronous>, transform_indices = @transform_9, window_bounds = array<i64: 128, 128>}, {pipeline_mode = #tpu.pipeline_mode<synchronous>, transform_indices = @transform_10, window_bounds = array<i64: 1, 128>}, {pipeline_mode = #tpu.pipeline_mode<synchronous>, transform_indices = @transform_11, window_bounds = array<i64: 64, 128>}]} {
    %get3A = arith.constant 0 : index
    %get3A_0 = arith.constant 0 : index
    %get3A_1 = arith.constant 0 : index
    %get3A_2 = vector.load %arg4[%get3A, %get3A_0, %get3A_1] : memref<1x10000x1xf32, #tpu.memory_space<vmem>>, vector<1x10000x1xf32>
    %get3A_3 = arith.constant 0 : index
    %get3A_4 = arith.constant 0 : index
    %get3A_5 = arith.constant 0 : index
    %get3A_6 = vector.load %arg5[%get3A_3, %get3A_4, %get3A_5] : memref<1x10000x1xf32, #tpu.memory_space<vmem>>, vector<1x10000x1xf32>
    %squeeze3A = vector.shape_cast %get3A_2 : vector<1x10000x1xf32> to vector<10000x1xf32>
    %squeeze3A_7 = vector.shape_cast %get3A_6 : vector<1x10000x1xf32> to vector<10000x1xf32>
    %add3A = arith.addf %squeeze3A, %squeeze3A_7 : vector<10000x1xf32>
    %add3A_8 = arith.constant 1.000000e+00 : f32
    %add3A_9 = vector.broadcast %add3A_8 : f32 to vector<10000x1xf32>
    %add3A_10 = arith.addf %add3A, %add3A_9 : vector<10000x1xf32>
    %rsqrt3A = math.rsqrt %add3A_10 : vector<10000x1xf32>
    %get3A_11 = arith.constant 0 : index
    %get3A_12 = arith.constant 0 : index
    %get3A_13 = arith.constant 0 : index
    %get3A_14 = vector.load %arg1[%get3A_11, %get3A_12, %get3A_13] : memref<1x10000x128xf32, #tpu.memory_space<vmem>>, vector<1x10000x128xf32>
    %get3A_15 = vector.shape_cast %get3A_14 : vector<1x10000x128xf32> to vector<10000x128xf32>
    %get3A_16 = arith.constant 0 : index
    %get3A_17 = arith.constant 0 : index
    %get3A_18 = arith.constant 0 : index
    %get3A_19 = vector.load %arg2[%get3A_16, %get3A_17, %get3A_18] : memref<1x10000x128xf32, #tpu.memory_space<vmem>>, vector<1x10000x128xf32>
    %get3A_20 = vector.shape_cast %get3A_19 : vector<1x10000x128xf32> to vector<10000x128xf32>
    %add3A_21 = arith.addf %get3A_15, %get3A_20 : vector<10000x128xf32>
    %get3A_22 = arith.constant 0 : index
    %get3A_23 = arith.constant 0 : index
    %get3A_24 = vector.load %arg3[%get3A_22, %get3A_23] : memref<10000x128xf32, #tpu.memory_space<vmem>>, vector<10000x128xf32>
    %add3A_25 = arith.addf %add3A_21, %get3A_24 : vector<10000x128xf32>
    %mul3A = vector.broadcast %rsqrt3A : vector<10000x1xf32> to vector<10000x128xf32>
    %mul3A_26 = arith.mulf %add3A_25, %mul3A : vector<10000x128xf32>
    %get3A_27 = arith.constant 0 : index
    %get3A_28 = arith.constant 0 : index
    %get3A_29 = vector.load %arg6[%get3A_27, %get3A_28] : memref<1x128xf32, #tpu.memory_space<vmem>>, vector<1x128xf32>
    %add3A_30 = vector.broadcast %get3A_29 : vector<1x128xf32> to vector<10000x128xf32>
    %add3A_31 = arith.addf %mul3A_26, %add3A_30 : vector<10000x128xf32>
    %max3A = arith.constant 0.000000e+00 : f32
    %max3A_32 = vector.broadcast %max3A : f32 to vector<10000x128xf32>
    %max3A_33 = arith.maximumf %add3A_31, %max3A_32 : vector<10000x128xf32>
    %swap3A = arith.constant 0 : index
    %swap3A_34 = arith.constant 0 : index
    %swap3A_35 = vector.load %arg13[%swap3A, %swap3A_34] : memref<10000x128xf32, #tpu.memory_space<vmem>>, vector<10000x128xf32>
    tpu.vector_store %arg13[%swap3A, %swap3A_34], %max3A_33 {strides = array<i32>} : memref<10000x128xf32, #tpu.memory_space<vmem>>, vector<10000x128xf32>,
    %scan3A = arith.constant 0 : i32
    %scan3A_36 = arith.constant 64 : i32
    %scan3A_37 = arith.addi %scan3A, %scan3A_36 : i32
    %scan3A_38 = arith.constant 1 : i32
    scf.for %scan3A_75 = %scan3A to %scan3A_37 step %scan3A_38  : i32 {
      %get3A_76 = arith.constant 0 : index
      %get3A_77 = arith.constant 0 : index
      %get3A_78 = vector.load %arg7[%get3A_76, %get3A_77] : memref<10000x1xi32, #tpu.memory_space<vmem>>, vector<10000x1xi32>
      %eq3A = vector.broadcast %scan3A_75 : i32 to vector<10000x1xi32>
      %eq3A_79 = arith.cmpi eq, %get3A_78, %eq3A : vector<10000x1xi32>
      %get3A_80 = arith.constant 0 : index
      %get3A_81 = arith.constant 0 : index
      %get3A_82 = vector.load %arg13[%get3A_80, %get3A_81] : memref<10000x128xf32, #tpu.memory_space<vmem>>, vector<10000x128xf32>
      %jit3A = arith.constant 0xFF800000 : f32
      %broadcast_in_dim3A_83 = vector.shape_cast %eq3A_79 : vector<10000x1xi1> to vector<10000x1xi1>
      %broadcast_in_dim3A_84 = vector.broadcast %broadcast_in_dim3A_83 : vector<10000x1xi1> to vector<10000x128xi1>
      %broadcast_in_dim3A_85 = vector.broadcast %jit3A : f32 to vector<10000x128xf32>
      %select_n3A = arith.select %broadcast_in_dim3A_84, %get3A_82, %broadcast_in_dim3A_85 : vector<10000x128xi1>, vector<10000x128xf32>
      %reduce_max3A_86 = arith.constant dense<0xFF800000> : vector<128xf32>
      %reduce_max3A_87 = vector.multi_reduction <maximumf>, %select_n3A, %reduce_max3A_86 [0] : vector<10000x128xf32> to vector<128xf32>
      %broadcast_in_dim3A_88 = vector.shape_cast %reduce_max3A_87 : vector<128xf32> to vector<1x128xf32>
      %swap3A_89 = arith.index_cast %scan3A_75 : i32 to index
      %swap3A_90 = arith.constant 0 : index
      %swap3A_91 = vector.load %arg14[%swap3A_89, %swap3A_90] : memref<64x128xf32, #tpu.memory_space<vmem>>, vector<1x128xf32>
      tpu.vector_store %arg14[%swap3A_89, %swap3A_90], %broadcast_in_dim3A_88 {strides = array<i32>} : memref<64x128xf32, #tpu.memory_space<vmem>>, vector<1x128xf32>,
    }
    %scan3A_39 = arith.constant 64 : i32
    %get3A_40 = arith.constant 0 : index
    %get3A_41 = arith.constant 0 : index
    %get3A_42 = vector.load %arg14[%get3A_40, %get3A_41] : memref<64x128xf32, #tpu.memory_space<vmem>>, vector<64x128xf32>
    %get3A_43 = arith.constant 0 : index
    %get3A_44 = arith.constant 0 : index
    %get3A_45 = vector.load %arg8[%get3A_43, %get3A_44] : memref<128x128xf32, #tpu.memory_space<vmem>>, vector<128x128xf32>
    %dot_general3A = arith.constant dense<0.000000e+00> : vector<64x128xf32>
    %dot_general3A_46 = tpu.matmul %get3A_42, %get3A_45, %dot_general3A {dimension_numbers = #tpu.dot_dimension_numbers<[1], [0], [0], [1], [0, 0, 1, 1], [], []>, transpose_lhs_hint = false} : vector<64x128xf32>, vector<128x128xf32>, vector<64x128xf32> -> vector<64x128xf32>
    %get3A_47 = arith.constant 0 : index
    %get3A_48 = arith.constant 0 : index
    %get3A_49 = vector.load %arg9[%get3A_47, %get3A_48] : memref<1x128xf32, #tpu.memory_space<vmem>>, vector<1x128xf32>
    %add3A_50 = vector.broadcast %get3A_49 : vector<1x128xf32> to vector<64x128xf32>
    %add3A_51 = arith.addf %dot_general3A_46, %add3A_50 : vector<64x128xf32>
    %max3A_52 = arith.constant 0.000000e+00 : f32
    %max3A_53 = vector.broadcast %max3A_52 : f32 to vector<64x128xf32>
    %max3A_54 = arith.maximumf %add3A_51, %max3A_53 : vector<64x128xf32>
    %get3A_55 = arith.constant 0 : index
    %get3A_56 = arith.constant 0 : index
    %get3A_57 = vector.load %arg10[%get3A_55, %get3A_56] : memref<128x128xf32, #tpu.memory_space<vmem>>, vector<128x128xf32>
    %dot_general3A_58 = arith.constant dense<0.000000e+00> : vector<64x128xf32>
    %dot_general3A_59 = tpu.matmul %max3A_54, %get3A_57, %dot_general3A_58 {dimension_numbers = #tpu.dot_dimension_numbers<[1], [0], [0], [1], [0, 0, 1, 1], [], []>, transpose_lhs_hint = false} : vector<64x128xf32>, vector<128x128xf32>, vector<64x128xf32> -> vector<64x128xf32>
    %get3A_60 = arith.constant 0 : index
    %get3A_61 = arith.constant 0 : index
    %get3A_62 = vector.load %arg11[%get3A_60, %get3A_61] : memref<1x128xf32, #tpu.memory_space<vmem>>, vector<1x128xf32>
    %add3A_63 = vector.broadcast %get3A_62 : vector<1x128xf32> to vector<64x128xf32>
    %add3A_64 = arith.addf %dot_general3A_59, %add3A_63 : vector<64x128xf32>
    %reduce_max3A = arith.constant dense<0xFF800000> : vector<64xf32>
    %reduce_max3A_65 = vector.multi_reduction <maximumf>, %add3A_64, %reduce_max3A [1] : vector<64x128xf32> to vector<64xf32>
    %broadcast_in_dim3A = vector.shape_cast %reduce_max3A_65 : vector<64xf32> to vector<64x1xf32>
    %sub3A = vector.broadcast %broadcast_in_dim3A : vector<64x1xf32> to vector<64x128xf32>
    %sub3A_66 = arith.subf %add3A_64, %sub3A : vector<64x128xf32>
    %exp3A = math.exp %sub3A_66 : vector<64x128xf32>
    %reduce_sum3A = arith.constant dense<0.000000e+00> : vector<64xf32>
    %reduce_sum3A_67 = vector.multi_reduction <add>, %exp3A, %reduce_sum3A [1] : vector<64x128xf32> to vector<64xf32>
    %broadcast_in_dim3A_68 = vector.shape_cast %reduce_sum3A_67 : vector<64xf32> to vector<64x1xf32>
    %log3A = math.log %broadcast_in_dim3A_68 : vector<64x1xf32>
    %add3A_69 = arith.addf %log3A, %broadcast_in_dim3A : vector<64x1xf32>
    %sub3A_70 = vector.broadcast %add3A_69 : vector<64x1xf32> to vector<64x128xf32>
    %sub3A_71 = arith.subf %add3A_64, %sub3A_70 : vector<64x128xf32>
    %swap3A_72 = arith.constant 0 : index
    %swap3A_73 = arith.constant 0 : index
    %swap3A_74 = vector.load %arg12[%swap3A_72, %swap3A_73] : memref<64x128xf32, #tpu.memory_space<vmem>>, vector<64x128xf32>
    tpu.vector_store %arg12[%swap3A_72, %swap3A_73], %sub3A_71 {strides = array<i32>} : memref<64x128xf32, #tpu.memory_space<vmem>>, vector<64x128xf32>,
    return
  }
  func.func @transform_0(%arg0: i32) -> (i32, i32, i32) {
    %c0_i32 = arith.constant 0 : i32
    %c0_i32_0 = arith.constant 0 : i32
    %c0_i32_1 = arith.constant 0 : i32
    %c0_i32_2 = arith.constant 0 : i32
    return %c0_i32, %c0_i32_0, %c0_i32_1 : i32, i32, i32
  }
  func.func @transform_1(%arg0: i32) -> (i32, i32, i32) {
    %c1_i32 = arith.constant 1 : i32
    %c0_i32 = arith.constant 0 : i32
    %c0_i32_0 = arith.constant 0 : i32
    %c0_i32_1 = arith.constant 0 : i32
    return %c1_i32, %c0_i32, %c0_i32_0 : i32, i32, i32
  }
  func.func @transform_2(%arg0: i32) -> (i32, i32) {
    %c0_i32 = arith.constant 0 : i32
    %c0_i32_0 = arith.constant 0 : i32
    %c0_i32_1 = arith.constant 0 : i32
    return %c0_i32, %c0_i32_0 : i32, i32
  }
  func.func @transform_3(%arg0: i32) -> (i32, i32, i32) {
    %c0_i32 = arith.constant 0 : i32
    %c0_i32_0 = arith.constant 0 : i32
    %c0_i32_1 = arith.constant 0 : i32
    %c0_i32_2 = arith.constant 0 : i32
    return %c0_i32, %c0_i32_0, %c0_i32_1 : i32, i32, i32
  }
  func.func @transform_4(%arg0: i32) -> (i32, i32, i32) {
    %c1_i32 = arith.constant 1 : i32
    %c0_i32 = arith.constant 0 : i32
    %c0_i32_0 = arith.constant 0 : i32
    %c0_i32_1 = arith.constant 0 : i32
    return %c1_i32, %c0_i32, %c0_i32_0 : i32, i32, i32
  }
  func.func @transform_5(%arg0: i32) -> (i32, i32) {
    %c0_i32 = arith.constant 0 : i32
    %c0_i32_0 = arith.constant 0 : i32
    %c0_i32_1 = arith.constant 0 : i32
    return %c0_i32, %c0_i32_0 : i32, i32
  }
  func.func @transform_6(%arg0: i32) -> (i32, i32) {
    %c0_i32 = arith.constant 0 : i32
    %c0_i32_0 = arith.constant 0 : i32
    %c0_i32_1 = arith.constant 0 : i32
    return %c0_i32, %c0_i32_0 : i32, i32
  }
  func.func @transform_7(%arg0: i32) -> (i32, i32) {
    %c0_i32 = arith.constant 0 : i32
    %c0_i32_0 = arith.constant 0 : i32
    %c0_i32_1 = arith.constant 0 : i32
    return %c0_i32, %c0_i32_0 : i32, i32
  }
  func.func @transform_8(%arg0: i32) -> (i32, i32) {
    %c0_i32 = arith.constant 0 : i32
    %c0_i32_0 = arith.constant 0 : i32
    %c0_i32_1 = arith.constant 0 : i32
    return %c0_i32, %c0_i32_0 : i32, i32
  }
  func.func @transform_9(%arg0: i32) -> (i32, i32) {
    %c0_i32 = arith.constant 0 : i32
    %c0_i32_0 = arith.constant 0 : i32
    %c0_i32_1 = arith.constant 0 : i32
    return %c0_i32, %c0_i32_0 : i32, i32
  }
  func.func @transform_10(%arg0: i32) -> (i32, i32) {
    %c0_i32 = arith.constant 0 : i32
    %c0_i32_0 = arith.constant 0 : i32
    %c0_i32_1 = arith.constant 0 : i32
    return %c0_i32, %c0_i32_0 : i32, i32
  }
  func.func @transform_11(%arg0: i32) -> (i32, i32) {
    %c0_i32 = arith.constant 0 : i32
    %c0_i32_0 = arith.constant 0 : i32
    %c0_i32_1 = arith.constant 0 : i32
    return %c0_i32, %c0_i32_0 : i32, i32
  }
}

</mosaic_0001>

<sc_bundles>
// kernel: kernel.11.cloned.1.call-start
scs
__scs_entry_jumppad:
0x0: {  	(pc) =	sbr.rel $0x88, $3  }
0x1: {  	(tag) =	ssettag $0x0;
	lr =	simm.s32 $0x1  }
0x2: {  	[smem:$0x3F96] =	sst lr;
	_ =	strace $0xD0000000  }
0x3: {  	_ = 	snop  }
0x4: {  	_ = 	snop  }
0x5: {  	_ = 	snop  }
0x6: {  	_ = 	snop  }
0x7: {  	_ = 	snop  }
__scs_overlays_trampoline_lowered:
0x8: {  	[smem:$0x3FA5] =	sst s0  }
0x9: {  	[smem:$0x3FA6] =	sst s1  }
0xa: {  	[smem:$0x3FA7] =	sst s2  }
0xb: {  	[smem:$0x3FA8] =	sst s3  }
0xc: {  	[smem:$0x3FA9] =	sst s4  }
0xd: {  	[smem:$0x3FAA] =	sst s5  }
0xe: {  	[smem:$0x3FAB] =	sst s6  }
0xf: {  	[smem:$0x3FAC] =	sst s7  }
0x10: {  	[smem:$0x3FAD] =	sst s8  }
0x11: {  	[smem:$0x3FAE] =	sst s9;
	s0 =	simm.s32 @!p0 $0x0  }
0x12: {  	s1 =	sld [smem:$0x3F94];
	s0 =	simm.s32 @p0 $0x1  }
0x13: {  	[smem:$0x3FAF] =	sst s0;
	s0 =	simm.s32 @!p1 $0x0  }
0x14: {  	s2 =	sld [smem:$0x3F93];
	s0 =	simm.s32 @p1 $0x1  }
0x15: {  	[smem:$0x3FB0] =	sst s0;
	s0 =	simm.s32 @!p2 $0x0  }
0x16: {  	s3 =	sld [smem:$0x3FDB];
	s0 =	simm.s32 @p2 $0x1  }
0x17: {  	s4 =	simm.s32 $0x1BF5;
	[smem:$0x3FB2] =	sst s0  }
0x18: {  	s0 =	sld [smem:$0x3F95];
	_ =	swait.ge [sflag:s4], $0x0  }
0x19: {  	s7 =	sld [smem:$0x3F96]  }
0x1a: {  	s8 =	sadd.s32 $0xFFFFE003, lr  }
0x1b: {  	s9 =	sadd.s32 $0xFFFFFEF7, lr;
	s5 =	simm.s32 $0xFFFFFFFF;
	p2 =	slt.u32 s8, $0xFFFFF086  }
0x1c: {  	p1 =	slt.u32 s9, $0xF7A;
	s5 =	simm.s32 @!p2 $0x0  }
0x1d: {  	s5 =	simm.s32 @p1 $0x1;
	p0 =	seq.s32 s7, s2  }
0x1e: {  	s7 =	smul.u32 @!p0 $0xF7A, s2;
	p2 =	seq.s32 @!p0 s5, $0x0  }
0x1f: {  	s9 =	smul.u32 $0xF7A, s1;
	s8 =	simm.s32 @!p0 $0x1BF5;
	p2 =	por !p2, p0  }
0x20: {  	[sflag:s8] =	ssyncset.s32 @!p0 $0xFFFFF086;
	s6 =	sadd.s32 @!p0 s3, s7;
	s7 =	simm.s32 @!p0 $0x108  }
0x21: {  	s3 =	sadd.s32 s3, s9;
	s6 =	sadd.s32 @!p0 $0x88, s6;
	s7 =	simm.s32 @p2 $0x1082  }
0x22: {  	[simem:s7], [sflag:s8] =	dma.local @!p0 [hbm:s6], $0xF7A  }
0x23: {  	s9 =	sor.u32 $0xD0000000, s2;
	s6 =	simm.s32 $0x108;
	_ =	swait.ge @!p0 [sflag:s8], $0x0  }
0x24: {  	s3 =	sadd.s32 $0x88, s3;
	s6 =	simm.s32 @!p1 $0x1082;
	[sflag:s4] =	ssyncset.s32 $0xFFFFF086  }
0x25: {  	[simem:s6], [sflag:s4] =	dma.local [hbm:s3], $0xF7A  }
0x26: {  	[smem:$0x3F96] =	sst s1;
	(tag) =	ssettag s2;
	_ =	strace s9  }
0x27: {  	s1 =	sld [smem:$0x3FA6]  }
0x28: {  	s2 =	sld [smem:$0x3FA7]  }
0x29: {  	s4 =	sld [smem:$0x3FA9]  }
0x2a: {  	p0 =	seq.s32 s5, $0x0;
	s5 =	sld [smem:$0x3FAA]  }
0x2b: {  	s6 =	sld [smem:$0x3FAB]  }
0x2c: {  	s7 =	sld [smem:$0x3FAC]  }
0x2d: {  	s3 =	simm.s32 $0x108;
	s8 =	sld [smem:$0x3FAD]  }
0x2e: {  	s3 =	simm.s32 @!p0 $0x1082;
	s9 =	sld [smem:$0x3FAE]  }
0x2f: {  	lr =	sadd.s32 s0, s3;
	s0 =	sld [smem:$0x3FA5]  }
0x30: {  	s3 =	sld [smem:$0x3FA8]  }
0x31: {  	[smem:$0x3FB1] =	sst s10  }
0x32: {  	s10 =	sld [smem:$0x3FAF];
	_ =	sdelay $0x3  }
0x33: {  	p0 =	seq.s32 s10, $0x1;
	s10 =	sld [smem:$0x3FB1];
	_ =	sdelay $0x3  }
0x34: {  	[smem:$0x3FB1] =	sst s10  }
0x35: {  	s10 =	sld [smem:$0x3FB0];
	_ =	sdelay $0x3  }
0x36: {  	p1 =	seq.s32 s10, $0x1;
	s10 =	sld [smem:$0x3FB1];
	_ =	sdelay $0x3  }
0x37: {  	[smem:$0x3FB1] =	sst s10  }
0x38: {  	s10 =	sld [smem:$0x3FB2]  }
0x39: {  	_ = 	snop;
	(pc) =	sbr.ind lr, $3  }
0x3a: {  	_ = 	snop  }
0x3b: {  	_ = 	snop  }
0x3c: {  	p2 =	seq.s32 s10, $0x1;
	s10 =	sld [smem:$0x3FB1]  }
0x3d: {  	_ =	shalt  }
0x3e: {  	_ =	shalt  }
0x3f: {  	_ =	shalt  }
0x40: {  	_ =	shalt  }
0x41: {  	_ =	shalt  }
0x42: {  	_ =	shalt  }
0x43: {  	_ =	shalt  }
0x44: {  	_ =	shalt  }
0x45: {  	_ =	shalt  }
0x46: {  	_ =	shalt  }
0x47: {  	_ =	shalt  }
0x48: {  	_ =	shalt  }
0x49: {  	_ =	shalt  }
0x4a: {  	_ =	shalt  }
0x4b: {  	_ =	shalt  }
0x4c: {  	_ =	shalt  }
0x4d: {  	_ =	shalt  }
0x4e: {  	_ =	shalt  }
0x4f: {  	_ =	shalt  }
0x50: {  	_ =	shalt  }
0x51: {  	_ =	shalt  }
0x52: {  	_ =	shalt  }
0x53: {  	_ =	shalt  }
0x54: {  	_ =	shalt  }
0x55: {  	_ =	shalt  }
0x56: {  	_ =	shalt  }
0x57: {  	_ =	shalt  }
0x58: {  	_ =	shalt  }
0x59: {  	_ =	shalt  }
0x5a: {  	_ =	shalt  }
0x5b: {  	_ =	shalt  }
0x5c: {  	_ =	shalt  }
0x5d: {  	_ =	shalt  }
0x5e: {  	_ =	shalt  }
0x5f: {  	_ =	shalt  }
0x60: {  	_ =	shalt  }
0x61: {  	_ =	shalt  }
0x62: {  	_ =	shalt  }
0x63: {  	_ =	shalt  }
0x64: {  	_ =	shalt  }
0x65: {  	_ =	shalt  }
0x66: {  	_ =	shalt  }
0x67: {  	_ =	shalt  }
0x68: {  	_ =	shalt  }
0x69: {  	_ =	shalt  }
0x6a: {  	_ =	shalt  }
0x6b: {  	_ =	shalt  }
0x6c: {  	_ =	shalt  }
0x6d: {  	_ =	shalt  }
0x6e: {  	_ =	shalt  }
0x6f: {  	_ =	shalt  }
0x70: {  	_ =	shalt  }
0x71: {  	_ =	shalt  }
0x72: {  	_ =	shalt  }
0x73: {  	_ =	shalt  }
0x74: {  	_ =	shalt  }
0x75: {  	_ =	shalt  }
0x76: {  	_ =	shalt  }
0x77: {  	_ =	shalt  }
0x78: {  	_ =	shalt  }
0x79: {  	_ =	shalt  }
0x7a: {  	_ =	shalt  }
0x7b: {  	_ =	shalt  }
0x7c: {  	_ =	shalt  }
0x7d: {  	_ =	shalt  }
0x7e: {  	_ =	shalt  }
0x7f: {  	_ =	shalt  }
0x80: {  	_ =	shalt  }
0x81: {  	_ =	shalt  }
0x82: {  	_ =	shalt  }
0x83: {  	_ =	shalt  }
0x84: {  	_ =	shalt  }
0x85: {  	_ =	shalt  }
0x86: {  	_ =	shalt  }
0x87: {  	_ =	shalt  }
.Lfunc_end0:
.L_simem_size_0:
called_computation.1_lowered:
.L_overlay_start_0:
0x88: {  	s2 =	sld [smem:$0x3FD9]  }
0x89: {  	s3 =	sld [smem:$0x3FFE];
	_ =	sdelay $0x1  }
0x8a: {  	s1 =	srdreg.scid  }
0x8b: {  	s0 =	sand.u32 $0x1, s1  }
0x8c: {  	s16 =	sshll.u32 s0, $0xA;
	s2 =	sadd.s32 s3, s2  }
0x8d: {  	s2 =	sadd.s32 s2, s16  }
0x8e: {  	[smem:$0x3FBD] =	sst s2  }
0x8f: {  	_ = 	snop  }
0x90: {  	(tm) =	ssettm $0x1  }
0x91: {  	s17 =	sld [smem:$0x3FFB];
	_ =	sdelay $0x3  }
0x92: {  	_ =	strace s17  }
0x93: {  	s2 =	sld [smem:$0x3FFC];
	_ =	sdelay $0x3  }
0x94: {  	_ =	strace s2  }
0x95: {  	s2 =	sld [smem:$0x3FFD];
	_ =	sdelay $0x3  }
0x96: {  	_ =	strace s2  }
0x97: {  	_ =	strace $0x8FFFFFFF  }
0x98: {  	s18 =	sld [smem:$0x3FDB];
	_ =	sdelay $0x1  }
0x99: {  	s19 =	simm.s32 $_scs_section_size  }
0x9a: {  	s4 =	simm.s32 $_size__tile_overlayer_lowered;
	s5 =	simm.s32 $_tile_overlayer_lowered  }
0x9b: {  	s22 =	simm.s32 $0x1BFF;
	s21 =	sshll.u32 s5, $0x1;
	s2 =	sadd.s32 s19, s18  }
0x9c: {  	s6 =	simm.s32 $0x0;
	s20 =	sshll.u32 s4, $0x1;
	s4 =	sadd.s32 s21, s2  }
0x9d: {  	[timem:s6], [sflag:s22] =	dma.local [hbm:s4], s20  }
0x9e: {  	_ =	swait.ge [sflag:s22], s20  }
0x9f: {  	s3 =	ssub.s32 $0x0, s20;
	[sflag:s22] =	ssyncset.done $0x0  }
0xa0: {  	[sflag:s22] =	ssyncadd.s32 s3;
	_ =	sdelay $0x1  }
0xa1: {  	s23 =	simm.s32 $0x1B8B  }
0xa2: {  	_ =	swait.ge [sflag:s23], $0x1  }
0xa3: {  	[sflag:s23] =	ssyncset.done $0x0  }
0xa4: {  	s25 =	simm.s32 $0x1B8E;
	s24 =	sld [smem:$0x3FFE];
	[sflag:s23] =	ssyncadd.s32 $0xFFFFFFFF  }
0xa5: {  	s26 =	simm.s32 $execute0_lowered;
	[smem:$0x3FD2] =	sst s25  }
0xa6: {  	s4 =	sshll.u32 s26, $0x1;
	_ =	strace $0x80000049;
	[dreg:$0x1] =	wrdreg $0xFFFFFFFF  }
0xa7: {  	s28 =	simm.s32 $_size_execute0_lowered;
	s2 =	sadd.s32 s2, s4;
	[dreg:$0x0] =	wrdreg $0x0  }
0xa8: {  	s4 =	sshll.u32 s28, $0x1;
	[dreg:$0x2] =	wrdreg s2  }
0xa9: {  	[dreg:$0x3] =	wrdreg s4  }
0xaa: {  	[dreg:$0x4] =	wrdreg $0xC0  }
0xab: {  	_ =	task [dreg:s6], $0x5FFFF  }
0xac: {  	[dreg:$0x1] =	wrdreg $0xFFFFFFFF  }
0xad: {  	[dreg:$0x0] =	wrdreg $0x60  }
0xae: {  	[dreg:$0x2] =	wrdreg s24  }
0xaf: {  	[dreg:$0x3] =	wrdreg $0xA8000  }
0xb0: {  	[dreg:$0x4] =	wrdreg $0x9  }
0xb1: {  	_ =	task.clear_ibuf [dreg:s6], $0x5FFFF;
	_ =	strace $0x90000049  }
0xb2: {  	s29 =	simm.s32 $0x9;
	_ =	strace $0x8000004B  }
0xb3: {  	_ =	swait.ge [sflag:s29], $0x1  }
0xb4: {  	[sflag:s29] =	ssyncadd.s32 $0xFFFFFFFF  }
0xb5: {  	_ =	strace $0x9000004B  }
0xb6: {  	_ =	sfence  }
0xb7: {  	s30 =	sld [smem:$0x0];
	_ =	sdelay $0x2  }
0xb8: {  	s31 =	sshll.u32 s1, $0xD;
	s1 =	sshrl.u32 s1, $0x2  }
0xb9: {  	s3 =	sand.u32 $0x4000, s31;
	s1 =	sadd.s32 s1, s30  }
0xba: {  	s0 =	sor.u32 s3, s0;
	s1 =	sshll.u32 s1, $0x11  }
0xbb: {  	s0 =	sor.u32 s1, s0  }
0xbc: {  	s0 =	sadd.s32 $0x8F2B, s0  }
0xbd: {  	[sflag:s0] =	ssyncadd.remote.s32 $0x1  }
0xbe: {  	_ =	sfence.sel $0xFFFF  }
0xbf: {  	[dreg:$0x0] =	wrdreg $0xFFFFFFFF;
	(pc) =	sbr.abs _section_cstart, $3  }
0xc0: {  	[dreg:$0x1] =	wrdreg $0xFFFFFFFF  }
0xc1: {  	_ =	task.clear_ibuf [dreg:s6], $0x2FFFF;
	_ =	strace $0x9FFFFFFF  }
0xc2: {  	(tm) =	ssettm $0x7FFFFFFF  }
0xc3: {  	_ =	shalt  }
tec
execute0_lowered:
.L_overlay_start_1:
0x0: {  	(tag) =	ssettag $0x1  }
0x1: {  	s6 =	rddreg [dreg:$0x0]  }
0x2: {  	s2 =	rddreg [dreg:$0x1]  }
0x3: {  	s0 =	rddreg [dreg:$0x2]  }
0x4: {  	s3 =	simm.s32 $0x0;
	s4 =	srdreg.scid;
	s1 =	stileid.u32  }
0x5: {  	s16 =	simm.s32 $0x80;
	s17 =	simm.s32 $0x2800;
	s18 =	simm.s32 $0x6800  }
0x6: {  	s19 =	simm.s32 $0x1;
	s20 =	simm.s32 $0x2;
	s21 =	simm.s32 $0x3  }
0x7: {  	s22 =	simm.s32 $0x4;
	s23 =	simm.s32 $0x2700;
	s24 =	simm.s32 $0x2780  }
0x8: {  	[smem:$0x7FF] =	sst s3;
	s7 =	sand.u32 $0x1, s4;
	s8 =	smul.u32 $0x2780, s1  }
0x9: {  	s4 =	sadd.s32 $0x68400, s6;
	s10 =	sadd.s32 $0xE400, s6;
	s11 =	sadd.s32 $0x3400, s6  }
0xa: {  	s5 =	sadd.s32 $0x8F600, s6;
	s12 =	sshll.u32 s1, $0x1;
	s13 =	smul.u32 $0x4F000, s1  }
0xb: {  	s9 =	smul.u32 $0x27800, s7;
	s25 =	sshll.u32 s7, $0x5;
	s7 =	ssub.s32 $0x2, s7  }
0xc: {  	s31 =	sshll.u32 s1, $0x6;
	_ =	strace $0x8000004A;
	s28 =	sshrl.u32 s7, $0x1  }
0xd: {  	s30 =	sshrl.u32 s13, $0x2;
	s8 =	sadd.s32 s8, s9;
	s9 =	sor.u32 s12, s25  }
0xe: {  	s14 =	ssub.s32 s7, s28;
	s13 =	sadd.s32 s30, s2;
	s29 =	smul.u32 $0x1400, s9  }
0xf: {  	s25 =	simm.s32 $0x0;
	s26 =	sadd.s32 s8, s6;
	s9 =	smul.u32 $0x280, s9  }
0x10: {  	s6 =	sor.u32 $0x1C05, s31;
	s12 =	smax.u32 s14, $0x1;
	s8 =	sshrl.u32 s29, $0x3  }
0x11: {  	s13 =	sshrl.u32 s13, $0x3;
	s14 =	simm.s32 $0x5;
	s15 =	sadd.s32 $0x280, s8  }
0x12: {  	s7 =	sadd.s32 s10, s9;
	s8 =	sadd.s32 s11, s9;
	s9 =	sadd.s32 s10, s15  }
0x13: {  	s10 =	sadd.s32 s11, s15;
	s11 =	sadd.s32 $0x91E00, s26;
	s15 =	simm.s32 $0x1400  }
.LBB2_1:
0x14: {  	[spmem:s13], [sflag:s6] =	dma.local [hbm:s5], $0x2780  }
0x15: {  	_ =	swait.ge [sflag:s14], $0x2780  }
0x16: {  	[sflag:s14] =	ssyncset.done $0x0  }
0x17: {  	[sflag:s14] =	ssyncadd.s32 $0xFFFFD880  }
0x18: {  	[bflag:$0x0] =	sbarrier.arrive $0xFFFF  }
0x19: {  	[tilespmem:s3], [sflag:$0x5] =	stream.linear.gather [hbm4b:s7+s3], $0x1400, $0x38;
	[tilespmem:$0x1E400] =	vst v63  }
0x1a: {  	_ =	swait.ge [sflag:s14], $0x1400  }
0x1b: {  	[sflag:s14] =	ssyncset.done $0x0  }
0x1c: {  	[sflag:s14] =	ssyncadd.s32 $0xFFFFEC00  }
0x1d: {  	[tilespmem:s15], [sflag:$0x5] =	stream.linear.gather [hbm4b:s8+s3], $0x1400, $0x38;
	[tilespmem:$0x1E400] =	vst v63  }
0x1e: {  	_ =	swait.ge [sflag:s14], $0x1400  }
0x1f: {  	[sflag:s14] =	ssyncset.done $0x0  }
0x20: {  	[sflag:s14] =	ssyncadd.s32 $0xFFFFEC00  }
0x21: {  	[tilespmem:s17], [sflag:$0x1] =	stream.indirect.gather [hbm4b:s4+s16], $0x80, s3, s16, $0xb8;
	[tilespmem:$0x1E400] =	vst v63  }
0x22: {  	_ = 	snop  }
0x23: {  	[tilespmem:s18], [sflag:$0x2] =	stream.indirect.gather [hbm4b:s4+s16], $0x80, s16, s16, $0xb8;
	[tilespmem:$0x1E400] =	vst v63  }
0x24: {  	_ =	swait.ge [sflag:s19], $0x4000  }
0x25: {  	[sflag:s19] =	ssyncset.done $0x0  }
0x26: {  	s26 =	simm.s32 $0x1400;
	[sflag:s19] =	ssyncadd.s32 $0xFFFFC000  }
0x27: {  	[spmem:s2] =	stream.indirect.scatter.add.f32 [tilespmem:s17], [sflag:$0x3], $0x80, s26, s16, $0xb8;
	[tilespmem:$0x1E400] =	vst v63  }
0x28: {  	_ =	swait.ge [sflag:s20], $0x4000  }
0x29: {  	[sflag:s20] =	ssyncset.done $0x0  }
0x2a: {  	s30 =	simm.s32 $0x1480;
	[sflag:s20] =	ssyncadd.s32 $0xFFFFC000  }
0x2b: {  	[spmem:s2] =	stream.indirect.scatter.add.f32 [tilespmem:s18], [sflag:$0x4], $0x80, s30, s16, $0xb8;
	[tilespmem:$0x1E400] =	vst v63  }
0x2c: {  	_ =	swait.ge [sflag:s21], $0x4000  }
0x2d: {  	[sflag:s21] =	ssyncset.done $0x0  }
0x2e: {  	s31 =	simm.s32 $0x100;
	[sflag:s21] =	ssyncadd.s32 $0xFFFFC000  }
0x2f: {  	[tilespmem:s17], [sflag:$0x1] =	stream.indirect.gather [hbm4b:s4+s16], $0x80, s31, s16, $0xb8;
	[tilespmem:$0x1E400] =	vst v63  }
0x30: {  	_ =	swait.ge [sflag:s22], $0x4000  }
0x31: {  	[sflag:s22] =	ssyncset.done $0x0  }
0x32: {  	s28 =	simm.s32 $0x180;
	s26 =	simm.s32 $0x400;
	[sflag:s22] =	ssyncadd.s32 $0xFFFFC000  }
.LBB2_2:
0x33: {  	[tilespmem:s18], [sflag:$0x2] =	stream.indirect.gather [hbm4b:s4+s16], $0x80, s28, s16, $0xb8;
	[tilespmem:$0x1E400] =	vst v63  }
0x34: {  	s28 =	smov.u32 s26  }
0x35: {  	p0 =	sne.s32 s26, $0x4800;
	s26 =	sadd.s32 $0x400, s26;
	_ =	swait.ge [sflag:s19], $0x4000  }
0x36: {  	s28 =	sshra.s32 s28, $0x2;
	[sflag:s19] =	ssyncset.done $0x0  }
0x37: {  	s29 =	sadd.s32 $0x1400, s28;
	[sflag:s19] =	ssyncadd.s32 $0xFFFFC000  }
0x38: {  	[spmem:s2] =	stream.indirect.scatter.add.f32 [tilespmem:s17], [sflag:$0x3], $0x80, s29, s16, $0xb8;
	[tilespmem:$0x1E400] =	vst v63  }
0x39: {  	_ =	swait.ge [sflag:s20], $0x4000  }
0x3a: {  	[sflag:s20] =	ssyncset.done $0x0  }
0x3b: {  	s29 =	sadd.s32 $0x1480, s28;
	[sflag:s20] =	ssyncadd.s32 $0xFFFFC000  }
0x3c: {  	[spmem:s2] =	stream.indirect.scatter.add.f32 [tilespmem:s18], [sflag:$0x4], $0x80, s29, s16, $0xb8;
	[tilespmem:$0x1E400] =	vst v63  }
0x3d: {  	_ =	swait.ge [sflag:s21], $0x4000  }
0x3e: {  	[sflag:s21] =	ssyncset.done $0x0  }
.Ltmp0:
0x3f: {  	s29 =	sadd.s32 $0x100, s28;
	[sflag:s21] =	ssyncadd.s32 $0xFFFFC000;
	(pc) =	sbr.rel @p0 .LBB2_2-.Ltmp0, $4  }
0x40: {  	[tilespmem:s17], [sflag:$0x1] =	stream.indirect.gather [hbm4b:s4+s16], $0x80, s29, s16, $0xb8;
	[tilespmem:$0x1E400] =	vst v63  }
0x41: {  	_ =	swait.ge [sflag:s22], $0x4000  }
0x42: {  	[sflag:s22] =	ssyncset.done $0x0  }
0x43: {  	s28 =	sadd.s32 $0x180, s28;
	[sflag:s22] =	ssyncadd.s32 $0xFFFFC000  }
0x44: {  	[tilespmem:s18], [sflag:$0x2] =	stream.indirect.gather [hbm4b:s4+s16], $0x80, s28, s16, $0xb8;
	[tilespmem:$0x1E400] =	vst v63  }
0x45: {  	_ =	swait.ge [sflag:s19], $0x4000  }
0x46: {  	[sflag:s19] =	ssyncset.done $0x0  }
0x47: {  	[sflag:s19] =	ssyncadd.s32 $0xFFFFC000  }
0x48: {  	[spmem:s2] =	stream.indirect.scatter.add.f32 [tilespmem:s17], [sflag:$0x3], $0x80, s23, s16, $0xb8;
	[tilespmem:$0x1E400] =	vst v63  }
0x49: {  	_ =	swait.ge [sflag:s20], $0x4000  }
0x4a: {  	[sflag:s20] =	ssyncset.done $0x0  }
0x4b: {  	[sflag:s20] =	ssyncadd.s32 $0xFFFFC000  }
0x4c: {  	[spmem:s2] =	stream.indirect.scatter.add.f32 [tilespmem:s18], [sflag:$0x4], $0x80, s24, s16, $0xb8;
	[tilespmem:$0x1E400] =	vst v63  }
0x4d: {  	_ =	swait.ge [sflag:s21], $0x4000  }
0x4e: {  	[sflag:s21] =	ssyncset.done $0x0  }
0x4f: {  	[sflag:s21] =	ssyncadd.s32 $0xFFFFC000  }
0x50: {  	_ =	swait.ge [sflag:s22], $0x4000  }
0x51: {  	[sflag:s22] =	ssyncset.done $0x0  }
0x52: {  	s26 =	simm.s32 $0x0;
	[sflag:s22] =	ssyncadd.s32 $0xFFFFC000  }
0x53: {  	[tilespmem:s26], [sflag:$0x5] =	stream.linear.gather [hbm4b:s9+s26], $0x1400, $0x38;
	[tilespmem:$0x1E400] =	vst v63  }
0x54: {  	_ =	swait.ge [sflag:s14], $0x1400  }
0x55: {  	[sflag:s14] =	ssyncset.done $0x0  }
0x56: {  	[sflag:s14] =	ssyncadd.s32 $0xFFFFEC00  }
0x57: {  	[tilespmem:s15], [sflag:$0x5] =	stream.linear.gather [hbm4b:s10+s26], $0x1400, $0x38;
	[tilespmem:$0x1E400] =	vst v63  }
0x58: {  	_ =	swait.ge [sflag:s14], $0x1400  }
0x59: {  	[sflag:s14] =	ssyncset.done $0x0  }
0x5a: {  	[sflag:s14] =	ssyncadd.s32 $0xFFFFEC00  }
0x5b: {  	[tilespmem:s17], [sflag:$0x1] =	stream.indirect.gather [hbm4b:s4+s16], $0x80, s26, s16, $0xb8;
	[tilespmem:$0x1E400] =	vst v63  }
0x5c: {  	_ = 	snop  }
0x5d: {  	[tilespmem:s18], [sflag:$0x2] =	stream.indirect.gather [hbm4b:s4+s16], $0x80, s16, s16, $0xb8;
	[tilespmem:$0x1E400] =	vst v63  }
0x5e: {  	_ =	swait.ge [sflag:s19], $0x4000  }
0x5f: {  	[sflag:s19] =	ssyncset.done $0x0  }
0x60: {  	s29 =	simm.s32 $0x1400;
	[sflag:s19] =	ssyncadd.s32 $0xFFFFC000  }
0x61: {  	[spmem:s2] =	stream.indirect.scatter.add.f32 [tilespmem:s17], [sflag:$0x3], $0x80, s29, s16, $0xb8;
	[tilespmem:$0x1E400] =	vst v63  }
0x62: {  	_ =	swait.ge [sflag:s20], $0x4000  }
0x63: {  	[sflag:s20] =	ssyncset.done $0x0  }
0x64: {  	s30 =	simm.s32 $0x1480;
	[sflag:s20] =	ssyncadd.s32 $0xFFFFC000  }
0x65: {  	[spmem:s2] =	stream.indirect.scatter.add.f32 [tilespmem:s18], [sflag:$0x4], $0x80, s30, s16, $0xb8;
	[tilespmem:$0x1E400] =	vst v63  }
0x66: {  	_ =	swait.ge [sflag:s21], $0x4000  }
0x67: {  	[sflag:s21] =	ssyncset.done $0x0  }
0x68: {  	s31 =	simm.s32 $0x100;
	[sflag:s21] =	ssyncadd.s32 $0xFFFFC000  }
0x69: {  	[tilespmem:s17], [sflag:$0x1] =	stream.indirect.gather [hbm4b:s4+s16], $0x80, s31, s16, $0xb8;
	[tilespmem:$0x1E400] =	vst v63  }
0x6a: {  	_ =	swait.ge [sflag:s22], $0x4000  }
0x6b: {  	[sflag:s22] =	ssyncset.done $0x0  }
0x6c: {  	s28 =	simm.s32 $0x180;
	s26 =	simm.s32 $0x400;
	[sflag:s22] =	ssyncadd.s32 $0xFFFFC000  }
.LBB2_4:
0x6d: {  	[tilespmem:s18], [sflag:$0x2] =	stream.indirect.gather [hbm4b:s4+s16], $0x80, s28, s16, $0xb8;
	[tilespmem:$0x1E400] =	vst v63  }
0x6e: {  	s28 =	smov.u32 s26  }
0x6f: {  	p0 =	sne.s32 s26, $0x4800;
	s26 =	sadd.s32 $0x400, s26;
	_ =	swait.ge [sflag:s19], $0x4000  }
0x70: {  	s28 =	sshra.s32 s28, $0x2;
	[sflag:s19] =	ssyncset.done $0x0  }
0x71: {  	s29 =	sadd.s32 $0x1400, s28;
	[sflag:s19] =	ssyncadd.s32 $0xFFFFC000  }
0x72: {  	[spmem:s2] =	stream.indirect.scatter.add.f32 [tilespmem:s17], [sflag:$0x3], $0x80, s29, s16, $0xb8;
	[tilespmem:$0x1E400] =	vst v63  }
0x73: {  	_ =	swait.ge [sflag:s20], $0x4000  }
0x74: {  	[sflag:s20] =	ssyncset.done $0x0  }
0x75: {  	s29 =	sadd.s32 $0x1480, s28;
	[sflag:s20] =	ssyncadd.s32 $0xFFFFC000  }
0x76: {  	[spmem:s2] =	stream.indirect.scatter.add.f32 [tilespmem:s18], [sflag:$0x4], $0x80, s29, s16, $0xb8;
	[tilespmem:$0x1E400] =	vst v63  }
0x77: {  	_ =	swait.ge [sflag:s21], $0x4000  }
0x78: {  	[sflag:s21] =	ssyncset.done $0x0  }
.Ltmp1:
0x79: {  	s29 =	sadd.s32 $0x100, s28;
	[sflag:s21] =	ssyncadd.s32 $0xFFFFC000;
	(pc) =	sbr.rel @p0 .LBB2_4-.Ltmp1, $4  }
0x7a: {  	[tilespmem:s17], [sflag:$0x1] =	stream.indirect.gather [hbm4b:s4+s16], $0x80, s29, s16, $0xb8;
	[tilespmem:$0x1E400] =	vst v63  }
0x7b: {  	_ =	swait.ge [sflag:s22], $0x4000  }
0x7c: {  	[sflag:s22] =	ssyncset.done $0x0  }
0x7d: {  	s28 =	sadd.s32 $0x180, s28;
	[sflag:s22] =	ssyncadd.s32 $0xFFFFC000  }
0x7e: {  	[tilespmem:s18], [sflag:$0x2] =	stream.indirect.gather [hbm4b:s4+s16], $0x80, s28, s16, $0xb8;
	[tilespmem:$0x1E400] =	vst v63  }
0x7f: {  	_ =	swait.ge [sflag:s19], $0x4000  }
0x80: {  	[sflag:s19] =	ssyncset.done $0x0  }
0x81: {  	[sflag:s19] =	ssyncadd.s32 $0xFFFFC000  }
0x82: {  	[spmem:s2] =	stream.indirect.scatter.add.f32 [tilespmem:s17], [sflag:$0x3], $0x80, s23, s16, $0xb8;
	[tilespmem:$0x1E400] =	vst v63  }
0x83: {  	_ =	swait.ge [sflag:s20], $0x4000  }
0x84: {  	[sflag:s20] =	ssyncset.done $0x0  }
0x85: {  	[sflag:s20] =	ssyncadd.s32 $0xFFFFC000  }
0x86: {  	[spmem:s2] =	stream.indirect.scatter.add.f32 [tilespmem:s18], [sflag:$0x4], $0x80, s24, s16, $0xb8;
	[tilespmem:$0x1E400] =	vst v63  }
0x87: {  	_ =	swait.ge [sflag:s21], $0x4000  }
0x88: {  	[sflag:s21] =	ssyncset.done $0x0  }
0x89: {  	[sflag:s21] =	ssyncadd.s32 $0xFFFFC000  }
0x8a: {  	_ =	swait.ge [sflag:s22], $0x4000  }
0x8b: {  	s25 =	sadd.s32 $0x1, s25;
	[sflag:s22] =	ssyncset.done $0x0  }
0x8c: {  	p0 =	sne.s32 s25, s12;
	[sflag:s22] =	ssyncadd.s32 $0xFFFFC000  }
.Ltmp2:
0x8d: {  	[bflag:$0x0] =	sbarrier.arrive $0xFFFF;
	(pc) =	sbr.rel @p0 .LBB2_1-.Ltmp2, $4  }
0x8e: {  	[hbm:s11], [sflag:s6] =	dma.local [spmem:s13], $0x2780  }
0x8f: {  	_ =	swait.ge [sflag:s14], $0x2780  }
0x90: {  	[sflag:s14] =	ssyncset.done $0x0  }
0x91: {  	[sflag:s14] =	ssyncadd.s32 $0xFFFFD880  }
0x92: {  	_ =	sfence.sel $0x180000  }
0x93: {  	[bflag:$0x0] =	sbarrier.arrive $0xFFFF  }
0x94: {  	p0 =	sne.s32 s1, $0x0;
	_ =	strace $0x9000004A  }
0x95: {  	s0 =	sadd.s32 @!p0 $0x100000, s0;
	[bflag:$0x2] =	sbarrier.arrive $0xFFFF  }
0x96: {  	[sflag:s0] =	ssyncadd.tile.s32 @!p0 $0x1;
	_ =	shalt  }
.Lfunc_end2:
_tile_overlayer_lowered:
.L_overlay_start_2:
0x97: {  	(tag) =	ssettag $0x2  }
0x98: {  	s0 =	rddreg [dreg:$0x0];
	s2 =	stileid.u32  }
0x99: {  	s1 =	rddreg [dreg:$0x1];
	p0 =	sne.s32 s2, $0x0  }
0x9a: {  	s3 =	rddreg [dreg:$0x2];
	[bflag:$0x3] =	sbarrier.arrive $0xFFFF;
	s2 =	simm.s32 @!p0 $0x1C05  }
0x9b: {  	[timem:s3], [sflag:s2] =	dma.local @!p0 [hbm:s0], s1  }
0x9c: {  	s0 =	simm.s32 @!p0 $0x5  }
0x9d: {  	_ =	swait.ge @!p0 [sflag:s0], s1  }
0x9e: {  	s1 =	ssub.s32 @!p0 $0x0, s1;
	[sflag:s0] =	ssyncset.done @!p0 $0x0  }
0x9f: {  	[sflag:s0] =	ssyncadd.s32 @!p0 s1  }
0xa0: {  	[bflag:$0x3] =	sbarrier.arrive $0xFFFF  }
0xa1: {  	_ =	shalt  }

// kernel: kernel.14.cloned.1.call-start
scs
__scs_entry_jumppad:
0x0: {  	(pc) =	sbr.rel $0x88, $3  }
0x1: {  	(tag) =	ssettag $0x0;
	lr =	simm.s32 $0x1  }
0x2: {  	[smem:$0x3F96] =	sst lr;
	_ =	strace $0xD0000000  }
0x3: {  	_ = 	snop  }
0x4: {  	_ = 	snop  }
0x5: {  	_ = 	snop  }
0x6: {  	_ = 	snop  }
0x7: {  	_ = 	snop  }
__scs_overlays_trampoline_lowered:
0x8: {  	[smem:$0x3FA5] =	sst s0  }
0x9: {  	[smem:$0x3FA6] =	sst s1  }
0xa: {  	[smem:$0x3FA7] =	sst s2  }
0xb: {  	[smem:$0x3FA8] =	sst s3  }
0xc: {  	[smem:$0x3FA9] =	sst s4  }
0xd: {  	[smem:$0x3FAA] =	sst s5  }
0xe: {  	[smem:$0x3FAB] =	sst s6  }
0xf: {  	[smem:$0x3FAC] =	sst s7  }
0x10: {  	[smem:$0x3FAD] =	sst s8  }
0x11: {  	[smem:$0x3FAE] =	sst s9;
	s0 =	simm.s32 @!p0 $0x0  }
0x12: {  	s1 =	sld [smem:$0x3F94];
	s0 =	simm.s32 @p0 $0x1  }
0x13: {  	[smem:$0x3FAF] =	sst s0;
	s0 =	simm.s32 @!p1 $0x0  }
0x14: {  	s2 =	sld [smem:$0x3F93];
	s0 =	simm.s32 @p1 $0x1  }
0x15: {  	[smem:$0x3FB0] =	sst s0;
	s0 =	simm.s32 @!p2 $0x0  }
0x16: {  	s3 =	sld [smem:$0x3FDB];
	s0 =	simm.s32 @p2 $0x1  }
0x17: {  	s4 =	simm.s32 $0x1BF5;
	[smem:$0x3FB2] =	sst s0  }
0x18: {  	s0 =	sld [smem:$0x3F95];
	_ =	swait.ge [sflag:s4], $0x0  }
0x19: {  	s7 =	sld [smem:$0x3F96]  }
0x1a: {  	s8 =	sadd.s32 $0xFFFFE003, lr  }
0x1b: {  	s9 =	sadd.s32 $0xFFFFFEF7, lr;
	s5 =	simm.s32 $0xFFFFFFFF;
	p2 =	slt.u32 s8, $0xFFFFF086  }
0x1c: {  	p1 =	slt.u32 s9, $0xF7A;
	s5 =	simm.s32 @!p2 $0x0  }
0x1d: {  	s5 =	simm.s32 @p1 $0x1;
	p0 =	seq.s32 s7, s2  }
0x1e: {  	s7 =	smul.u32 @!p0 $0xF7A, s2;
	p2 =	seq.s32 @!p0 s5, $0x0  }
0x1f: {  	s9 =	smul.u32 $0xF7A, s1;
	s8 =	simm.s32 @!p0 $0x1BF5;
	p2 =	por !p2, p0  }
0x20: {  	[sflag:s8] =	ssyncset.s32 @!p0 $0xFFFFF086;
	s6 =	sadd.s32 @!p0 s3, s7;
	s7 =	simm.s32 @!p0 $0x108  }
0x21: {  	s3 =	sadd.s32 s3, s9;
	s6 =	sadd.s32 @!p0 $0x88, s6;
	s7 =	simm.s32 @p2 $0x1082  }
0x22: {  	[simem:s7], [sflag:s8] =	dma.local @!p0 [hbm:s6], $0xF7A  }
0x23: {  	s9 =	sor.u32 $0xD0000000, s2;
	s6 =	simm.s32 $0x108;
	_ =	swait.ge @!p0 [sflag:s8], $0x0  }
0x24: {  	s3 =	sadd.s32 $0x88, s3;
	s6 =	simm.s32 @!p1 $0x1082;
	[sflag:s4] =	ssyncset.s32 $0xFFFFF086  }
0x25: {  	[simem:s6], [sflag:s4] =	dma.local [hbm:s3], $0xF7A  }
0x26: {  	[smem:$0x3F96] =	sst s1;
	(tag) =	ssettag s2;
	_ =	strace s9  }
0x27: {  	s1 =	sld [smem:$0x3FA6]  }
0x28: {  	s2 =	sld [smem:$0x3FA7]  }
0x29: {  	s4 =	sld [smem:$0x3FA9]  }
0x2a: {  	p0 =	seq.s32 s5, $0x0;
	s5 =	sld [smem:$0x3FAA]  }
0x2b: {  	s6 =	sld [smem:$0x3FAB]  }
0x2c: {  	s7 =	sld [smem:$0x3FAC]  }
0x2d: {  	s3 =	simm.s32 $0x108;
	s8 =	sld [smem:$0x3FAD]  }
0x2e: {  	s3 =	simm.s32 @!p0 $0x1082;
	s9 =	sld [smem:$0x3FAE]  }
0x2f: {  	lr =	sadd.s32 s0, s3;
	s0 =	sld [smem:$0x3FA5]  }
0x30: {  	s3 =	sld [smem:$0x3FA8]  }
0x31: {  	[smem:$0x3FB1] =	sst s10  }
0x32: {  	s10 =	sld [smem:$0x3FAF];
	_ =	sdelay $0x3  }
0x33: {  	p0 =	seq.s32 s10, $0x1;
	s10 =	sld [smem:$0x3FB1];
	_ =	sdelay $0x3  }
0x34: {  	[smem:$0x3FB1] =	sst s10  }
0x35: {  	s10 =	sld [smem:$0x3FB0];
	_ =	sdelay $0x3  }
0x36: {  	p1 =	seq.s32 s10, $0x1;
	s10 =	sld [smem:$0x3FB1];
	_ =	sdelay $0x3  }
0x37: {  	[smem:$0x3FB1] =	sst s10  }
0x38: {  	s10 =	sld [smem:$0x3FB2]  }
0x39: {  	_ = 	snop;
	(pc) =	sbr.ind lr, $3  }
0x3a: {  	_ = 	snop  }
0x3b: {  	_ = 	snop  }
0x3c: {  	p2 =	seq.s32 s10, $0x1;
	s10 =	sld [smem:$0x3FB1]  }
0x3d: {  	_ =	shalt  }
0x3e: {  	_ =	shalt  }
0x3f: {  	_ =	shalt  }
0x40: {  	_ =	shalt  }
0x41: {  	_ =	shalt  }
0x42: {  	_ =	shalt  }
0x43: {  	_ =	shalt  }
0x44: {  	_ =	shalt  }
0x45: {  	_ =	shalt  }
0x46: {  	_ =	shalt  }
0x47: {  	_ =	shalt  }
0x48: {  	_ =	shalt  }
0x49: {  	_ =	shalt  }
0x4a: {  	_ =	shalt  }
0x4b: {  	_ =	shalt  }
0x4c: {  	_ =	shalt  }
0x4d: {  	_ =	shalt  }
0x4e: {  	_ =	shalt  }
0x4f: {  	_ =	shalt  }
0x50: {  	_ =	shalt  }
0x51: {  	_ =	shalt  }
0x52: {  	_ =	shalt  }
0x53: {  	_ =	shalt  }
0x54: {  	_ =	shalt  }
0x55: {  	_ =	shalt  }
0x56: {  	_ =	shalt  }
0x57: {  	_ =	shalt  }
0x58: {  	_ =	shalt  }
0x59: {  	_ =	shalt  }
0x5a: {  	_ =	shalt  }
0x5b: {  	_ =	shalt  }
0x5c: {  	_ =	shalt  }
0x5d: {  	_ =	shalt  }
0x5e: {  	_ =	shalt  }
0x5f: {  	_ =	shalt  }
0x60: {  	_ =	shalt  }
0x61: {  	_ =	shalt  }
0x62: {  	_ =	shalt  }
0x63: {  	_ =	shalt  }
0x64: {  	_ =	shalt  }
0x65: {  	_ =	shalt  }
0x66: {  	_ =	shalt  }
0x67: {  	_ =	shalt  }
0x68: {  	_ =	shalt  }
0x69: {  	_ =	shalt  }
0x6a: {  	_ =	shalt  }
0x6b: {  	_ =	shalt  }
0x6c: {  	_ =	shalt  }
0x6d: {  	_ =	shalt  }
0x6e: {  	_ =	shalt  }
0x6f: {  	_ =	shalt  }
0x70: {  	_ =	shalt  }
0x71: {  	_ =	shalt  }
0x72: {  	_ =	shalt  }
0x73: {  	_ =	shalt  }
0x74: {  	_ =	shalt  }
0x75: {  	_ =	shalt  }
0x76: {  	_ =	shalt  }
0x77: {  	_ =	shalt  }
0x78: {  	_ =	shalt  }
0x79: {  	_ =	shalt  }
0x7a: {  	_ =	shalt  }
0x7b: {  	_ =	shalt  }
0x7c: {  	_ =	shalt  }
0x7d: {  	_ =	shalt  }
0x7e: {  	_ =	shalt  }
0x7f: {  	_ =	shalt  }
0x80: {  	_ =	shalt  }
0x81: {  	_ =	shalt  }
0x82: {  	_ =	shalt  }
0x83: {  	_ =	shalt  }
0x84: {  	_ =	shalt  }
0x85: {  	_ =	shalt  }
0x86: {  	_ =	shalt  }
0x87: {  	_ =	shalt  }
.Lfunc_end0:
.L_simem_size_0:
called_computation.2_lowered:
.L_overlay_start_0:
0x88: {  	s2 =	sld [smem:$0x3FD9]  }
0x89: {  	s3 =	sld [smem:$0x3FFE];
	_ =	sdelay $0x1  }
0x8a: {  	s1 =	srdreg.scid  }
0x8b: {  	s0 =	sand.u32 $0x1, s1  }
0x8c: {  	s16 =	sshll.u32 s0, $0xA;
	s2 =	sadd.s32 s3, s2  }
0x8d: {  	s2 =	sadd.s32 s2, s16  }
0x8e: {  	[smem:$0x3FBD] =	sst s2  }
0x8f: {  	_ = 	snop  }
0x90: {  	(tm) =	ssettm $0x1  }
0x91: {  	s17 =	sld [smem:$0x3FFB];
	_ =	sdelay $0x3  }
0x92: {  	_ =	strace s17  }
0x93: {  	s2 =	sld [smem:$0x3FFC];
	_ =	sdelay $0x3  }
0x94: {  	_ =	strace s2  }
0x95: {  	s2 =	sld [smem:$0x3FFD];
	_ =	sdelay $0x3  }
0x96: {  	_ =	strace s2  }
0x97: {  	_ =	strace $0x8FFFFFFF  }
0x98: {  	s18 =	sld [smem:$0x3FDB];
	_ =	sdelay $0x1  }
0x99: {  	s19 =	simm.s32 $_scs_section_size  }
0x9a: {  	s4 =	simm.s32 $_size__tile_overlayer_lowered;
	s5 =	simm.s32 $_tile_overlayer_lowered  }
0x9b: {  	s22 =	simm.s32 $0x1BFF;
	s21 =	sshll.u32 s5, $0x1;
	s2 =	sadd.s32 s19, s18  }
0x9c: {  	s6 =	simm.s32 $0x0;
	s20 =	sshll.u32 s4, $0x1;
	s4 =	sadd.s32 s21, s2  }
0x9d: {  	[timem:s6], [sflag:s22] =	dma.local [hbm:s4], s20  }
0x9e: {  	_ =	swait.ge [sflag:s22], s20  }
0x9f: {  	s3 =	ssub.s32 $0x0, s20;
	[sflag:s22] =	ssyncset.done $0x0  }
0xa0: {  	[sflag:s22] =	ssyncadd.s32 s3;
	_ =	sdelay $0x1  }
0xa1: {  	s23 =	simm.s32 $0x1B8B  }
0xa2: {  	_ =	swait.ge [sflag:s23], $0x1  }
0xa3: {  	[sflag:s23] =	ssyncset.done $0x0  }
0xa4: {  	s25 =	simm.s32 $0x1B8E;
	s24 =	sld [smem:$0x3FFE];
	[sflag:s23] =	ssyncadd.s32 $0xFFFFFFFF  }
0xa5: {  	s26 =	simm.s32 $execute0_lowered;
	[smem:$0x3FD2] =	sst s25  }
0xa6: {  	s4 =	sshll.u32 s26, $0x1;
	_ =	strace $0x8000004C;
	[dreg:$0x1] =	wrdreg $0xFFFFFFFF  }
0xa7: {  	s28 =	simm.s32 $_size_execute0_lowered;
	s2 =	sadd.s32 s2, s4;
	[dreg:$0x0] =	wrdreg $0x0  }
0xa8: {  	s4 =	sshll.u32 s28, $0x1;
	[dreg:$0x2] =	wrdreg s2  }
0xa9: {  	[dreg:$0x3] =	wrdreg s4  }
0xaa: {  	[dreg:$0x4] =	wrdreg $0xC0  }
0xab: {  	_ =	task [dreg:s6], $0x5FFFF  }
0xac: {  	[dreg:$0x1] =	wrdreg $0xFFFFFFFF  }
0xad: {  	[dreg:$0x0] =	wrdreg $0x60  }
0xae: {  	[dreg:$0x2] =	wrdreg s24  }
0xaf: {  	[dreg:$0x3] =	wrdreg $0xA8000  }
0xb0: {  	[dreg:$0x4] =	wrdreg $0x9  }
0xb1: {  	_ =	task.clear_ibuf [dreg:s6], $0x5FFFF;
	_ =	strace $0x9000004C  }
0xb2: {  	s29 =	simm.s32 $0x9;
	_ =	strace $0x8000004E  }
0xb3: {  	_ =	swait.ge [sflag:s29], $0x1  }
0xb4: {  	[sflag:s29] =	ssyncadd.s32 $0xFFFFFFFF  }
0xb5: {  	_ =	strace $0x9000004E  }
0xb6: {  	_ =	sfence  }
0xb7: {  	s30 =	sld [smem:$0x0];
	_ =	sdelay $0x2  }
0xb8: {  	s31 =	sshll.u32 s1, $0xD;
	s1 =	sshrl.u32 s1, $0x2  }
0xb9: {  	s3 =	sand.u32 $0x4000, s31;
	s1 =	sadd.s32 s1, s30  }
0xba: {  	s0 =	sor.u32 s3, s0;
	s1 =	sshll.u32 s1, $0x11  }
0xbb: {  	s0 =	sor.u32 s1, s0  }
0xbc: {  	s0 =	sadd.s32 $0x8F2B, s0  }
0xbd: {  	[sflag:s0] =	ssyncadd.remote.s32 $0x1  }
0xbe: {  	_ =	sfence.sel $0xFFFF  }
0xbf: {  	[dreg:$0x0] =	wrdreg $0xFFFFFFFF;
	(pc) =	sbr.abs _section_cstart, $3  }
0xc0: {  	[dreg:$0x1] =	wrdreg $0xFFFFFFFF  }
0xc1: {  	_ =	task.clear_ibuf [dreg:s6], $0x2FFFF;
	_ =	strace $0x9FFFFFFF  }
0xc2: {  	(tm) =	ssettm $0x7FFFFFFF  }
0xc3: {  	_ =	shalt  }
tec
execute0_lowered:
.L_overlay_start_1:
0x0: {  	(tag) =	ssettag $0x1  }
0x1: {  	s6 =	rddreg [dreg:$0x0]  }
0x2: {  	s2 =	rddreg [dreg:$0x1]  }
0x3: {  	s0 =	rddreg [dreg:$0x2]  }
0x4: {  	s3 =	simm.s32 $0x0;
	s4 =	srdreg.scid;
	s1 =	stileid.u32  }
0x5: {  	s16 =	simm.s32 $0x80;
	s17 =	simm.s32 $0x2800;
	s18 =	simm.s32 $0x6800  }
0x6: {  	s19 =	simm.s32 $0x1;
	s20 =	simm.s32 $0x2;
	s21 =	simm.s32 $0x3  }
0x7: {  	s22 =	simm.s32 $0x4;
	s23 =	simm.s32 $0x2700;
	s24 =	simm.s32 $0x2780  }
0x8: {  	[smem:$0x7FF] =	sst s3;
	s7 =	sand.u32 $0x1, s4;
	s8 =	smul.u32 $0x2780, s1  }
0x9: {  	s4 =	sadd.s32 $0x68400, s6;
	s10 =	sadd.s32 $0xE400, s6;
	s11 =	sadd.s32 $0x3400, s6  }
0xa: {  	s5 =	sadd.s32 $0x8F600, s6;
	s12 =	sshll.u32 s1, $0x1;
	s13 =	smul.u32 $0x4F000, s1  }
0xb: {  	s9 =	smul.u32 $0x27800, s7;
	s25 =	sshll.u32 s7, $0x5;
	s7 =	ssub.s32 $0x2, s7  }
0xc: {  	s31 =	sshll.u32 s1, $0x6;
	_ =	strace $0x8000004D;
	s28 =	sshrl.u32 s7, $0x1  }
0xd: {  	s30 =	sshrl.u32 s13, $0x2;
	s8 =	sadd.s32 s8, s9;
	s9 =	sor.u32 s12, s25  }
0xe: {  	s14 =	ssub.s32 s7, s28;
	s13 =	sadd.s32 s30, s2;
	s29 =	smul.u32 $0x1400, s9  }
0xf: {  	s25 =	simm.s32 $0x0;
	s26 =	sadd.s32 s8, s6;
	s9 =	smul.u32 $0x280, s9  }
0x10: {  	s6 =	sor.u32 $0x1C05, s31;
	s12 =	smax.u32 s14, $0x1;
	s8 =	sshrl.u32 s29, $0x3  }
0x11: {  	s13 =	sshrl.u32 s13, $0x3;
	s14 =	simm.s32 $0x5;
	s15 =	sadd.s32 $0x280, s8  }
0x12: {  	s7 =	sadd.s32 s10, s9;
	s8 =	sadd.s32 s11, s9;
	s9 =	sadd.s32 s10, s15  }
0x13: {  	s10 =	sadd.s32 s11, s15;
	s11 =	sadd.s32 $0x91E00, s26;
	s15 =	simm.s32 $0x1400  }
.LBB2_1:
0x14: {  	[spmem:s13], [sflag:s6] =	dma.local [hbm:s5], $0x2780  }
0x15: {  	_ =	swait.ge [sflag:s14], $0x2780  }
0x16: {  	[sflag:s14] =	ssyncset.done $0x0  }
0x17: {  	[sflag:s14] =	ssyncadd.s32 $0xFFFFD880  }
0x18: {  	[bflag:$0x0] =	sbarrier.arrive $0xFFFF  }
0x19: {  	[tilespmem:s3], [sflag:$0x5] =	stream.linear.gather [hbm4b:s7+s3], $0x1400, $0x38;
	[tilespmem:$0x1E400] =	vst v63  }
0x1a: {  	_ =	swait.ge [sflag:s14], $0x1400  }
0x1b: {  	[sflag:s14] =	ssyncset.done $0x0  }
0x1c: {  	[sflag:s14] =	ssyncadd.s32 $0xFFFFEC00  }
0x1d: {  	[tilespmem:s15], [sflag:$0x5] =	stream.linear.gather [hbm4b:s8+s3], $0x1400, $0x38;
	[tilespmem:$0x1E400] =	vst v63  }
0x1e: {  	_ =	swait.ge [sflag:s14], $0x1400  }
0x1f: {  	[sflag:s14] =	ssyncset.done $0x0  }
0x20: {  	[sflag:s14] =	ssyncadd.s32 $0xFFFFEC00  }
0x21: {  	[tilespmem:s17], [sflag:$0x1] =	stream.indirect.gather [hbm4b:s4+s16], $0x80, s3, s16, $0xb8;
	[tilespmem:$0x1E400] =	vst v63  }
0x22: {  	_ = 	snop  }
0x23: {  	[tilespmem:s18], [sflag:$0x2] =	stream.indirect.gather [hbm4b:s4+s16], $0x80, s16, s16, $0xb8;
	[tilespmem:$0x1E400] =	vst v63  }
0x24: {  	_ =	swait.ge [sflag:s19], $0x4000  }
0x25: {  	[sflag:s19] =	ssyncset.done $0x0  }
0x26: {  	s26 =	simm.s32 $0x1400;
	[sflag:s19] =	ssyncadd.s32 $0xFFFFC000  }
0x27: {  	[spmem:s2] =	stream.indirect.scatter.add.f32 [tilespmem:s17], [sflag:$0x3], $0x80, s26, s16, $0xb8;
	[tilespmem:$0x1E400] =	vst v63  }
0x28: {  	_ =	swait.ge [sflag:s20], $0x4000  }
0x29: {  	[sflag:s20] =	ssyncset.done $0x0  }
0x2a: {  	s30 =	simm.s32 $0x1480;
	[sflag:s20] =	ssyncadd.s32 $0xFFFFC000  }
0x2b: {  	[spmem:s2] =	stream.indirect.scatter.add.f32 [tilespmem:s18], [sflag:$0x4], $0x80, s30, s16, $0xb8;
	[tilespmem:$0x1E400] =	vst v63  }
0x2c: {  	_ =	swait.ge [sflag:s21], $0x4000  }
0x2d: {  	[sflag:s21] =	ssyncset.done $0x0  }
0x2e: {  	s31 =	simm.s32 $0x100;
	[sflag:s21] =	ssyncadd.s32 $0xFFFFC000  }
0x2f: {  	[tilespmem:s17], [sflag:$0x1] =	stream.indirect.gather [hbm4b:s4+s16], $0x80, s31, s16, $0xb8;
	[tilespmem:$0x1E400] =	vst v63  }
0x30: {  	_ =	swait.ge [sflag:s22], $0x4000  }
0x31: {  	[sflag:s22] =	ssyncset.done $0x0  }
0x32: {  	s28 =	simm.s32 $0x180;
	s26 =	simm.s32 $0x400;
	[sflag:s22] =	ssyncadd.s32 $0xFFFFC000  }
.LBB2_2:
0x33: {  	[tilespmem:s18], [sflag:$0x2] =	stream.indirect.gather [hbm4b:s4+s16], $0x80, s28, s16, $0xb8;
	[tilespmem:$0x1E400] =	vst v63  }
0x34: {  	s28 =	smov.u32 s26  }
0x35: {  	p0 =	sne.s32 s26, $0x4800;
	s26 =	sadd.s32 $0x400, s26;
	_ =	swait.ge [sflag:s19], $0x4000  }
0x36: {  	s28 =	sshra.s32 s28, $0x2;
	[sflag:s19] =	ssyncset.done $0x0  }
0x37: {  	s29 =	sadd.s32 $0x1400, s28;
	[sflag:s19] =	ssyncadd.s32 $0xFFFFC000  }
0x38: {  	[spmem:s2] =	stream.indirect.scatter.add.f32 [tilespmem:s17], [sflag:$0x3], $0x80, s29, s16, $0xb8;
	[tilespmem:$0x1E400] =	vst v63  }
0x39: {  	_ =	swait.ge [sflag:s20], $0x4000  }
0x3a: {  	[sflag:s20] =	ssyncset.done $0x0  }
0x3b: {  	s29 =	sadd.s32 $0x1480, s28;
	[sflag:s20] =	ssyncadd.s32 $0xFFFFC000  }
0x3c: {  	[spmem:s2] =	stream.indirect.scatter.add.f32 [tilespmem:s18], [sflag:$0x4], $0x80, s29, s16, $0xb8;
	[tilespmem:$0x1E400] =	vst v63  }
0x3d: {  	_ =	swait.ge [sflag:s21], $0x4000  }
0x3e: {  	[sflag:s21] =	ssyncset.done $0x0  }
.Ltmp0:
0x3f: {  	s29 =	sadd.s32 $0x100, s28;
	[sflag:s21] =	ssyncadd.s32 $0xFFFFC000;
	(pc) =	sbr.rel @p0 .LBB2_2-.Ltmp0, $4  }
0x40: {  	[tilespmem:s17], [sflag:$0x1] =	stream.indirect.gather [hbm4b:s4+s16], $0x80, s29, s16, $0xb8;
	[tilespmem:$0x1E400] =	vst v63  }
0x41: {  	_ =	swait.ge [sflag:s22], $0x4000  }
0x42: {  	[sflag:s22] =	ssyncset.done $0x0  }
0x43: {  	s28 =	sadd.s32 $0x180, s28;
	[sflag:s22] =	ssyncadd.s32 $0xFFFFC000  }
0x44: {  	[tilespmem:s18], [sflag:$0x2] =	stream.indirect.gather [hbm4b:s4+s16], $0x80, s28, s16, $0xb8;
	[tilespmem:$0x1E400] =	vst v63  }
0x45: {  	_ =	swait.ge [sflag:s19], $0x4000  }
0x46: {  	[sflag:s19] =	ssyncset.done $0x0  }
0x47: {  	[sflag:s19] =	ssyncadd.s32 $0xFFFFC000  }
0x48: {  	[spmem:s2] =	stream.indirect.scatter.add.f32 [tilespmem:s17], [sflag:$0x3], $0x80, s23, s16, $0xb8;
	[tilespmem:$0x1E400] =	vst v63  }
0x49: {  	_ =	swait.ge [sflag:s20], $0x4000  }
0x4a: {  	[sflag:s20] =	ssyncset.done $0x0  }
0x4b: {  	[sflag:s20] =	ssyncadd.s32 $0xFFFFC000  }
0x4c: {  	[spmem:s2] =	stream.indirect.scatter.add.f32 [tilespmem:s18], [sflag:$0x4], $0x80, s24, s16, $0xb8;
	[tilespmem:$0x1E400] =	vst v63  }
0x4d: {  	_ =	swait.ge [sflag:s21], $0x4000  }
0x4e: {  	[sflag:s21] =	ssyncset.done $0x0  }
0x4f: {  	[sflag:s21] =	ssyncadd.s32 $0xFFFFC000  }
0x50: {  	_ =	swait.ge [sflag:s22], $0x4000  }
0x51: {  	[sflag:s22] =	ssyncset.done $0x0  }
0x52: {  	s26 =	simm.s32 $0x0;
	[sflag:s22] =	ssyncadd.s32 $0xFFFFC000  }
0x53: {  	[tilespmem:s26], [sflag:$0x5] =	stream.linear.gather [hbm4b:s9+s26], $0x1400, $0x38;
	[tilespmem:$0x1E400] =	vst v63  }
0x54: {  	_ =	swait.ge [sflag:s14], $0x1400  }
0x55: {  	[sflag:s14] =	ssyncset.done $0x0  }
0x56: {  	[sflag:s14] =	ssyncadd.s32 $0xFFFFEC00  }
0x57: {  	[tilespmem:s15], [sflag:$0x5] =	stream.linear.gather [hbm4b:s10+s26], $0x1400, $0x38;
	[tilespmem:$0x1E400] =	vst v63  }
0x58: {  	_ =	swait.ge [sflag:s14], $0x1400  }
0x59: {  	[sflag:s14] =	ssyncset.done $0x0  }
0x5a: {  	[sflag:s14] =	ssyncadd.s32 $0xFFFFEC00  }
0x5b: {  	[tilespmem:s17], [sflag:$0x1] =	stream.indirect.gather [hbm4b:s4+s16], $0x80, s26, s16, $0xb8;
	[tilespmem:$0x1E400] =	vst v63  }
0x5c: {  	_ = 	snop  }
0x5d: {  	[tilespmem:s18], [sflag:$0x2] =	stream.indirect.gather [hbm4b:s4+s16], $0x80, s16, s16, $0xb8;
	[tilespmem:$0x1E400] =	vst v63  }
0x5e: {  	_ =	swait.ge [sflag:s19], $0x4000  }
0x5f: {  	[sflag:s19] =	ssyncset.done $0x0  }
0x60: {  	s29 =	simm.s32 $0x1400;
	[sflag:s19] =	ssyncadd.s32 $0xFFFFC000  }
0x61: {  	[spmem:s2] =	stream.indirect.scatter.add.f32 [tilespmem:s17], [sflag:$0x3], $0x80, s29, s16, $0xb8;
	[tilespmem:$0x1E400] =	vst v63  }
0x62: {  	_ =	swait.ge [sflag:s20], $0x4000  }
0x63: {  	[sflag:s20] =	ssyncset.done $0x0  }
0x64: {  	s30 =	simm.s32 $0x1480;
	[sflag:s20] =	ssyncadd.s32 $0xFFFFC000  }
0x65: {  	[spmem:s2] =	stream.indirect.scatter.add.f32 [tilespmem:s18], [sflag:$0x4], $0x80, s30, s16, $0xb8;
	[tilespmem:$0x1E400] =	vst v63  }
0x66: {  	_ =	swait.ge [sflag:s21], $0x4000  }
0x67: {  	[sflag:s21] =	ssyncset.done $0x0  }
0x68: {  	s31 =	simm.s32 $0x100;
	[sflag:s21] =	ssyncadd.s32 $0xFFFFC000  }
0x69: {  	[tilespmem:s17], [sflag:$0x1] =	stream.indirect.gather [hbm4b:s4+s16], $0x80, s31, s16, $0xb8;
	[tilespmem:$0x1E400] =	vst v63  }
0x6a: {  	_ =	swait.ge [sflag:s22], $0x4000  }
0x6b: {  	[sflag:s22] =	ssyncset.done $0x0  }
0x6c: {  	s28 =	simm.s32 $0x180;
	s26 =	simm.s32 $0x400;
	[sflag:s22] =	ssyncadd.s32 $0xFFFFC000  }
.LBB2_4:
0x6d: {  	[tilespmem:s18], [sflag:$0x2] =	stream.indirect.gather [hbm4b:s4+s16], $0x80, s28, s16, $0xb8;
	[tilespmem:$0x1E400] =	vst v63  }
0x6e: {  	s28 =	smov.u32 s26  }
0x6f: {  	p0 =	sne.s32 s26, $0x4800;
	s26 =	sadd.s32 $0x400, s26;
	_ =	swait.ge [sflag:s19], $0x4000  }
0x70: {  	s28 =	sshra.s32 s28, $0x2;
	[sflag:s19] =	ssyncset.done $0x0  }
0x71: {  	s29 =	sadd.s32 $0x1400, s28;
	[sflag:s19] =	ssyncadd.s32 $0xFFFFC000  }
0x72: {  	[spmem:s2] =	stream.indirect.scatter.add.f32 [tilespmem:s17], [sflag:$0x3], $0x80, s29, s16, $0xb8;
	[tilespmem:$0x1E400] =	vst v63  }
0x73: {  	_ =	swait.ge [sflag:s20], $0x4000  }
0x74: {  	[sflag:s20] =	ssyncset.done $0x0  }
0x75: {  	s29 =	sadd.s32 $0x1480, s28;
	[sflag:s20] =	ssyncadd.s32 $0xFFFFC000  }
0x76: {  	[spmem:s2] =	stream.indirect.scatter.add.f32 [tilespmem:s18], [sflag:$0x4], $0x80, s29, s16, $0xb8;
	[tilespmem:$0x1E400] =	vst v63  }
0x77: {  	_ =	swait.ge [sflag:s21], $0x4000  }
0x78: {  	[sflag:s21] =	ssyncset.done $0x0  }
.Ltmp1:
0x79: {  	s29 =	sadd.s32 $0x100, s28;
	[sflag:s21] =	ssyncadd.s32 $0xFFFFC000;
	(pc) =	sbr.rel @p0 .LBB2_4-.Ltmp1, $4  }
0x7a: {  	[tilespmem:s17], [sflag:$0x1] =	stream.indirect.gather [hbm4b:s4+s16], $0x80, s29, s16, $0xb8;
	[tilespmem:$0x1E400] =	vst v63  }
0x7b: {  	_ =	swait.ge [sflag:s22], $0x4000  }
0x7c: {  	[sflag:s22] =	ssyncset.done $0x0  }
0x7d: {  	s28 =	sadd.s32 $0x180, s28;
	[sflag:s22] =	ssyncadd.s32 $0xFFFFC000  }
0x7e: {  	[tilespmem:s18], [sflag:$0x2] =	stream.indirect.gather [hbm4b:s4+s16], $0x80, s28, s16, $0xb8;
	[tilespmem:$0x1E400] =	vst v63  }
0x7f: {  	_ =	swait.ge [sflag:s19], $0x4000  }
0x80: {  	[sflag:s19] =	ssyncset.done $0x0  }
0x81: {  	[sflag:s19] =	ssyncadd.s32 $0xFFFFC000  }
0x82: {  	[spmem:s2] =	stream.indirect.scatter.add.f32 [tilespmem:s17], [sflag:$0x3], $0x80, s23, s16, $0xb8;
	[tilespmem:$0x1E400] =	vst v63  }
0x83: {  	_ =	swait.ge [sflag:s20], $0x4000  }
0x84: {  	[sflag:s20] =	ssyncset.done $0x0  }
0x85: {  	[sflag:s20] =	ssyncadd.s32 $0xFFFFC000  }
0x86: {  	[spmem:s2] =	stream.indirect.scatter.add.f32 [tilespmem:s18], [sflag:$0x4], $0x80, s24, s16, $0xb8;
	[tilespmem:$0x1E400] =	vst v63  }
0x87: {  	_ =	swait.ge [sflag:s21], $0x4000  }
0x88: {  	[sflag:s21] =	ssyncset.done $0x0  }
0x89: {  	[sflag:s21] =	ssyncadd.s32 $0xFFFFC000  }
0x8a: {  	_ =	swait.ge [sflag:s22], $0x4000  }
0x8b: {  	s25 =	sadd.s32 $0x1, s25;
	[sflag:s22] =	ssyncset.done $0x0  }
0x8c: {  	p0 =	sne.s32 s25, s12;
	[sflag:s22] =	ssyncadd.s32 $0xFFFFC000  }
.Ltmp2:
0x8d: {  	[bflag:$0x0] =	sbarrier.arrive $0xFFFF;
	(pc) =	sbr.rel @p0 .LBB2_1-.Ltmp2, $4  }
0x8e: {  	[hbm:s11], [sflag:s6] =	dma.local [spmem:s13], $0x2780  }
0x8f: {  	_ =	swait.ge [sflag:s14], $0x2780  }
0x90: {  	[sflag:s14] =	ssyncset.done $0x0  }
0x91: {  	[sflag:s14] =	ssyncadd.s32 $0xFFFFD880  }
0x92: {  	_ =	sfence.sel $0x180000  }
0x93: {  	[bflag:$0x0] =	sbarrier.arrive $0xFFFF  }
0x94: {  	p0 =	sne.s32 s1, $0x0;
	_ =	strace $0x9000004D  }
0x95: {  	s0 =	sadd.s32 @!p0 $0x100000, s0;
	[bflag:$0x2] =	sbarrier.arrive $0xFFFF  }
0x96: {  	[sflag:s0] =	ssyncadd.tile.s32 @!p0 $0x1;
	_ =	shalt  }
.Lfunc_end2:
_tile_overlayer_lowered:
.L_overlay_start_2:
0x97: {  	(tag) =	ssettag $0x2  }
0x98: {  	s0 =	rddreg [dreg:$0x0];
	s2 =	stileid.u32  }
0x99: {  	s1 =	rddreg [dreg:$0x1];
	p0 =	sne.s32 s2, $0x0  }
0x9a: {  	s3 =	rddreg [dreg:$0x2];
	[bflag:$0x3] =	sbarrier.arrive $0xFFFF;
	s2 =	simm.s32 @!p0 $0x1C05  }
0x9b: {  	[timem:s3], [sflag:s2] =	dma.local @!p0 [hbm:s0], s1  }
0x9c: {  	s0 =	simm.s32 @!p0 $0x5  }
0x9d: {  	_ =	swait.ge @!p0 [sflag:s0], s1  }
0x9e: {  	s1 =	ssub.s32 @!p0 $0x0, s1;
	[sflag:s0] =	ssyncset.done @!p0 $0x0  }
0x9f: {  	[sflag:s0] =	ssyncadd.s32 @!p0 s1  }
0xa0: {  	[bflag:$0x3] =	sbarrier.arrive $0xFFFF  }
0xa1: {  	_ =	shalt  }

// kernel: kernel.8.cloned.1.call-start
scs
__scs_entry_jumppad:
0x0: {  	(pc) =	sbr.rel $0x88, $3  }
0x1: {  	(tag) =	ssettag $0x0;
	lr =	simm.s32 $0x1  }
0x2: {  	[smem:$0x3F96] =	sst lr;
	_ =	strace $0xD0000000  }
0x3: {  	_ = 	snop  }
0x4: {  	_ = 	snop  }
0x5: {  	_ = 	snop  }
0x6: {  	_ = 	snop  }
0x7: {  	_ = 	snop  }
__scs_overlays_trampoline_lowered:
0x8: {  	[smem:$0x3FA5] =	sst s0  }
0x9: {  	[smem:$0x3FA6] =	sst s1  }
0xa: {  	[smem:$0x3FA7] =	sst s2  }
0xb: {  	[smem:$0x3FA8] =	sst s3  }
0xc: {  	[smem:$0x3FA9] =	sst s4  }
0xd: {  	[smem:$0x3FAA] =	sst s5  }
0xe: {  	[smem:$0x3FAB] =	sst s6  }
0xf: {  	[smem:$0x3FAC] =	sst s7  }
0x10: {  	[smem:$0x3FAD] =	sst s8  }
0x11: {  	[smem:$0x3FAE] =	sst s9;
	s0 =	simm.s32 @!p0 $0x0  }
0x12: {  	s1 =	sld [smem:$0x3F94];
	s0 =	simm.s32 @p0 $0x1  }
0x13: {  	[smem:$0x3FAF] =	sst s0;
	s0 =	simm.s32 @!p1 $0x0  }
0x14: {  	s2 =	sld [smem:$0x3F93];
	s0 =	simm.s32 @p1 $0x1  }
0x15: {  	[smem:$0x3FB0] =	sst s0;
	s0 =	simm.s32 @!p2 $0x0  }
0x16: {  	s3 =	sld [smem:$0x3FDB];
	s0 =	simm.s32 @p2 $0x1  }
0x17: {  	s4 =	simm.s32 $0x1BF5;
	[smem:$0x3FB2] =	sst s0  }
0x18: {  	s0 =	sld [smem:$0x3F95];
	_ =	swait.ge [sflag:s4], $0x0  }
0x19: {  	s7 =	sld [smem:$0x3F96]  }
0x1a: {  	s8 =	sadd.s32 $0xFFFFE003, lr  }
0x1b: {  	s9 =	sadd.s32 $0xFFFFFEF7, lr;
	s5 =	simm.s32 $0xFFFFFFFF;
	p2 =	slt.u32 s8, $0xFFFFF086  }
0x1c: {  	p1 =	slt.u32 s9, $0xF7A;
	s5 =	simm.s32 @!p2 $0x0  }
0x1d: {  	s5 =	simm.s32 @p1 $0x1;
	p0 =	seq.s32 s7, s2  }
0x1e: {  	s7 =	smul.u32 @!p0 $0xF7A, s2;
	p2 =	seq.s32 @!p0 s5, $0x0  }
0x1f: {  	s9 =	smul.u32 $0xF7A, s1;
	s8 =	simm.s32 @!p0 $0x1BF5;
	p2 =	por !p2, p0  }
0x20: {  	[sflag:s8] =	ssyncset.s32 @!p0 $0xFFFFF086;
	s6 =	sadd.s32 @!p0 s3, s7;
	s7 =	simm.s32 @!p0 $0x108  }
0x21: {  	s3 =	sadd.s32 s3, s9;
	s6 =	sadd.s32 @!p0 $0x88, s6;
	s7 =	simm.s32 @p2 $0x1082  }
0x22: {  	[simem:s7], [sflag:s8] =	dma.local @!p0 [hbm:s6], $0xF7A  }
0x23: {  	s9 =	sor.u32 $0xD0000000, s2;
	s6 =	simm.s32 $0x108;
	_ =	swait.ge @!p0 [sflag:s8], $0x0  }
0x24: {  	s3 =	sadd.s32 $0x88, s3;
	s6 =	simm.s32 @!p1 $0x1082;
	[sflag:s4] =	ssyncset.s32 $0xFFFFF086  }
0x25: {  	[simem:s6], [sflag:s4] =	dma.local [hbm:s3], $0xF7A  }
0x26: {  	[smem:$0x3F96] =	sst s1;
	(tag) =	ssettag s2;
	_ =	strace s9  }
0x27: {  	s1 =	sld [smem:$0x3FA6]  }
0x28: {  	s2 =	sld [smem:$0x3FA7]  }
0x29: {  	s4 =	sld [smem:$0x3FA9]  }
0x2a: {  	p0 =	seq.s32 s5, $0x0;
	s5 =	sld [smem:$0x3FAA]  }
0x2b: {  	s6 =	sld [smem:$0x3FAB]  }
0x2c: {  	s7 =	sld [smem:$0x3FAC]  }
0x2d: {  	s3 =	simm.s32 $0x108;
	s8 =	sld [smem:$0x3FAD]  }
0x2e: {  	s3 =	simm.s32 @!p0 $0x1082;
	s9 =	sld [smem:$0x3FAE]  }
0x2f: {  	lr =	sadd.s32 s0, s3;
	s0 =	sld [smem:$0x3FA5]  }
0x30: {  	s3 =	sld [smem:$0x3FA8]  }
0x31: {  	[smem:$0x3FB1] =	sst s10  }
0x32: {  	s10 =	sld [smem:$0x3FAF];
	_ =	sdelay $0x3  }
0x33: {  	p0 =	seq.s32 s10, $0x1;
	s10 =	sld [smem:$0x3FB1];
	_ =	sdelay $0x3  }
0x34: {  	[smem:$0x3FB1] =	sst s10  }
0x35: {  	s10 =	sld [smem:$0x3FB0];
	_ =	sdelay $0x3  }
0x36: {  	p1 =	seq.s32 s10, $0x1;
	s10 =	sld [smem:$0x3FB1];
	_ =	sdelay $0x3  }
0x37: {  	[smem:$0x3FB1] =	sst s10  }
0x38: {  	s10 =	sld [smem:$0x3FB2]  }
0x39: {  	_ = 	snop;
	(pc) =	sbr.ind lr, $3  }
0x3a: {  	_ = 	snop  }
0x3b: {  	_ = 	snop  }
0x3c: {  	p2 =	seq.s32 s10, $0x1;
	s10 =	sld [smem:$0x3FB1]  }
0x3d: {  	_ =	shalt  }
0x3e: {  	_ =	shalt  }
0x3f: {  	_ =	shalt  }
0x40: {  	_ =	shalt  }
0x41: {  	_ =	shalt  }
0x42: {  	_ =	shalt  }
0x43: {  	_ =	shalt  }
0x44: {  	_ =	shalt  }
0x45: {  	_ =	shalt  }
0x46: {  	_ =	shalt  }
0x47: {  	_ =	shalt  }
0x48: {  	_ =	shalt  }
0x49: {  	_ =	shalt  }
0x4a: {  	_ =	shalt  }
0x4b: {  	_ =	shalt  }
0x4c: {  	_ =	shalt  }
0x4d: {  	_ =	shalt  }
0x4e: {  	_ =	shalt  }
0x4f: {  	_ =	shalt  }
0x50: {  	_ =	shalt  }
0x51: {  	_ =	shalt  }
0x52: {  	_ =	shalt  }
0x53: {  	_ =	shalt  }
0x54: {  	_ =	shalt  }
0x55: {  	_ =	shalt  }
0x56: {  	_ =	shalt  }
0x57: {  	_ =	shalt  }
0x58: {  	_ =	shalt  }
0x59: {  	_ =	shalt  }
0x5a: {  	_ =	shalt  }
0x5b: {  	_ =	shalt  }
0x5c: {  	_ =	shalt  }
0x5d: {  	_ =	shalt  }
0x5e: {  	_ =	shalt  }
0x5f: {  	_ =	shalt  }
0x60: {  	_ =	shalt  }
0x61: {  	_ =	shalt  }
0x62: {  	_ =	shalt  }
0x63: {  	_ =	shalt  }
0x64: {  	_ =	shalt  }
0x65: {  	_ =	shalt  }
0x66: {  	_ =	shalt  }
0x67: {  	_ =	shalt  }
0x68: {  	_ =	shalt  }
0x69: {  	_ =	shalt  }
0x6a: {  	_ =	shalt  }
0x6b: {  	_ =	shalt  }
0x6c: {  	_ =	shalt  }
0x6d: {  	_ =	shalt  }
0x6e: {  	_ =	shalt  }
0x6f: {  	_ =	shalt  }
0x70: {  	_ =	shalt  }
0x71: {  	_ =	shalt  }
0x72: {  	_ =	shalt  }
0x73: {  	_ =	shalt  }
0x74: {  	_ =	shalt  }
0x75: {  	_ =	shalt  }
0x76: {  	_ =	shalt  }
0x77: {  	_ =	shalt  }
0x78: {  	_ =	shalt  }
0x79: {  	_ =	shalt  }
0x7a: {  	_ =	shalt  }
0x7b: {  	_ =	shalt  }
0x7c: {  	_ =	shalt  }
0x7d: {  	_ =	shalt  }
0x7e: {  	_ =	shalt  }
0x7f: {  	_ =	shalt  }
0x80: {  	_ =	shalt  }
0x81: {  	_ =	shalt  }
0x82: {  	_ =	shalt  }
0x83: {  	_ =	shalt  }
0x84: {  	_ =	shalt  }
0x85: {  	_ =	shalt  }
0x86: {  	_ =	shalt  }
0x87: {  	_ =	shalt  }
.Lfunc_end0:
.L_simem_size_0:
called_computation_lowered:
.L_overlay_start_0:
0x88: {  	s2 =	sld [smem:$0x3FD9]  }
0x89: {  	s3 =	sld [smem:$0x3FFE];
	_ =	sdelay $0x1  }
0x8a: {  	s1 =	srdreg.scid  }
0x8b: {  	s0 =	sand.u32 $0x1, s1  }
0x8c: {  	s17 =	sshll.u32 s0, $0xA;
	s2 =	sadd.s32 s3, s2  }
0x8d: {  	s2 =	sadd.s32 s2, s17  }
0x8e: {  	[smem:$0x3FBD] =	sst s2  }
0x8f: {  	_ = 	snop  }
0x90: {  	s2 =	sld [smem:$0x3FD0];
	(tm) =	ssettm $0x1  }
0x91: {  	s18 =	sld [smem:$0x3FFB];
	_ =	sdelay $0x3  }
0x92: {  	_ =	strace s18  }
0x93: {  	s3 =	sld [smem:$0x3FFC];
	_ =	sdelay $0x3  }
0x94: {  	_ =	strace s3  }
0x95: {  	s3 =	sld [smem:$0x3FFD];
	_ =	sdelay $0x3  }
0x96: {  	_ =	strace s3  }
0x97: {  	_ =	strace $0x8FFFFFFF  }
0x98: {  	s19 =	sld [smem:$0x3FDB];
	_ =	sdelay $0x1  }
0x99: {  	s4 =	simm.s32 $_scs_section_size  }
0x9a: {  	s5 =	simm.s32 $_size__tile_overlayer_lowered;
	s6 =	simm.s32 $_tile_overlayer_lowered  }
0x9b: {  	s22 =	simm.s32 $0x1BFF;
	s21 =	sshll.u32 s6, $0x1;
	s3 =	sadd.s32 s4, s19  }
0x9c: {  	s7 =	simm.s32 $0x0;
	s20 =	sshll.u32 s5, $0x1;
	s5 =	sadd.s32 s21, s3  }
0x9d: {  	[timem:s7], [sflag:s22] =	dma.local [hbm:s5], s20  }
0x9e: {  	_ =	swait.ge [sflag:s22], s20  }
0x9f: {  	s4 =	ssub.s32 $0x0, s20;
	[sflag:s22] =	ssyncset.done $0x0  }
0xa0: {  	[sflag:s22] =	ssyncadd.s32 s4;
	_ =	sdelay $0x1  }
0xa1: {  	s23 =	simm.s32 $0x1B8B  }
0xa2: {  	_ =	swait.ge [sflag:s23], $0x1  }
0xa3: {  	[sflag:s23] =	ssyncset.done $0x0  }
0xa4: {  	s25 =	simm.s32 $0x1B8E;
	s24 =	sld [smem:$0x3FFE];
	[sflag:s23] =	ssyncadd.s32 $0xFFFFFFFF  }
0xa5: {  	s26 =	simm.s32 $execute0_lowered;
	[smem:$0x3FD2] =	sst s25  }
0xa6: {  	s5 =	sshll.u32 s26, $0x1;
	_ =	strace $0x80000046;
	[dreg:$0x1] =	wrdreg $0xFFFFFFFF  }
0xa7: {  	s28 =	simm.s32 $_size_execute0_lowered;
	s3 =	sadd.s32 s3, s5;
	[dreg:$0x0] =	wrdreg $0x0  }
0xa8: {  	s5 =	sshll.u32 s28, $0x1;
	[dreg:$0x2] =	wrdreg s3  }
0xa9: {  	[dreg:$0x3] =	wrdreg s5  }
0xaa: {  	[dreg:$0x4] =	wrdreg $0xC0  }
0xab: {  	_ =	task [dreg:s7], $0x5FFFF  }
0xac: {  	[dreg:$0x1] =	wrdreg $0xFFFFFFFF  }
0xad: {  	[dreg:$0x0] =	wrdreg $0x60  }
0xae: {  	[dreg:$0x2] =	wrdreg s24  }
0xaf: {  	[dreg:$0x3] =	wrdreg s2  }
0xb0: {  	[dreg:$0x4] =	wrdreg $0x50800  }
0xb1: {  	[dreg:$0x5] =	wrdreg $0x9  }
0xb2: {  	_ =	task.clear_ibuf [dreg:s7], $0x6FFFF;
	_ =	strace $0x90000046  }
0xb3: {  	s29 =	simm.s32 $0x9;
	_ =	strace $0x80000048  }
0xb4: {  	_ =	swait.ge [sflag:s29], $0x1  }
0xb5: {  	[sflag:s29] =	ssyncadd.s32 $0xFFFFFFFF  }
0xb6: {  	_ =	strace $0x90000048  }
0xb7: {  	_ =	sfence  }
0xb8: {  	s30 =	sld [smem:$0x0];
	_ =	sdelay $0x2  }
0xb9: {  	s31 =	sshll.u32 s1, $0xD;
	s1 =	sshrl.u32 s1, $0x2  }
0xba: {  	s3 =	sand.u32 $0x4000, s31;
	s1 =	sadd.s32 s1, s30  }
0xbb: {  	s0 =	sor.u32 s3, s0;
	s1 =	sshll.u32 s1, $0x11  }
0xbc: {  	s0 =	sor.u32 s1, s0  }
0xbd: {  	s0 =	sadd.s32 $0x8F2B, s0  }
0xbe: {  	[sflag:s0] =	ssyncadd.remote.s32 $0x1  }
0xbf: {  	_ =	sfence.sel $0xFFFF  }
0xc0: {  	[dreg:$0x0] =	wrdreg $0xFFFFFFFF;
	(pc) =	sbr.abs _section_cstart, $3  }
0xc1: {  	[dreg:$0x1] =	wrdreg $0xFFFFFFFF  }
0xc2: {  	_ =	task.clear_ibuf [dreg:s7], $0x2FFFF;
	_ =	strace $0x9FFFFFFF  }
0xc3: {  	(tm) =	ssettm $0x7FFFFFFF  }
tec
execute0_lowered:
.L_overlay_start_1:
0x0: {  	(tag) =	ssettag $0x1  }
0x1: {  	s6 =	rddreg [dreg:$0x0]  }
0x2: {  	s1 =	rddreg [dreg:$0x1]  }
0x3: {  	s2 =	rddreg [dreg:$0x2]  }
0x4: {  	s0 =	rddreg [dreg:$0x3];
	s3 =	simm.s32 $0x0  }
0x5: {  	s5 =	srdreg.scid;
	s4 =	stileid.u32;
	s14 =	simm.s32 $0x1400  }
0x6: {  	s17 =	simm.s32 $0x50;
	s18 =	simm.s32 $0x0;
	[smem:$0x7FF] =	sst s3  }
0x7: {  	s7 =	sadd.s32 $0x3400, s6;
	s8 =	sand.u32 $0x1, s5;
	s11 =	sshll.u32 s4, $0x1  }
0x8: {  	s5 =	sadd.s32 $0xD400, s6;
	s12 =	sshll.u32 s4, $0xA;
	s31 =	sshll.u32 s4, $0x7  }
0x9: {  	p0 =	sgt.u32 s4, $0x9;
	_ =	strace $0x80000047;
	s9 =	smul.u32 $0x2800, s8  }
0xa: {  	s10 =	sshll.u32 s8, $0x5;
	s8 =	ssub.s32 $0x2, s8;
	s16 =	sadd.s32 s12, s2  }
0xb: {  	s15 =	sshll.u32 @!p0 s4, $0x6;
	s10 =	sor.u32 s11, s10;
	s13 =	sshrl.u32 s8, $0x1  }
0xc: {  	s15 =	sor.u32 @!p0 $0x1C01, s15;
	s16 =	sshrl.u32 @!p0 s16, $0x3;
	s11 =	smul.u32 $0x1400, s10  }
0xd: {  	s9 =	sadd.s32 s9, s12;
	s10 =	smul.u32 $0x280, s10;
	s13 =	ssub.s32 s8, s13  }
0xe: {  	s8 =	sadd.s32 s5, s31;
	s12 =	simm.s32 $0x1;
	s9 =	sshrl.u32 s9, $0x3  }
0xf: {  	s9 =	sadd.s32 s9, s6;
	s30 =	sshrl.u32 s11, $0x3;
	s6 =	sadd.s32 s7, s10  }
0x10: {  	s10 =	smax.u32 s13, $0x1;
	s11 =	simm.s32 $0x2800;
	s7 =	sadd.s32 s7, s30  }
0x11: {  	v0 =	vimm.f32 $1.000000000e+00;
	s13 =	simm.s32 $0x5000;
	s9 =	sadd.s32 $0xDA00, s9;
	s7 =	sadd.s32 $0x280, s7  }
.LBB2_1:
0x12: {  	[tilespmem:s11], [sflag:$0x1] =	stream.linear.gather [hbm4b:s5+s3], $0x2800, $0x38;
	[tilespmem:$0x5300] =	vst v63  }
0x13: {  	_ =	swait.ge [sflag:s12], $0x2800  }
0x14: {  	[sflag:s12] =	ssyncset.done $0x0  }
0x15: {  	[sflag:s12] =	ssyncadd.s32 $0xFFFFD800  }
0x16: {  	[tilespmem:s13], [sflag:$0x1] =	stream.linear.gather [hbm4b:s1+s3], $0x80, $0x38;
	[tilespmem:$0x5300] =	vst v63  }
0x17: {  	_ =	swait.ge [sflag:s12], $0x80  }
0x18: {  	[sflag:s12] =	ssyncset.done $0x0  }
0x19: {  	[sflag:s12] =	ssyncadd.s32 $0xFFFFFF80  }
0x1a: {  	[tilespmem:s3], [sflag:$0x1] =	stream.linear.gather [hbm4b:s6+s3], $0x1400, $0x38;
	[tilespmem:$0x5300] =	vst v63  }
0x1b: {  	_ =	swait.ge [sflag:s12], $0x1400  }
0x1c: {  	[sflag:s12] =	ssyncset.done $0x0  }
0x1d: {  	[sflag:s12] =	ssyncadd.s32 $0xFFFFEC00  }
0x1e: {  	[tilespmem:s14], [sflag:$0x1] =	stream.linear.gather [hbm4b:s7+s3], $0x1400, $0x38;
	[tilespmem:$0x5300] =	vst v63  }
0x1f: {  	_ =	swait.ge [sflag:s12], $0x1400  }
0x20: {  	[sflag:s12] =	ssyncset.done $0x0  }
0x21: {  	s19 =	simm.s32 @!p0 $0x1;
	[sflag:s12] =	ssyncadd.s32 $0xFFFFEC00  }
0x22: {  	[spmem:s16], [sflag:s15] =	dma.local @!p0 [hbm:s8], $0x80  }
0x23: {  	_ =	swait.ge @!p0 [sflag:s19], $0x80  }
0x24: {  	[sflag:s19] =	ssyncset.done @!p0 $0x0  }
0x25: {  	[sflag:s19] =	ssyncadd.s32 @!p0 $0xFFFFFF80;
	s19 =	simm.s32 $0x1C0  }
.LBB2_2:
0x26: {  	s20 =	sshra.s32 s19, $0x2  }
0x27: {  	v1 =	vld [tilespmem:s20+$0xFFFFFF90];
	_ =	sdelay $0x7  }
0x28: {  	[tilespmem:v1+s11+$0x0] =	vst.idx.add.f32.msk $0xffff, v0  }
0x29: {  	v1 =	vld [tilespmem:s20+$0xFFFFFFA0];
	_ =	sdelay $0x7  }
0x2a: {  	[tilespmem:v1+s11+$0x0] =	vst.idx.add.f32.msk $0xffff, v0  }
0x2b: {  	v1 =	vld [tilespmem:s20+$0xFFFFFFB0];
	_ =	sdelay $0x7  }
0x2c: {  	[tilespmem:v1+s11+$0x0] =	vst.idx.add.f32.msk $0xffff, v0  }
0x2d: {  	v1 =	vld [tilespmem:s20+$0xFFFFFFC0];
	_ =	sdelay $0x7  }
0x2e: {  	[tilespmem:v1+s11+$0x0] =	vst.idx.add.f32.msk $0xffff, v0  }
0x2f: {  	v1 =	vld [tilespmem:s20+$0xFFFFFFD0];
	_ =	sdelay $0x7  }
0x30: {  	[tilespmem:v1+s11+$0x0] =	vst.idx.add.f32.msk $0xffff, v0  }
0x31: {  	v1 =	vld [tilespmem:s20+$0xFFFFFFE0];
	_ =	sdelay $0x7  }
0x32: {  	[tilespmem:v1+s11+$0x0] =	vst.idx.add.f32.msk $0xffff, v0  }
0x33: {  	v1 =	vld [tilespmem:s20+$0xFFFFFFF0];
	_ =	sdelay $0x7  }
0x34: {  	[tilespmem:v1+s11+$0x0] =	vst.idx.add.f32.msk $0xffff, v0  }
0x35: {  	v1 =	vld [tilespmem:s20+$0x0];
	_ =	sdelay $0x2  }
0x36: {  	p1 =	sne.s32 s19, $0x9FC0  }
.Ltmp0:
0x37: {  	_ = 	snop;
	(pc) =	sbr.rel @p1 .LBB2_2-.Ltmp0, $2  }
0x38: {  	_ =	sdelay $0x2  }
0x39: {  	s19 =	sadd.s32 $0x200, s19;
	[tilespmem:v1+s11+$0x0] =	vst.idx.add.f32.msk $0xffff, v0  }
0x3a: {  	[bflag:$0x0] =	sbarrier.arrive $0xFFFF  }
0x3b: {  	[spmem:s2] =	stream.indirect.scatter.add.f32 [tilespmem:s11], [sflag:$0x1], $0x80, s13, s17, $0xb8;
	[tilespmem:$0x5300] =	vst v63  }
0x3c: {  	_ =	swait.ge [sflag:s12], $0x2800  }
0x3d: {  	s18 =	sadd.s32 $0x1, s18;
	[sflag:s12] =	ssyncset.done $0x0  }
0x3e: {  	p1 =	sne.s32 s18, s10;
	[sflag:s12] =	ssyncadd.s32 $0xFFFFD800  }
.Ltmp1:
0x3f: {  	s19 =	simm.s32 @!p0 $0x1;
	[bflag:$0x0] =	sbarrier.arrive $0xFFFF;
	(pc) =	sbr.rel @p1 .LBB2_1-.Ltmp1, $4  }
0x40: {  	[hbm:s9], [sflag:s15] =	dma.local @!p0 [spmem:s16], $0x80  }
0x41: {  	_ =	swait.ge @!p0 [sflag:s19], $0x80  }
0x42: {  	[sflag:s19] =	ssyncset.done @!p0 $0x0  }
0x43: {  	[sflag:s19] =	ssyncadd.s32 @!p0 $0xFFFFFF80  }
0x44: {  	_ =	sfence.sel $0x180000  }
0x45: {  	[bflag:$0x0] =	sbarrier.arrive $0xFFFF  }
0x46: {  	p0 =	sne.s32 s4, $0x0;
	_ =	strace $0x90000047  }
0x47: {  	s0 =	sadd.s32 @!p0 $0x100000, s0;
	[bflag:$0x2] =	sbarrier.arrive $0xFFFF  }
0x48: {  	[sflag:s0] =	ssyncadd.tile.s32 @!p0 $0x1;
	_ =	shalt  }
.Lfunc_end2:
_tile_overlayer_lowered:
.L_overlay_start_2:
0x49: {  	(tag) =	ssettag $0x2  }
0x4a: {  	s0 =	rddreg [dreg:$0x0];
	s2 =	stileid.u32  }
0x4b: {  	s1 =	rddreg [dreg:$0x1];
	p0 =	sne.s32 s2, $0x0  }
0x4c: {  	s3 =	rddreg [dreg:$0x2];
	[bflag:$0x3] =	sbarrier.arrive $0xFFFF;
	s2 =	simm.s32 @!p0 $0x1C01  }
0x4d: {  	[timem:s3], [sflag:s2] =	dma.local @!p0 [hbm:s0], s1  }
0x4e: {  	s0 =	simm.s32 @!p0 $0x1  }
0x4f: {  	_ =	swait.ge @!p0 [sflag:s0], s1  }
0x50: {  	s1 =	ssub.s32 @!p0 $0x0, s1;
	[sflag:s0] =	ssyncset.done @!p0 $0x0  }
0x51: {  	[sflag:s0] =	ssyncadd.s32 @!p0 s1  }
0x52: {  	[bflag:$0x3] =	sbarrier.arrive $0xFFFF  }
0x53: {  	_ =	shalt  }

</sc_bundles>
